<compile_context>
chip_gen: v7x
topology: tpu7x:2x2x1
jax: 0.10.2.dev20260603
libtpu: 0.0.44.dev20260713+nightly
codegen_flags: <defaults>
</compile_context>

<pallas_src>
import functools

import jax
import jax.numpy as jnp
from jax import lax
from jax.experimental import pallas as pl
from jax.experimental.pallas import tpu as pltpu
from jax.experimental.pallas import tpu_sc as plsc

_N = 1000
_K = 128
_B = 16384
_NC, _NS, _L = 2, 16, 16
_NW = _NC * _NS
_BPW = _B // _NW
_ROWS = _BPW // 128
_PSTRIDE = _N * _K
_TSTRIDE = 8 * _PSTRIDE


def _gram_body(ui_ref, iu_ref, ij_ref, ji_ref, bu_ref, bi_ref, o_ref):
    dn = (((1,), (1,)), ((), ()))
    accg = lax.dot_general(ui_ref[...], iu_ref[...], dn,
                           preferred_element_type=jnp.float32)
    accg = accg + bu_ref[0][:, None] + bi_ref[0][None, :]
    accg = jnp.pad(accg, ((0, 0), (0, 24)))
    acch = lax.dot_general(ij_ref[...], ji_ref[...], dn,
                           preferred_element_type=jnp.float32)
    acch = jnp.pad(acch, ((0, 0), (0, 24)))
    for p in range(8):
        o_ref[0, p] = accg[:, 128 * p:128 * (p + 1)]
        o_ref[1, p] = acch[:, 128 * p:128 * (p + 1)]


def _gram(ui, iu, ij, ji, bu, bi):
    return pl.pallas_call(
        _gram_body,
        out_shape=jax.ShapeDtypeStruct((2, 8, _N, _K), jnp.float32),
    )(ui, iu, ij, ji, bu, bi)


_MESH = plsc.VectorSubcoreMesh(
    core_axis_name="c", subcore_axis_name="s",
    num_cores=_NC, num_subcores=_NS,
)


@functools.partial(
    pl.kernel,
    out_type=jax.ShapeDtypeStruct((_NW, _L), jnp.float32),
    mesh=_MESH,
    scratch_types=[
        pltpu.VMEM((_BPW,), jnp.int32),
        pltpu.VMEM((_BPW,), jnp.int32),
        pltpu.VMEM((_BPW,), jnp.int32),
        pltpu.VMEM((_BPW,), jnp.float32),
        pltpu.VMEM((_ROWS, 128), jnp.int32),
        pltpu.VMEM((_ROWS, 128), jnp.int32),
        pltpu.VMEM((_ROWS, 128), jnp.float32),
        pltpu.VMEM((_ROWS, 128), jnp.float32),
        pltpu.VMEM((_L,), jnp.float32),
        pltpu.SemaphoreType.DMA,
    ],
)
def _sc_loss(u_hbm, i_hbm, j_hbm, r_hbm, gh_hbm, out_hbm,
             u_v, i_v, j_v, r_v, fui_v, fij_v, g_v, h_v, acc_v, sem):
    wid = lax.axis_index("s") * _NC + lax.axis_index("c")
    base = wid * _BPW
    pltpu.sync_copy(u_hbm.at[pl.ds(base, _BPW)], u_v)
    pltpu.sync_copy(i_hbm.at[pl.ds(base, _BPW)], i_v)
    pltpu.sync_copy(j_hbm.at[pl.ds(base, _BPW)], j_v)
    pltpu.sync_copy(r_hbm.at[pl.ds(base, _BPW)], r_v)

    for g in range(_ROWS):
        for k in range(128 // _L):
            s = g * 128 + k * _L
            uu = u_v[pl.ds(s, _L)]
            ii = i_v[pl.ds(s, _L)]
            jj = j_v[pl.ds(s, _L)]
            fui_v[g, pl.ds(k * _L, _L)] = (
                (ii >> 7) * _PSTRIDE + uu * 128 + (ii & 127))
            fij_v[g, pl.ds(k * _L, _L)] = (
                _TSTRIDE + (jj >> 7) * _PSTRIDE + ii * 128 + (jj & 127))

    copies = []
    for g in range(_ROWS):
        copies.append(pltpu.async_copy(gh_hbm.at[fui_v.at[g]], g_v.at[g], sem))
        copies.append(pltpu.async_copy(gh_hbm.at[fij_v.at[g]], h_v.at[g], sem))
    for c in copies:
        c.wait()

    acc = jnp.zeros((_L,), jnp.float32)
    for g in range(_ROWS):
        for k in range(128 // _L):
            s = k * _L
            d = g_v[g, pl.ds(s, _L)] + h_v[g, pl.ds(s, _L)] \
                - r_v[pl.ds(g * 128 + s, _L)]
            acc = acc + d * d
    acc_v[...] = acc
    pltpu.sync_copy(acc_v, out_hbm.at[wid])


def kernel(sampleU, sampleI, sampleJ, sampleR, alpha, betaU, betaI,
           gammaUI, gammaIU, gammaIJ, gammaJI):
    bu = betaU.reshape(1, _N)
    bi = (betaI + alpha).reshape(1, _N)
    gh = _gram(gammaUI, gammaIU, gammaIJ, gammaJI, bu, bi).reshape(-1)
    parts = _sc_loss(sampleU, sampleI, sampleJ, sampleR, gh)
    return jnp.sum(parts) * (0.5 / _B)

# --- scband reference (transcript-rebuilt; emitter-appended) ---
"""Pipeline reference for scband-fpmc-53626961657994 (READ-ONLY COPY).

The authoritative reference and input builder live on the scoring server;
editing this copy changes nothing except your own understanding.
"""

import jax, jax.numpy as jnp
import numpy as np

N_USERS = 1000
N_ITEMS = 1000
K = 128
B = 16384
UI = 1.0
IJ = 1.0

def setup_inputs(seed: int = 0) -> dict:
    key = jax.random.key(seed)
    ks = jax.random.split(key, 12)
    return {
        'sampleU': jax.random.randint(ks[0], (B,), 0, N_USERS, dtype=jnp.int32),
        'sampleI': jax.random.randint(ks[1], (B,), 0, N_ITEMS, dtype=jnp.int32),
        'sampleJ': jax.random.randint(ks[2], (B,), 0, N_ITEMS, dtype=jnp.int32),
        'sampleR': jax.random.normal(ks[3], (B,), dtype=jnp.float32),
        'alpha': jnp.float32(0.0),
        'betaU': 0.001 * jax.random.normal(ks[4], (N_USERS,), dtype=jnp.float32),
        'betaI': 0.001 * jax.random.normal(ks[5], (N_ITEMS,), dtype=jnp.float32),
        'gammaUI': 0.001 * jax.random.normal(ks[6], (N_USERS, K), dtype=jnp.float32),
        'gammaIU': 0.001 * jax.random.normal(ks[7], (N_ITEMS, K), dtype=jnp.float32),
        'gammaIJ': 0.001 * jax.random.normal(ks[8], (N_ITEMS, K), dtype=jnp.float32),
        'gammaJI': 0.001 * jax.random.normal(ks[9], (N_ITEMS, K), dtype=jnp.float32),
    }

def reference(sampleU, sampleI, sampleJ, sampleR, alpha, betaU, betaI, gammaUI, gammaIU, gammaIJ, gammaJI):
    # predictSample
    gamma_ui = jnp.take(gammaUI, sampleU, axis=0)
    gamma_iu = jnp.take(gammaIU, sampleI, axis=0)
    gamma_ij = jnp.take(gammaIJ, sampleI, axis=0)
    gamma_ji = jnp.take(gammaJI, sampleJ, axis=0)
    beta_i = jnp.take(betaI, sampleI, axis=0)
    beta_u = jnp.take(betaU, sampleU, axis=0)
    little_bias = (beta_i + UI * beta_u
                   + UI * jnp.sum(gamma_ui * gamma_iu, axis=1)
                   + IJ * jnp.sum(gamma_ij * gamma_ji, axis=1))
    pred = alpha + little_bias
    # call: tf.nn.l2_loss(pred - r) / len(r)  == 0.5*sum((pred-r)^2)/B
    d = pred - sampleR
    loss = 0.5 * jnp.sum(d * d) / B
    return loss

if __name__ == "__main__":
    import jax
    _d = setup_inputs()
    print(jax.jit(kernel)(*tuple(_d.values())))

</pallas_src>

<mosaic_0001>
#map = affine_map<(d0, d1) -> (0)>
#map1 = affine_map<(d0, d1) -> (0, 0)>
module attributes {stable_mosaic.version = 14 : i64} {
  func.func @_sc_loss(%arg0: i32, %arg1: i32, %arg2: memref<16384xi32, #tpu.memory_space<hbm>>, %arg3: memref<16384xi32, #tpu.memory_space<hbm>>, %arg4: memref<16384xi32, #tpu.memory_space<hbm>>, %arg5: memref<16384xf32, #tpu.memory_space<hbm>>, %arg6: memref<2048000xf32, #tpu.memory_space<hbm>>, %arg7: memref<32x16xf32, #tpu.memory_space<hbm>>, %arg8: memref<512xi32, #tpu.memory_space<vmem>>, %arg9: memref<512xi32, #tpu.memory_space<vmem>>, %arg10: memref<512xi32, #tpu.memory_space<vmem>>, %arg11: memref<512xf32, #tpu.memory_space<vmem>>, %arg12: memref<4x128xi32, #tpu.memory_space<vmem>>, %arg13: memref<4x128xi32, #tpu.memory_space<vmem>>, %arg14: memref<4x128xf32, #tpu.memory_space<vmem>>, %arg15: memref<4x128xf32, #tpu.memory_space<vmem>>, %arg16: memref<16xf32, #tpu.memory_space<vmem>>, %arg17: memref<!tpu.dma_semaphore, #tpu.memory_space<semaphore_mem>>) attributes {dimension_semantics = [#tpu.dimension_semantics<core_parallel>, #tpu.dimension_semantics<subcore_parallel>], iteration_bounds = array<i64: 2, 16>, scalar_prefetch = 0 : i64, scratch_operands = 10 : i64, tpu.core_type = #tpu.core_type<sc_vector_subcore>, window_params = [{transform_indices = #map}, {transform_indices = #map}, {transform_indices = #map}, {transform_indices = #map}, {transform_indices = #map}, {transform_indices = #map1}]} {
    %mul3A = arith.constant 2 : i32
    %mul3A_0 = arith.muli %arg1, %mul3A : i32
    %add3A = arith.addi %mul3A_0, %arg0 : i32
    %mul3A_1 = arith.constant 512 : i32
    %mul3A_2 = arith.muli %add3A, %mul3A_1 : i32
    "tpu.region"() ({
      %run_scoped3A = tpu.sem_alloc : memref<!tpu.dma_semaphore, #tpu.memory_space<semaphore_mem>>
      %dma_start3A_2369 = tpu.memref_slice %arg2[%mul3A_2] : memref<16384xi32, #tpu.memory_space<hbm>> -> memref<512xi32, #tpu.memory_space<hbm>>
      %dma_start3A_2370 = tpu.memref_slice %arg2[%mul3A_2] : memref<16384xi32, #tpu.memory_space<hbm>> -> memref<512xi32, #tpu.memory_space<hbm>>
      tpu.enqueue_dma source(%dma_start3A_2370 : memref<512xi32, #tpu.memory_space<hbm>>) target(%arg8 : memref<512xi32, #tpu.memory_space<vmem>>) target_semaphore(%run_scoped3A : memref<!tpu.dma_semaphore, #tpu.memory_space<semaphore_mem>>)
      %dma_wait3A_2371 = tpu.memref_slice %arg2[%mul3A_2] : memref<16384xi32, #tpu.memory_space<hbm>> -> memref<512xi32, #tpu.memory_space<hbm>>
      %dma_wait3A_2372 = tpu.memref_slice %arg2[%mul3A_2] : memref<16384xi32, #tpu.memory_space<hbm>> -> memref<512xi32, #tpu.memory_space<hbm>>
      tpu.wait_dma2 semaphore(%run_scoped3A : memref<!tpu.dma_semaphore, #tpu.memory_space<semaphore_mem>>) src(%dma_wait3A_2372 : memref<512xi32, #tpu.memory_space<hbm>>) dst(%arg8 : memref<512xi32, #tpu.memory_space<vmem>>)
      tpu.yield
    }) : () -> ()
    "tpu.region"() ({
      %run_scoped3A = tpu.sem_alloc : memref<!tpu.dma_semaphore, #tpu.memory_space<semaphore_mem>>
      %dma_start3A_2369 = tpu.memref_slice %arg3[%mul3A_2] : memref<16384xi32, #tpu.memory_space<hbm>> -> memref<512xi32, #tpu.memory_space<hbm>>
      %dma_start3A_2370 = tpu.memref_slice %arg3[%mul3A_2] : memref<16384xi32, #tpu.memory_space<hbm>> -> memref<512xi32, #tpu.memory_space<hbm>>
      tpu.enqueue_dma source(%dma_start3A_2370 : memref<512xi32, #tpu.memory_space<hbm>>) target(%arg9 : memref<512xi32, #tpu.memory_space<vmem>>) target_semaphore(%run_scoped3A : memref<!tpu.dma_semaphore, #tpu.memory_space<semaphore_mem>>)
      %dma_wait3A_2371 = tpu.memref_slice %arg3[%mul3A_2] : memref<16384xi32, #tpu.memory_space<hbm>> -> memref<512xi32, #tpu.memory_space<hbm>>
      %dma_wait3A_2372 = tpu.memref_slice %arg3[%mul3A_2] : memref<16384xi32, #tpu.memory_space<hbm>> -> memref<512xi32, #tpu.memory_space<hbm>>
      tpu.wait_dma2 semaphore(%run_scoped3A : memref<!tpu.dma_semaphore, #tpu.memory_space<semaphore_mem>>) src(%dma_wait3A_2372 : memref<512xi32, #tpu.memory_space<hbm>>) dst(%arg9 : memref<512xi32, #tpu.memory_space<vmem>>)
      tpu.yield
    }) : () -> ()
    "tpu.region"() ({
      %run_scoped3A = tpu.sem_alloc : memref<!tpu.dma_semaphore, #tpu.memory_space<semaphore_mem>>
      %dma_start3A_2369 = tpu.memref_slice %arg4[%mul3A_2] : memref<16384xi32, #tpu.memory_space<hbm>> -> memref<512xi32, #tpu.memory_space<hbm>>
      %dma_start3A_2370 = tpu.memref_slice %arg4[%mul3A_2] : memref<16384xi32, #tpu.memory_space<hbm>> -> memref<512xi32, #tpu.memory_space<hbm>>
      tpu.enqueue_dma source(%dma_start3A_2370 : memref<512xi32, #tpu.memory_space<hbm>>) target(%arg10 : memref<512xi32, #tpu.memory_space<vmem>>) target_semaphore(%run_scoped3A : memref<!tpu.dma_semaphore, #tpu.memory_space<semaphore_mem>>)
      %dma_wait3A_2371 = tpu.memref_slice %arg4[%mul3A_2] : memref<16384xi32, #tpu.memory_space<hbm>> -> memref<512xi32, #tpu.memory_space<hbm>>
      %dma_wait3A_2372 = tpu.memref_slice %arg4[%mul3A_2] : memref<16384xi32, #tpu.memory_space<hbm>> -> memref<512xi32, #tpu.memory_space<hbm>>
      tpu.wait_dma2 semaphore(%run_scoped3A : memref<!tpu.dma_semaphore, #tpu.memory_space<semaphore_mem>>) src(%dma_wait3A_2372 : memref<512xi32, #tpu.memory_space<hbm>>) dst(%arg10 : memref<512xi32, #tpu.memory_space<vmem>>)
      tpu.yield
    }) : () -> ()
    "tpu.region"() ({
      %run_scoped3A = tpu.sem_alloc : memref<!tpu.dma_semaphore, #tpu.memory_space<semaphore_mem>>
      %dma_start3A_2369 = tpu.memref_slice %arg5[%mul3A_2] : memref<16384xf32, #tpu.memory_space<hbm>> -> memref<512xf32, #tpu.memory_space<hbm>>
      %dma_start3A_2370 = tpu.memref_slice %arg5[%mul3A_2] : memref<16384xf32, #tpu.memory_space<hbm>> -> memref<512xf32, #tpu.memory_space<hbm>>
      tpu.enqueue_dma source(%dma_start3A_2370 : memref<512xf32, #tpu.memory_space<hbm>>) target(%arg11 : memref<512xf32, #tpu.memory_space<vmem>>) target_semaphore(%run_scoped3A : memref<!tpu.dma_semaphore, #tpu.memory_space<semaphore_mem>>)
      %dma_wait3A_2371 = tpu.memref_slice %arg5[%mul3A_2] : memref<16384xf32, #tpu.memory_space<hbm>> -> memref<512xf32, #tpu.memory_space<hbm>>
      %dma_wait3A_2372 = tpu.memref_slice %arg5[%mul3A_2] : memref<16384xf32, #tpu.memory_space<hbm>> -> memref<512xf32, #tpu.memory_space<hbm>>
      tpu.wait_dma2 semaphore(%run_scoped3A : memref<!tpu.dma_semaphore, #tpu.memory_space<semaphore_mem>>) src(%dma_wait3A_2372 : memref<512xf32, #tpu.memory_space<hbm>>) dst(%arg11 : memref<512xf32, #tpu.memory_space<vmem>>)
      tpu.yield
    }) : () -> ()
    %get3A = arith.constant 0 : index
    %get3A_3 = tpu.vector_load %arg8[%get3A] {strides = array<i32>} : memref<512xi32, #tpu.memory_space<vmem>>, vector<16xi32>,
    %get3A_4 = vector.shape_cast %get3A_3 : vector<16xi32> to vector<16xi32>
    %get3A_5 = arith.constant 0 : index
    %get3A_6 = tpu.vector_load %arg9[%get3A_5] {strides = array<i32>} : memref<512xi32, #tpu.memory_space<vmem>>, vector<16xi32>,
    %get3A_7 = vector.shape_cast %get3A_6 : vector<16xi32> to vector<16xi32>
    %get3A_8 = arith.constant 0 : index
    %get3A_9 = tpu.vector_load %arg10[%get3A_8] {strides = array<i32>} : memref<512xi32, #tpu.memory_space<vmem>>, vector<16xi32>,
    %get3A_10 = vector.shape_cast %get3A_9 : vector<16xi32> to vector<16xi32>
    %shift_right_arithmetic3A = arith.constant 7 : i32
    %shift_right_arithmetic3A_11 = vector.broadcast %shift_right_arithmetic3A : i32 to vector<16xi32>
    %shift_right_arithmetic3A_12 = arith.shrsi %get3A_7, %shift_right_arithmetic3A_11 : vector<16xi32>
    %mul3A_13 = arith.constant 128000 : i32
    %mul3A_14 = vector.broadcast %mul3A_13 : i32 to vector<16xi32>
    %mul3A_15 = arith.muli %shift_right_arithmetic3A_12, %mul3A_14 : vector<16xi32>
    %mul3A_16 = arith.constant 128 : i32
    %mul3A_17 = vector.broadcast %mul3A_16 : i32 to vector<16xi32>
    %mul3A_18 = arith.muli %get3A_4, %mul3A_17 : vector<16xi32>
    %add3A_19 = arith.addi %mul3A_15, %mul3A_18 : vector<16xi32>
    %and3A = arith.constant 127 : i32
    %and3A_20 = vector.broadcast %and3A : i32 to vector<16xi32>
    %and3A_21 = arith.andi %get3A_7, %and3A_20 : vector<16xi32>
    %add3A_22 = arith.addi %add3A_19, %and3A_21 : vector<16xi32>
    %swap3A = arith.constant 0 : i32
    %swap3A_23 = arith.index_cast %swap3A : i32 to index
    %swap3A_24 = arith.constant 0 : index
    %swap3A_25 = tpu.vector_load %arg12[%swap3A_23, %swap3A_24] {strides = array<i32>} : memref<4x128xi32, #tpu.memory_space<vmem>>, vector<1x16xi32>,
    %swap3A_26 = vector.shape_cast %swap3A_25 : vector<1x16xi32> to vector<16xi32>
    %swap3A_27 = vector.shape_cast %add3A_22 : vector<16xi32> to vector<1x16xi32>
    tpu.vector_store %arg12[%swap3A_23, %swap3A_24], %swap3A_27 {strides = array<i32>} : memref<4x128xi32, #tpu.memory_space<vmem>>, vector<1x16xi32>,
    %shift_right_arithmetic3A_28 = arith.constant 7 : i32
    %shift_right_arithmetic3A_29 = vector.broadcast %shift_right_arithmetic3A_28 : i32 to vector<16xi32>
    %shift_right_arithmetic3A_30 = arith.shrsi %get3A_10, %shift_right_arithmetic3A_29 : vector<16xi32>
    %mul3A_31 = arith.constant 128000 : i32
    %mul3A_32 = vector.broadcast %mul3A_31 : i32 to vector<16xi32>
    %mul3A_33 = arith.muli %shift_right_arithmetic3A_30, %mul3A_32 : vector<16xi32>
    %add3A_34 = arith.constant 1024000 : i32
    %add3A_35 = vector.broadcast %add3A_34 : i32 to vector<16xi32>
    %add3A_36 = arith.addi %add3A_35, %mul3A_33 : vector<16xi32>
    %mul3A_37 = arith.constant 128 : i32
    %mul3A_38 = vector.broadcast %mul3A_37 : i32 to vector<16xi32>
    %mul3A_39 = arith.muli %get3A_7, %mul3A_38 : vector<16xi32>
    %add3A_40 = arith.addi %add3A_36, %mul3A_39 : vector<16xi32>
    %and3A_41 = arith.constant 127 : i32
    %and3A_42 = vector.broadcast %and3A_41 : i32 to vector<16xi32>
    %and3A_43 = arith.andi %get3A_10, %and3A_42 : vector<16xi32>
    %add3A_44 = arith.addi %add3A_40, %and3A_43 : vector<16xi32>
    %swap3A_45 = arith.constant 0 : i32
    %swap3A_46 = arith.index_cast %swap3A_45 : i32 to index
    %swap3A_47 = arith.constant 0 : index
    %swap3A_48 = tpu.vector_load %arg13[%swap3A_46, %swap3A_47] {strides = array<i32>} : memref<4x128xi32, #tpu.memory_space<vmem>>, vector<1x16xi32>,
    %swap3A_49 = vector.shape_cast %swap3A_48 : vector<1x16xi32> to vector<16xi32>
    %swap3A_50 = vector.shape_cast %add3A_44 : vector<16xi32> to vector<1x16xi32>
    tpu.vector_store %arg13[%swap3A_46, %swap3A_47], %swap3A_50 {strides = array<i32>} : memref<4x128xi32, #tpu.memory_space<vmem>>, vector<1x16xi32>,
    %get3A_51 = arith.constant 16 : index
    %get3A_52 = tpu.vector_load %arg8[%get3A_51] {strides = array<i32>} : memref<512xi32, #tpu.memory_space<vmem>>, vector<16xi32>,
    %get3A_53 = vector.shape_cast %get3A_52 : vector<16xi32> to vector<16xi32>
    %get3A_54 = arith.constant 16 : index
    %get3A_55 = tpu.vector_load %arg9[%get3A_54] {strides = array<i32>} : memref<512xi32, #tpu.memory_space<vmem>>, vector<16xi32>,
    %get3A_56 = vector.shape_cast %get3A_55 : vector<16xi32> to vector<16xi32>
    %get3A_57 = arith.constant 16 : index
    %get3A_58 = tpu.vector_load %arg10[%get3A_57] {strides = array<i32>} : memref<512xi32, #tpu.memory_space<vmem>>, vector<16xi32>,
    %get3A_59 = vector.shape_cast %get3A_58 : vector<16xi32> to vector<16xi32>
    %shift_right_arithmetic3A_60 = arith.constant 7 : i32
    %shift_right_arithmetic3A_61 = vector.broadcast %shift_right_arithmetic3A_60 : i32 to vector<16xi32>
    %shift_right_arithmetic3A_62 = arith.shrsi %get3A_56, %shift_right_arithmetic3A_61 : vector<16xi32>
    %mul3A_63 = arith.constant 128000 : i32
    %mul3A_64 = vector.broadcast %mul3A_63 : i32 to vector<16xi32>
    %mul3A_65 = arith.muli %shift_right_arithmetic3A_62, %mul3A_64 : vector<16xi32>
    %mul3A_66 = arith.constant 128 : i32
    %mul3A_67 = vector.broadcast %mul3A_66 : i32 to vector<16xi32>
    %mul3A_68 = arith.muli %get3A_53, %mul3A_67 : vector<16xi32>
    %add3A_69 = arith.addi %mul3A_65, %mul3A_68 : vector<16xi32>
    %and3A_70 = arith.constant 127 : i32
    %and3A_71 = vector.broadcast %and3A_70 : i32 to vector<16xi32>
    %and3A_72 = arith.andi %get3A_56, %and3A_71 : vector<16xi32>
    %add3A_73 = arith.addi %add3A_69, %and3A_72 : vector<16xi32>
    %swap3A_74 = arith.constant 0 : i32
    %swap3A_75 = arith.index_cast %swap3A_74 : i32 to index
    %swap3A_76 = arith.constant 16 : index
    %swap3A_77 = tpu.vector_load %arg12[%swap3A_75, %swap3A_76] {strides = array<i32>} : memref<4x128xi32, #tpu.memory_space<vmem>>, vector<1x16xi32>,
    %swap3A_78 = vector.shape_cast %swap3A_77 : vector<1x16xi32> to vector<16xi32>
    %swap3A_79 = vector.shape_cast %add3A_73 : vector<16xi32> to vector<1x16xi32>
    tpu.vector_store %arg12[%swap3A_75, %swap3A_76], %swap3A_79 {strides = array<i32>} : memref<4x128xi32, #tpu.memory_space<vmem>>, vector<1x16xi32>,
    %shift_right_arithmetic3A_80 = arith.constant 7 : i32
    %shift_right_arithmetic3A_81 = vector.broadcast %shift_right_arithmetic3A_80 : i32 to vector<16xi32>
    %shift_right_arithmetic3A_82 = arith.shrsi %get3A_59, %shift_right_arithmetic3A_81 : vector<16xi32>
    %mul3A_83 = arith.constant 128000 : i32
    %mul3A_84 = vector.broadcast %mul3A_83 : i32 to vector<16xi32>
    %mul3A_85 = arith.muli %shift_right_arithmetic3A_82, %mul3A_84 : vector<16xi32>
    %add3A_86 = arith.constant 1024000 : i32
    %add3A_87 = vector.broadcast %add3A_86 : i32 to vector<16xi32>
    %add3A_88 = arith.addi %add3A_87, %mul3A_85 : vector<16xi32>
    %mul3A_89 = arith.constant 128 : i32
    %mul3A_90 = vector.broadcast %mul3A_89 : i32 to vector<16xi32>
    %mul3A_91 = arith.muli %get3A_56, %mul3A_90 : vector<16xi32>
    %add3A_92 = arith.addi %add3A_88, %mul3A_91 : vector<16xi32>
    %and3A_93 = arith.constant 127 : i32
    %and3A_94 = vector.broadcast %and3A_93 : i32 to vector<16xi32>
    %and3A_95 = arith.andi %get3A_59, %and3A_94 : vector<16xi32>
    %add3A_96 = arith.addi %add3A_92, %and3A_95 : vector<16xi32>
    %swap3A_97 = arith.constant 0 : i32
    %swap3A_98 = arith.index_cast %swap3A_97 : i32 to index
    %swap3A_99 = arith.constant 16 : index
    %swap3A_100 = tpu.vector_load %arg13[%swap3A_98, %swap3A_99] {strides = array<i32>} : memref<4x128xi32, #tpu.memory_space<vmem>>, vector<1x16xi32>,
    %swap3A_101 = vector.shape_cast %swap3A_100 : vector<1x16xi32> to vector<16xi32>
    %swap3A_102 = vector.shape_cast %add3A_96 : vector<16xi32> to vector<1x16xi32>
    tpu.vector_store %arg13[%swap3A_98, %swap3A_99], %swap3A_102 {strides = array<i32>} : memref<4x128xi32, #tpu.memory_space<vmem>>, vector<1x16xi32>,
    %get3A_103 = arith.constant 32 : index
    %get3A_104 = tpu.vector_load %arg8[%get3A_103] {strides = array<i32>} : memref<512xi32, #tpu.memory_space<vmem>>, vector<16xi32>,
    %get3A_105 = vector.shape_cast %get3A_104 : vector<16xi32> to vector<16xi32>
    %get3A_106 = arith.constant 32 : index
    %get3A_107 = tpu.vector_load %arg9[%get3A_106] {strides = array<i32>} : memref<512xi32, #tpu.memory_space<vmem>>, vector<16xi32>,
    %get3A_108 = vector.shape_cast %get3A_107 : vector<16xi32> to vector<16xi32>
    %get3A_109 = arith.constant 32 : index
    %get3A_110 = tpu.vector_load %arg10[%get3A_109] {strides = array<i32>} : memref<512xi32, #tpu.memory_space<vmem>>, vector<16xi32>,
    %get3A_111 = vector.shape_cast %get3A_110 : vector<16xi32> to vector<16xi32>
    %shift_right_arithmetic3A_112 = arith.constant 7 : i32
    %shift_right_arithmetic3A_113 = vector.broadcast %shift_right_arithmetic3A_112 : i32 to vector<16xi32>
    %shift_right_arithmetic3A_114 = arith.shrsi %get3A_108, %shift_right_arithmetic3A_113 : vector<16xi32>
    %mul3A_115 = arith.constant 128000 : i32
    %mul3A_116 = vector.broadcast %mul3A_115 : i32 to vector<16xi32>
    %mul3A_117 = arith.muli %shift_right_arithmetic3A_114, %mul3A_116 : vector<16xi32>
    %mul3A_118 = arith.constant 128 : i32
    %mul3A_119 = vector.broadcast %mul3A_118 : i32 to vector<16xi32>
    %mul3A_120 = arith.muli %get3A_105, %mul3A_119 : vector<16xi32>
    %add3A_121 = arith.addi %mul3A_117, %mul3A_120 : vector<16xi32>
    %and3A_122 = arith.constant 127 : i32
    %and3A_123 = vector.broadcast %and3A_122 : i32 to vector<16xi32>
    %and3A_124 = arith.andi %get3A_108, %and3A_123 : vector<16xi32>
    %add3A_125 = arith.addi %add3A_121, %and3A_124 : vector<16xi32>
    %swap3A_126 = arith.constant 0 : i32
    %swap3A_127 = arith.index_cast %swap3A_126 : i32 to index
    %swap3A_128 = arith.constant 32 : index
    %swap3A_129 = tpu.vector_load %arg12[%swap3A_127, %swap3A_128] {strides = array<i32>} : memref<4x128xi32, #tpu.memory_space<vmem>>, vector<1x16xi32>,
    %swap3A_130 = vector.shape_cast %swap3A_129 : vector<1x16xi32> to vector<16xi32>
    %swap3A_131 = vector.shape_cast %add3A_125 : vector<16xi32> to vector<1x16xi32>
    tpu.vector_store %arg12[%swap3A_127, %swap3A_128], %swap3A_131 {strides = array<i32>} : memref<4x128xi32, #tpu.memory_space<vmem>>, vector<1x16xi32>,
    %shift_right_arithmetic3A_132 = arith.constant 7 : i32
    %shift_right_arithmetic3A_133 = vector.broadcast %shift_right_arithmetic3A_132 : i32 to vector<16xi32>
    %shift_right_arithmetic3A_134 = arith.shrsi %get3A_111, %shift_right_arithmetic3A_133 : vector<16xi32>
    %mul3A_135 = arith.constant 128000 : i32
    %mul3A_136 = vector.broadcast %mul3A_135 : i32 to vector<16xi32>
    %mul3A_137 = arith.muli %shift_right_arithmetic3A_134, %mul3A_136 : vector<16xi32>
    %add3A_138 = arith.constant 1024000 : i32
    %add3A_139 = vector.broadcast %add3A_138 : i32 to vector<16xi32>
    %add3A_140 = arith.addi %add3A_139, %mul3A_137 : vector<16xi32>
    %mul3A_141 = arith.constant 128 : i32
    %mul3A_142 = vector.broadcast %mul3A_141 : i32 to vector<16xi32>
    %mul3A_143 = arith.muli %get3A_108, %mul3A_142 : vector<16xi32>
    %add3A_144 = arith.addi %add3A_140, %mul3A_143 : vector<16xi32>
    %and3A_145 = arith.constant 127 : i32
    %and3A_146 = vector.broadcast %and3A_145 : i32 to vector<16xi32>
    %and3A_147 = arith.andi %get3A_111, %and3A_146 : vector<16xi32>
    %add3A_148 = arith.addi %add3A_144, %and3A_147 : vector<16xi32>
    %swap3A_149 = arith.constant 0 : i32
    %swap3A_150 = arith.index_cast %swap3A_149 : i32 to index
    %swap3A_151 = arith.constant 32 : index
    %swap3A_152 = tpu.vector_load %arg13[%swap3A_150, %swap3A_151] {strides = array<i32>} : memref<4x128xi32, #tpu.memory_space<vmem>>, vector<1x16xi32>,
    %swap3A_153 = vector.shape_cast %swap3A_152 : vector<1x16xi32> to vector<16xi32>
    %swap3A_154 = vector.shape_cast %add3A_148 : vector<16xi32> to vector<1x16xi32>
    tpu.vector_store %arg13[%swap3A_150, %swap3A_151], %swap3A_154 {strides = array<i32>} : memref<4x128xi32, #tpu.memory_space<vmem>>, vector<1x16xi32>,
    %get3A_155 = arith.constant 48 : index
    %get3A_156 = tpu.vector_load %arg8[%get3A_155] {strides = array<i32>} : memref<512xi32, #tpu.memory_space<vmem>>, vector<16xi32>,
    %get3A_157 = vector.shape_cast %get3A_156 : vector<16xi32> to vector<16xi32>
    %get3A_158 = arith.constant 48 : index
    %get3A_159 = tpu.vector_load %arg9[%get3A_158] {strides = array<i32>} : memref<512xi32, #tpu.memory_space<vmem>>, vector<16xi32>,
    %get3A_160 = vector.shape_cast %get3A_159 : vector<16xi32> to vector<16xi32>
    %get3A_161 = arith.constant 48 : index
    %get3A_162 = tpu.vector_load %arg10[%get3A_161] {strides = array<i32>} : memref<512xi32, #tpu.memory_space<vmem>>, vector<16xi32>,
    %get3A_163 = vector.shape_cast %get3A_162 : vector<16xi32> to vector<16xi32>
    %shift_right_arithmetic3A_164 = arith.constant 7 : i32
    %shift_right_arithmetic3A_165 = vector.broadcast %shift_right_arithmetic3A_164 : i32 to vector<16xi32>
    %shift_right_arithmetic3A_166 = arith.shrsi %get3A_160, %shift_right_arithmetic3A_165 : vector<16xi32>
    %mul3A_167 = arith.constant 128000 : i32
    %mul3A_168 = vector.broadcast %mul3A_167 : i32 to vector<16xi32>
    %mul3A_169 = arith.muli %shift_right_arithmetic3A_166, %mul3A_168 : vector<16xi32>
    %mul3A_170 = arith.constant 128 : i32
    %mul3A_171 = vector.broadcast %mul3A_170 : i32 to vector<16xi32>
    %mul3A_172 = arith.muli %get3A_157, %mul3A_171 : vector<16xi32>
    %add3A_173 = arith.addi %mul3A_169, %mul3A_172 : vector<16xi32>
    %and3A_174 = arith.constant 127 : i32
    %and3A_175 = vector.broadcast %and3A_174 : i32 to vector<16xi32>
    %and3A_176 = arith.andi %get3A_160, %and3A_175 : vector<16xi32>
    %add3A_177 = arith.addi %add3A_173, %and3A_176 : vector<16xi32>
    %swap3A_178 = arith.constant 0 : i32
    %swap3A_179 = arith.index_cast %swap3A_178 : i32 to index
    %swap3A_180 = arith.constant 48 : index
    %swap3A_181 = tpu.vector_load %arg12[%swap3A_179, %swap3A_180] {strides = array<i32>} : memref<4x128xi32, #tpu.memory_space<vmem>>, vector<1x16xi32>,
    %swap3A_182 = vector.shape_cast %swap3A_181 : vector<1x16xi32> to vector<16xi32>
    %swap3A_183 = vector.shape_cast %add3A_177 : vector<16xi32> to vector<1x16xi32>
    tpu.vector_store %arg12[%swap3A_179, %swap3A_180], %swap3A_183 {strides = array<i32>} : memref<4x128xi32, #tpu.memory_space<vmem>>, vector<1x16xi32>,
    %shift_right_arithmetic3A_184 = arith.constant 7 : i32
    %shift_right_arithmetic3A_185 = vector.broadcast %shift_right_arithmetic3A_184 : i32 to vector<16xi32>
    %shift_right_arithmetic3A_186 = arith.shrsi %get3A_163, %shift_right_arithmetic3A_185 : vector<16xi32>
    %mul3A_187 = arith.constant 128000 : i32
    %mul3A_188 = vector.broadcast %mul3A_187 : i32 to vector<16xi32>
    %mul3A_189 = arith.muli %shift_right_arithmetic3A_186, %mul3A_188 : vector<16xi32>
    %add3A_190 = arith.constant 1024000 : i32
    %add3A_191 = vector.broadcast %add3A_190 : i32 to vector<16xi32>
    %add3A_192 = arith.addi %add3A_191, %mul3A_189 : vector<16xi32>
    %mul3A_193 = arith.constant 128 : i32
    %mul3A_194 = vector.broadcast %mul3A_193 : i32 to vector<16xi32>
    %mul3A_195 = arith.muli %get3A_160, %mul3A_194 : vector<16xi32>
    %add3A_196 = arith.addi %add3A_192, %mul3A_195 : vector<16xi32>
    %and3A_197 = arith.constant 127 : i32
    %and3A_198 = vector.broadcast %and3A_197 : i32 to vector<16xi32>
    %and3A_199 = arith.andi %get3A_163, %and3A_198 : vector<16xi32>
    %add3A_200 = arith.addi %add3A_196, %and3A_199 : vector<16xi32>
    %swap3A_201 = arith.constant 0 : i32
    %swap3A_202 = arith.index_cast %swap3A_201 : i32 to index
    %swap3A_203 = arith.constant 48 : index
    %swap3A_204 = tpu.vector_load %arg13[%swap3A_202, %swap3A_203] {strides = array<i32>} : memref<4x128xi32, #tpu.memory_space<vmem>>, vector<1x16xi32>,
    %swap3A_205 = vector.shape_cast %swap3A_204 : vector<1x16xi32> to vector<16xi32>
    %swap3A_206 = vector.shape_cast %add3A_200 : vector<16xi32> to vector<1x16xi32>
    tpu.vector_store %arg13[%swap3A_202, %swap3A_203], %swap3A_206 {strides = array<i32>} : memref<4x128xi32, #tpu.memory_space<vmem>>, vector<1x16xi32>,
    %get3A_207 = arith.constant 64 : index
    %get3A_208 = tpu.vector_load %arg8[%get3A_207] {strides = array<i32>} : memref<512xi32, #tpu.memory_space<vmem>>, vector<16xi32>,
    %get3A_209 = vector.shape_cast %get3A_208 : vector<16xi32> to vector<16xi32>
    %get3A_210 = arith.constant 64 : index
    %get3A_211 = tpu.vector_load %arg9[%get3A_210] {strides = array<i32>} : memref<512xi32, #tpu.memory_space<vmem>>, vector<16xi32>,
    %get3A_212 = vector.shape_cast %get3A_211 : vector<16xi32> to vector<16xi32>
    %get3A_213 = arith.constant 64 : index
    %get3A_214 = tpu.vector_load %arg10[%get3A_213] {strides = array<i32>} : memref<512xi32, #tpu.memory_space<vmem>>, vector<16xi32>,
    %get3A_215 = vector.shape_cast %get3A_214 : vector<16xi32> to vector<16xi32>
    %shift_right_arithmetic3A_216 = arith.constant 7 : i32
    %shift_right_arithmetic3A_217 = vector.broadcast %shift_right_arithmetic3A_216 : i32 to vector<16xi32>
    %shift_right_arithmetic3A_218 = arith.shrsi %get3A_212, %shift_right_arithmetic3A_217 : vector<16xi32>
    %mul3A_219 = arith.constant 128000 : i32
    %mul3A_220 = vector.broadcast %mul3A_219 : i32 to vector<16xi32>
    %mul3A_221 = arith.muli %shift_right_arithmetic3A_218, %mul3A_220 : vector<16xi32>
    %mul3A_222 = arith.constant 128 : i32
    %mul3A_223 = vector.broadcast %mul3A_222 : i32 to vector<16xi32>
    %mul3A_224 = arith.muli %get3A_209, %mul3A_223 : vector<16xi32>
    %add3A_225 = arith.addi %mul3A_221, %mul3A_224 : vector<16xi32>
    %and3A_226 = arith.constant 127 : i32
    %and3A_227 = vector.broadcast %and3A_226 : i32 to vector<16xi32>
    %and3A_228 = arith.andi %get3A_212, %and3A_227 : vector<16xi32>
    %add3A_229 = arith.addi %add3A_225, %and3A_228 : vector<16xi32>
    %swap3A_230 = arith.constant 0 : i32
    %swap3A_231 = arith.index_cast %swap3A_230 : i32 to index
    %swap3A_232 = arith.constant 64 : index
    %swap3A_233 = tpu.vector_load %arg12[%swap3A_231, %swap3A_232] {strides = array<i32>} : memref<4x128xi32, #tpu.memory_space<vmem>>, vector<1x16xi32>,
    %swap3A_234 = vector.shape_cast %swap3A_233 : vector<1x16xi32> to vector<16xi32>
    %swap3A_235 = vector.shape_cast %add3A_229 : vector<16xi32> to vector<1x16xi32>
    tpu.vector_store %arg12[%swap3A_231, %swap3A_232], %swap3A_235 {strides = array<i32>} : memref<4x128xi32, #tpu.memory_space<vmem>>, vector<1x16xi32>,
    %shift_right_arithmetic3A_236 = arith.constant 7 : i32
    %shift_right_arithmetic3A_237 = vector.broadcast %shift_right_arithmetic3A_236 : i32 to vector<16xi32>
    %shift_right_arithmetic3A_238 = arith.shrsi %get3A_215, %shift_right_arithmetic3A_237 : vector<16xi32>
    %mul3A_239 = arith.constant 128000 : i32
    %mul3A_240 = vector.broadcast %mul3A_239 : i32 to vector<16xi32>
    %mul3A_241 = arith.muli %shift_right_arithmetic3A_238, %mul3A_240 : vector<16xi32>
    %add3A_242 = arith.constant 1024000 : i32
    %add3A_243 = vector.broadcast %add3A_242 : i32 to vector<16xi32>
    %add3A_244 = arith.addi %add3A_243, %mul3A_241 : vector<16xi32>
    %mul3A_245 = arith.constant 128 : i32
    %mul3A_246 = vector.broadcast %mul3A_245 : i32 to vector<16xi32>
    %mul3A_247 = arith.muli %get3A_212, %mul3A_246 : vector<16xi32>
    %add3A_248 = arith.addi %add3A_244, %mul3A_247 : vector<16xi32>
    %and3A_249 = arith.constant 127 : i32
    %and3A_250 = vector.broadcast %and3A_249 : i32 to vector<16xi32>
    %and3A_251 = arith.andi %get3A_215, %and3A_250 : vector<16xi32>
    %add3A_252 = arith.addi %add3A_248, %and3A_251 : vector<16xi32>
    %swap3A_253 = arith.constant 0 : i32
    %swap3A_254 = arith.index_cast %swap3A_253 : i32 to index
    %swap3A_255 = arith.constant 64 : index
    %swap3A_256 = tpu.vector_load %arg13[%swap3A_254, %swap3A_255] {strides = array<i32>} : memref<4x128xi32, #tpu.memory_space<vmem>>, vector<1x16xi32>,
    %swap3A_257 = vector.shape_cast %swap3A_256 : vector<1x16xi32> to vector<16xi32>
    %swap3A_258 = vector.shape_cast %add3A_252 : vector<16xi32> to vector<1x16xi32>
    tpu.vector_store %arg13[%swap3A_254, %swap3A_255], %swap3A_258 {strides = array<i32>} : memref<4x128xi32, #tpu.memory_space<vmem>>, vector<1x16xi32>,
    %get3A_259 = arith.constant 80 : index
    %get3A_260 = tpu.vector_load %arg8[%get3A_259] {strides = array<i32>} : memref<512xi32, #tpu.memory_space<vmem>>, vector<16xi32>,
    %get3A_261 = vector.shape_cast %get3A_260 : vector<16xi32> to vector<16xi32>
    %get3A_262 = arith.constant 80 : index
    %get3A_263 = tpu.vector_load %arg9[%get3A_262] {strides = array<i32>} : memref<512xi32, #tpu.memory_space<vmem>>, vector<16xi32>,
    %get3A_264 = vector.shape_cast %get3A_263 : vector<16xi32> to vector<16xi32>
    %get3A_265 = arith.constant 80 : index
    %get3A_266 = tpu.vector_load %arg10[%get3A_265] {strides = array<i32>} : memref<512xi32, #tpu.memory_space<vmem>>, vector<16xi32>,
    %get3A_267 = vector.shape_cast %get3A_266 : vector<16xi32> to vector<16xi32>
    %shift_right_arithmetic3A_268 = arith.constant 7 : i32
    %shift_right_arithmetic3A_269 = vector.broadcast %shift_right_arithmetic3A_268 : i32 to vector<16xi32>
    %shift_right_arithmetic3A_270 = arith.shrsi %get3A_264, %shift_right_arithmetic3A_269 : vector<16xi32>
    %mul3A_271 = arith.constant 128000 : i32
    %mul3A_272 = vector.broadcast %mul3A_271 : i32 to vector<16xi32>
    %mul3A_273 = arith.muli %shift_right_arithmetic3A_270, %mul3A_272 : vector<16xi32>
    %mul3A_274 = arith.constant 128 : i32
    %mul3A_275 = vector.broadcast %mul3A_274 : i32 to vector<16xi32>
    %mul3A_276 = arith.muli %get3A_261, %mul3A_275 : vector<16xi32>
    %add3A_277 = arith.addi %mul3A_273, %mul3A_276 : vector<16xi32>
    %and3A_278 = arith.constant 127 : i32
    %and3A_279 = vector.broadcast %and3A_278 : i32 to vector<16xi32>
    %and3A_280 = arith.andi %get3A_264, %and3A_279 : vector<16xi32>
    %add3A_281 = arith.addi %add3A_277, %and3A_280 : vector<16xi32>
    %swap3A_282 = arith.constant 0 : i32
    %swap3A_283 = arith.index_cast %swap3A_282 : i32 to index
    %swap3A_284 = arith.constant 80 : index
    %swap3A_285 = tpu.vector_load %arg12[%swap3A_283, %swap3A_284] {strides = array<i32>} : memref<4x128xi32, #tpu.memory_space<vmem>>, vector<1x16xi32>,
    %swap3A_286 = vector.shape_cast %swap3A_285 : vector<1x16xi32> to vector<16xi32>
    %swap3A_287 = vector.shape_cast %add3A_281 : vector<16xi32> to vector<1x16xi32>
    tpu.vector_store %arg12[%swap3A_283, %swap3A_284], %swap3A_287 {strides = array<i32>} : memref<4x128xi32, #tpu.memory_space<vmem>>, vector<1x16xi32>,
    %shift_right_arithmetic3A_288 = arith.constant 7 : i32
    %shift_right_arithmetic3A_289 = vector.broadcast %shift_right_arithmetic3A_288 : i32 to vector<16xi32>
    %shift_right_arithmetic3A_290 = arith.shrsi %get3A_267, %shift_right_arithmetic3A_289 : vector<16xi32>
    %mul3A_291 = arith.constant 128000 : i32
    %mul3A_292 = vector.broadcast %mul3A_291 : i32 to vector<16xi32>
    %mul3A_293 = arith.muli %shift_right_arithmetic3A_290, %mul3A_292 : vector<16xi32>
    %add3A_294 = arith.constant 1024000 : i32
    %add3A_295 = vector.broadcast %add3A_294 : i32 to vector<16xi32>
    %add3A_296 = arith.addi %add3A_295, %mul3A_293 : vector<16xi32>
    %mul3A_297 = arith.constant 128 : i32
    %mul3A_298 = vector.broadcast %mul3A_297 : i32 to vector<16xi32>
    %mul3A_299 = arith.muli %get3A_264, %mul3A_298 : vector<16xi32>
    %add3A_300 = arith.addi %add3A_296, %mul3A_299 : vector<16xi32>
    %and3A_301 = arith.constant 127 : i32
    %and3A_302 = vector.broadcast %and3A_301 : i32 to vector<16xi32>
    %and3A_303 = arith.andi %get3A_267, %and3A_302 : vector<16xi32>
    %add3A_304 = arith.addi %add3A_300, %and3A_303 : vector<16xi32>
    %swap3A_305 = arith.constant 0 : i32
    %swap3A_306 = arith.index_cast %swap3A_305 : i32 to index
    %swap3A_307 = arith.constant 80 : index
    %swap3A_308 = tpu.vector_load %arg13[%swap3A_306, %swap3A_307] {strides = array<i32>} : memref<4x128xi32, #tpu.memory_space<vmem>>, vector<1x16xi32>,
    %swap3A_309 = vector.shape_cast %swap3A_308 : vector<1x16xi32> to vector<16xi32>
    %swap3A_310 = vector.shape_cast %add3A_304 : vector<16xi32> to vector<1x16xi32>
    tpu.vector_store %arg13[%swap3A_306, %swap3A_307], %swap3A_310 {strides = array<i32>} : memref<4x128xi32, #tpu.memory_space<vmem>>, vector<1x16xi32>,
    %get3A_311 = arith.constant 96 : index
    %get3A_312 = tpu.vector_load %arg8[%get3A_311] {strides = array<i32>} : memref<512xi32, #tpu.memory_space<vmem>>, vector<16xi32>,
    %get3A_313 = vector.shape_cast %get3A_312 : vector<16xi32> to vector<16xi32>
    %get3A_314 = arith.constant 96 : index
    %get3A_315 = tpu.vector_load %arg9[%get3A_314] {strides = array<i32>} : memref<512xi32, #tpu.memory_space<vmem>>, vector<16xi32>,
    %get3A_316 = vector.shape_cast %get3A_315 : vector<16xi32> to vector<16xi32>
    %get3A_317 = arith.constant 96 : index
    %get3A_318 = tpu.vector_load %arg10[%get3A_317] {strides = array<i32>} : memref<512xi32, #tpu.memory_space<vmem>>, vector<16xi32>,
    %get3A_319 = vector.shape_cast %get3A_318 : vector<16xi32> to vector<16xi32>
    %shift_right_arithmetic3A_320 = arith.constant 7 : i32
    %shift_right_arithmetic3A_321 = vector.broadcast %shift_right_arithmetic3A_320 : i32 to vector<16xi32>
    %shift_right_arithmetic3A_322 = arith.shrsi %get3A_316, %shift_right_arithmetic3A_321 : vector<16xi32>
    %mul3A_323 = arith.constant 128000 : i32
    %mul3A_324 = vector.broadcast %mul3A_323 : i32 to vector<16xi32>
    %mul3A_325 = arith.muli %shift_right_arithmetic3A_322, %mul3A_324 : vector<16xi32>
    %mul3A_326 = arith.constant 128 : i32
    %mul3A_327 = vector.broadcast %mul3A_326 : i32 to vector<16xi32>
    %mul3A_328 = arith.muli %get3A_313, %mul3A_327 : vector<16xi32>
    %add3A_329 = arith.addi %mul3A_325, %mul3A_328 : vector<16xi32>
    %and3A_330 = arith.constant 127 : i32
    %and3A_331 = vector.broadcast %and3A_330 : i32 to vector<16xi32>
    %and3A_332 = arith.andi %get3A_316, %and3A_331 : vector<16xi32>
    %add3A_333 = arith.addi %add3A_329, %and3A_332 : vector<16xi32>
    %swap3A_334 = arith.constant 0 : i32
    %swap3A_335 = arith.index_cast %swap3A_334 : i32 to index
    %swap3A_336 = arith.constant 96 : index
    %swap3A_337 = tpu.vector_load %arg12[%swap3A_335, %swap3A_336] {strides = array<i32>} : memref<4x128xi32, #tpu.memory_space<vmem>>, vector<1x16xi32>,
    %swap3A_338 = vector.shape_cast %swap3A_337 : vector<1x16xi32> to vector<16xi32>
    %swap3A_339 = vector.shape_cast %add3A_333 : vector<16xi32> to vector<1x16xi32>
    tpu.vector_store %arg12[%swap3A_335, %swap3A_336], %swap3A_339 {strides = array<i32>} : memref<4x128xi32, #tpu.memory_space<vmem>>, vector<1x16xi32>,
    %shift_right_arithmetic3A_340 = arith.constant 7 : i32
    %shift_right_arithmetic3A_341 = vector.broadcast %shift_right_arithmetic3A_340 : i32 to vector<16xi32>
    %shift_right_arithmetic3A_342 = arith.shrsi %get3A_319, %shift_right_arithmetic3A_341 : vector<16xi32>
    %mul3A_343 = arith.constant 128000 : i32
    %mul3A_344 = vector.broadcast %mul3A_343 : i32 to vector<16xi32>
    %mul3A_345 = arith.muli %shift_right_arithmetic3A_342, %mul3A_344 : vector<16xi32>
    %add3A_346 = arith.constant 1024000 : i32
    %add3A_347 = vector.broadcast %add3A_346 : i32 to vector<16xi32>
    %add3A_348 = arith.addi %add3A_347, %mul3A_345 : vector<16xi32>
    %mul3A_349 = arith.constant 128 : i32
    %mul3A_350 = vector.broadcast %mul3A_349 : i32 to vector<16xi32>
    %mul3A_351 = arith.muli %get3A_316, %mul3A_350 : vector<16xi32>
    %add3A_352 = arith.addi %add3A_348, %mul3A_351 : vector<16xi32>
    %and3A_353 = arith.constant 127 : i32
    %and3A_354 = vector.broadcast %and3A_353 : i32 to vector<16xi32>
    %and3A_355 = arith.andi %get3A_319, %and3A_354 : vector<16xi32>
    %add3A_356 = arith.addi %add3A_352, %and3A_355 : vector<16xi32>
    %swap3A_357 = arith.constant 0 : i32
    %swap3A_358 = arith.index_cast %swap3A_357 : i32 to index
    %swap3A_359 = arith.constant 96 : index
    %swap3A_360 = tpu.vector_load %arg13[%swap3A_358, %swap3A_359] {strides = array<i32>} : memref<4x128xi32, #tpu.memory_space<vmem>>, vector<1x16xi32>,
    %swap3A_361 = vector.shape_cast %swap3A_360 : vector<1x16xi32> to vector<16xi32>
    %swap3A_362 = vector.shape_cast %add3A_356 : vector<16xi32> to vector<1x16xi32>
    tpu.vector_store %arg13[%swap3A_358, %swap3A_359], %swap3A_362 {strides = array<i32>} : memref<4x128xi32, #tpu.memory_space<vmem>>, vector<1x16xi32>,
    %get3A_363 = arith.constant 112 : index
    %get3A_364 = tpu.vector_load %arg8[%get3A_363] {strides = array<i32>} : memref<512xi32, #tpu.memory_space<vmem>>, vector<16xi32>,
    %get3A_365 = vector.shape_cast %get3A_364 : vector<16xi32> to vector<16xi32>
    %get3A_366 = arith.constant 112 : index
    %get3A_367 = tpu.vector_load %arg9[%get3A_366] {strides = array<i32>} : memref<512xi32, #tpu.memory_space<vmem>>, vector<16xi32>,
    %get3A_368 = vector.shape_cast %get3A_367 : vector<16xi32> to vector<16xi32>
    %get3A_369 = arith.constant 112 : index
    %get3A_370 = tpu.vector_load %arg10[%get3A_369] {strides = array<i32>} : memref<512xi32, #tpu.memory_space<vmem>>, vector<16xi32>,
    %get3A_371 = vector.shape_cast %get3A_370 : vector<16xi32> to vector<16xi32>
    %shift_right_arithmetic3A_372 = arith.constant 7 : i32
    %shift_right_arithmetic3A_373 = vector.broadcast %shift_right_arithmetic3A_372 : i32 to vector<16xi32>
    %shift_right_arithmetic3A_374 = arith.shrsi %get3A_368, %shift_right_arithmetic3A_373 : vector<16xi32>
    %mul3A_375 = arith.constant 128000 : i32
    %mul3A_376 = vector.broadcast %mul3A_375 : i32 to vector<16xi32>
    %mul3A_377 = arith.muli %shift_right_arithmetic3A_374, %mul3A_376 : vector<16xi32>
    %mul3A_378 = arith.constant 128 : i32
    %mul3A_379 = vector.broadcast %mul3A_378 : i32 to vector<16xi32>
    %mul3A_380 = arith.muli %get3A_365, %mul3A_379 : vector<16xi32>
    %add3A_381 = arith.addi %mul3A_377, %mul3A_380 : vector<16xi32>
    %and3A_382 = arith.constant 127 : i32
    %and3A_383 = vector.broadcast %and3A_382 : i32 to vector<16xi32>
    %and3A_384 = arith.andi %get3A_368, %and3A_383 : vector<16xi32>
    %add3A_385 = arith.addi %add3A_381, %and3A_384 : vector<16xi32>
    %swap3A_386 = arith.constant 0 : i32
    %swap3A_387 = arith.index_cast %swap3A_386 : i32 to index
    %swap3A_388 = arith.constant 112 : index
    %swap3A_389 = tpu.vector_load %arg12[%swap3A_387, %swap3A_388] {strides = array<i32>} : memref<4x128xi32, #tpu.memory_space<vmem>>, vector<1x16xi32>,
    %swap3A_390 = vector.shape_cast %swap3A_389 : vector<1x16xi32> to vector<16xi32>
    %swap3A_391 = vector.shape_cast %add3A_385 : vector<16xi32> to vector<1x16xi32>
    tpu.vector_store %arg12[%swap3A_387, %swap3A_388], %swap3A_391 {strides = array<i32>} : memref<4x128xi32, #tpu.memory_space<vmem>>, vector<1x16xi32>,
    %shift_right_arithmetic3A_392 = arith.constant 7 : i32
    %shift_right_arithmetic3A_393 = vector.broadcast %shift_right_arithmetic3A_392 : i32 to vector<16xi32>
    %shift_right_arithmetic3A_394 = arith.shrsi %get3A_371, %shift_right_arithmetic3A_393 : vector<16xi32>
    %mul3A_395 = arith.constant 128000 : i32
    %mul3A_396 = vector.broadcast %mul3A_395 : i32 to vector<16xi32>
    %mul3A_397 = arith.muli %shift_right_arithmetic3A_394, %mul3A_396 : vector<16xi32>
    %add3A_398 = arith.constant 1024000 : i32
    %add3A_399 = vector.broadcast %add3A_398 : i32 to vector<16xi32>
    %add3A_400 = arith.addi %add3A_399, %mul3A_397 : vector<16xi32>
    %mul3A_401 = arith.constant 128 : i32
    %mul3A_402 = vector.broadcast %mul3A_401 : i32 to vector<16xi32>
    %mul3A_403 = arith.muli %get3A_368, %mul3A_402 : vector<16xi32>
    %add3A_404 = arith.addi %add3A_400, %mul3A_403 : vector<16xi32>
    %and3A_405 = arith.constant 127 : i32
    %and3A_406 = vector.broadcast %and3A_405 : i32 to vector<16xi32>
    %and3A_407 = arith.andi %get3A_371, %and3A_406 : vector<16xi32>
    %add3A_408 = arith.addi %add3A_404, %and3A_407 : vector<16xi32>
    %swap3A_409 = arith.constant 0 : i32
    %swap3A_410 = arith.index_cast %swap3A_409 : i32 to index
    %swap3A_411 = arith.constant 112 : index
    %swap3A_412 = tpu.vector_load %arg13[%swap3A_410, %swap3A_411] {strides = array<i32>} : memref<4x128xi32, #tpu.memory_space<vmem>>, vector<1x16xi32>,
    %swap3A_413 = vector.shape_cast %swap3A_412 : vector<1x16xi32> to vector<16xi32>
    %swap3A_414 = vector.shape_cast %add3A_408 : vector<16xi32> to vector<1x16xi32>
    tpu.vector_store %arg13[%swap3A_410, %swap3A_411], %swap3A_414 {strides = array<i32>} : memref<4x128xi32, #tpu.memory_space<vmem>>, vector<1x16xi32>,
    %get3A_415 = arith.constant 128 : index
    %get3A_416 = tpu.vector_load %arg8[%get3A_415] {strides = array<i32>} : memref<512xi32, #tpu.memory_space<vmem>>, vector<16xi32>,
    %get3A_417 = vector.shape_cast %get3A_416 : vector<16xi32> to vector<16xi32>
    %get3A_418 = arith.constant 128 : index
    %get3A_419 = tpu.vector_load %arg9[%get3A_418] {strides = array<i32>} : memref<512xi32, #tpu.memory_space<vmem>>, vector<16xi32>,
    %get3A_420 = vector.shape_cast %get3A_419 : vector<16xi32> to vector<16xi32>
    %get3A_421 = arith.constant 128 : index
    %get3A_422 = tpu.vector_load %arg10[%get3A_421] {strides = array<i32>} : memref<512xi32, #tpu.memory_space<vmem>>, vector<16xi32>,
    %get3A_423 = vector.shape_cast %get3A_422 : vector<16xi32> to vector<16xi32>
    %shift_right_arithmetic3A_424 = arith.constant 7 : i32
    %shift_right_arithmetic3A_425 = vector.broadcast %shift_right_arithmetic3A_424 : i32 to vector<16xi32>
    %shift_right_arithmetic3A_426 = arith.shrsi %get3A_420, %shift_right_arithmetic3A_425 : vector<16xi32>
    %mul3A_427 = arith.constant 128000 : i32
    %mul3A_428 = vector.broadcast %mul3A_427 : i32 to vector<16xi32>
    %mul3A_429 = arith.muli %shift_right_arithmetic3A_426, %mul3A_428 : vector<16xi32>
    %mul3A_430 = arith.constant 128 : i32
    %mul3A_431 = vector.broadcast %mul3A_430 : i32 to vector<16xi32>
    %mul3A_432 = arith.muli %get3A_417, %mul3A_431 : vector<16xi32>
    %add3A_433 = arith.addi %mul3A_429, %mul3A_432 : vector<16xi32>
    %and3A_434 = arith.constant 127 : i32
    %and3A_435 = vector.broadcast %and3A_434 : i32 to vector<16xi32>
    %and3A_436 = arith.andi %get3A_420, %and3A_435 : vector<16xi32>
    %add3A_437 = arith.addi %add3A_433, %and3A_436 : vector<16xi32>
    %swap3A_438 = arith.constant 1 : i32
    %swap3A_439 = arith.index_cast %swap3A_438 : i32 to index
    %swap3A_440 = arith.constant 0 : index
    %swap3A_441 = tpu.vector_load %arg12[%swap3A_439, %swap3A_440] {strides = array<i32>} : memref<4x128xi32, #tpu.memory_space<vmem>>, vector<1x16xi32>,
    %swap3A_442 = vector.shape_cast %swap3A_441 : vector<1x16xi32> to vector<16xi32>
    %swap3A_443 = vector.shape_cast %add3A_437 : vector<16xi32> to vector<1x16xi32>
    tpu.vector_store %arg12[%swap3A_439, %swap3A_440], %swap3A_443 {strides = array<i32>} : memref<4x128xi32, #tpu.memory_space<vmem>>, vector<1x16xi32>,
    %shift_right_arithmetic3A_444 = arith.constant 7 : i32
    %shift_right_arithmetic3A_445 = vector.broadcast %shift_right_arithmetic3A_444 : i32 to vector<16xi32>
    %shift_right_arithmetic3A_446 = arith.shrsi %get3A_423, %shift_right_arithmetic3A_445 : vector<16xi32>
    %mul3A_447 = arith.constant 128000 : i32
    %mul3A_448 = vector.broadcast %mul3A_447 : i32 to vector<16xi32>
    %mul3A_449 = arith.muli %shift_right_arithmetic3A_446, %mul3A_448 : vector<16xi32>
    %add3A_450 = arith.constant 1024000 : i32
    %add3A_451 = vector.broadcast %add3A_450 : i32 to vector<16xi32>
    %add3A_452 = arith.addi %add3A_451, %mul3A_449 : vector<16xi32>
    %mul3A_453 = arith.constant 128 : i32
    %mul3A_454 = vector.broadcast %mul3A_453 : i32 to vector<16xi32>
    %mul3A_455 = arith.muli %get3A_420, %mul3A_454 : vector<16xi32>
    %add3A_456 = arith.addi %add3A_452, %mul3A_455 : vector<16xi32>
    %and3A_457 = arith.constant 127 : i32
    %and3A_458 = vector.broadcast %and3A_457 : i32 to vector<16xi32>
    %and3A_459 = arith.andi %get3A_423, %and3A_458 : vector<16xi32>
    %add3A_460 = arith.addi %add3A_456, %and3A_459 : vector<16xi32>
    %swap3A_461 = arith.constant 1 : i32
    %swap3A_462 = arith.index_cast %swap3A_461 : i32 to index
    %swap3A_463 = arith.constant 0 : index
    %swap3A_464 = tpu.vector_load %arg13[%swap3A_462, %swap3A_463] {strides = array<i32>} : memref<4x128xi32, #tpu.memory_space<vmem>>, vector<1x16xi32>,
    %swap3A_465 = vector.shape_cast %swap3A_464 : vector<1x16xi32> to vector<16xi32>
    %swap3A_466 = vector.shape_cast %add3A_460 : vector<16xi32> to vector<1x16xi32>
    tpu.vector_store %arg13[%swap3A_462, %swap3A_463], %swap3A_466 {strides = array<i32>} : memref<4x128xi32, #tpu.memory_space<vmem>>, vector<1x16xi32>,
    %get3A_467 = arith.constant 144 : index
    %get3A_468 = tpu.vector_load %arg8[%get3A_467] {strides = array<i32>} : memref<512xi32, #tpu.memory_space<vmem>>, vector<16xi32>,
    %get3A_469 = vector.shape_cast %get3A_468 : vector<16xi32> to vector<16xi32>
    %get3A_470 = arith.constant 144 : index
    %get3A_471 = tpu.vector_load %arg9[%get3A_470] {strides = array<i32>} : memref<512xi32, #tpu.memory_space<vmem>>, vector<16xi32>,
    %get3A_472 = vector.shape_cast %get3A_471 : vector<16xi32> to vector<16xi32>
    %get3A_473 = arith.constant 144 : index
    %get3A_474 = tpu.vector_load %arg10[%get3A_473] {strides = array<i32>} : memref<512xi32, #tpu.memory_space<vmem>>, vector<16xi32>,
    %get3A_475 = vector.shape_cast %get3A_474 : vector<16xi32> to vector<16xi32>
    %shift_right_arithmetic3A_476 = arith.constant 7 : i32
    %shift_right_arithmetic3A_477 = vector.broadcast %shift_right_arithmetic3A_476 : i32 to vector<16xi32>
    %shift_right_arithmetic3A_478 = arith.shrsi %get3A_472, %shift_right_arithmetic3A_477 : vector<16xi32>
    %mul3A_479 = arith.constant 128000 : i32
    %mul3A_480 = vector.broadcast %mul3A_479 : i32 to vector<16xi32>
    %mul3A_481 = arith.muli %shift_right_arithmetic3A_478, %mul3A_480 : vector<16xi32>
    %mul3A_482 = arith.constant 128 : i32
    %mul3A_483 = vector.broadcast %mul3A_482 : i32 to vector<16xi32>
    %mul3A_484 = arith.muli %get3A_469, %mul3A_483 : vector<16xi32>
    %add3A_485 = arith.addi %mul3A_481, %mul3A_484 : vector<16xi32>
    %and3A_486 = arith.constant 127 : i32
    %and3A_487 = vector.broadcast %and3A_486 : i32 to vector<16xi32>
    %and3A_488 = arith.andi %get3A_472, %and3A_487 : vector<16xi32>
    %add3A_489 = arith.addi %add3A_485, %and3A_488 : vector<16xi32>
    %swap3A_490 = arith.constant 1 : i32
    %swap3A_491 = arith.index_cast %swap3A_490 : i32 to index
    %swap3A_492 = arith.constant 16 : index
    %swap3A_493 = tpu.vector_load %arg12[%swap3A_491, %swap3A_492] {strides = array<i32>} : memref<4x128xi32, #tpu.memory_space<vmem>>, vector<1x16xi32>,
    %swap3A_494 = vector.shape_cast %swap3A_493 : vector<1x16xi32> to vector<16xi32>
    %swap3A_495 = vector.shape_cast %add3A_489 : vector<16xi32> to vector<1x16xi32>
    tpu.vector_store %arg12[%swap3A_491, %swap3A_492], %swap3A_495 {strides = array<i32>} : memref<4x128xi32, #tpu.memory_space<vmem>>, vector<1x16xi32>,
    %shift_right_arithmetic3A_496 = arith.constant 7 : i32
    %shift_right_arithmetic3A_497 = vector.broadcast %shift_right_arithmetic3A_496 : i32 to vector<16xi32>
    %shift_right_arithmetic3A_498 = arith.shrsi %get3A_475, %shift_right_arithmetic3A_497 : vector<16xi32>
    %mul3A_499 = arith.constant 128000 : i32
    %mul3A_500 = vector.broadcast %mul3A_499 : i32 to vector<16xi32>
    %mul3A_501 = arith.muli %shift_right_arithmetic3A_498, %mul3A_500 : vector<16xi32>
    %add3A_502 = arith.constant 1024000 : i32
    %add3A_503 = vector.broadcast %add3A_502 : i32 to vector<16xi32>
    %add3A_504 = arith.addi %add3A_503, %mul3A_501 : vector<16xi32>
    %mul3A_505 = arith.constant 128 : i32
    %mul3A_506 = vector.broadcast %mul3A_505 : i32 to vector<16xi32>
    %mul3A_507 = arith.muli %get3A_472, %mul3A_506 : vector<16xi32>
    %add3A_508 = arith.addi %add3A_504, %mul3A_507 : vector<16xi32>
    %and3A_509 = arith.constant 127 : i32
    %and3A_510 = vector.broadcast %and3A_509 : i32 to vector<16xi32>
    %and3A_511 = arith.andi %get3A_475, %and3A_510 : vector<16xi32>
    %add3A_512 = arith.addi %add3A_508, %and3A_511 : vector<16xi32>
    %swap3A_513 = arith.constant 1 : i32
    %swap3A_514 = arith.index_cast %swap3A_513 : i32 to index
    %swap3A_515 = arith.constant 16 : index
    %swap3A_516 = tpu.vector_load %arg13[%swap3A_514, %swap3A_515] {strides = array<i32>} : memref<4x128xi32, #tpu.memory_space<vmem>>, vector<1x16xi32>,
    %swap3A_517 = vector.shape_cast %swap3A_516 : vector<1x16xi32> to vector<16xi32>
    %swap3A_518 = vector.shape_cast %add3A_512 : vector<16xi32> to vector<1x16xi32>
    tpu.vector_store %arg13[%swap3A_514, %swap3A_515], %swap3A_518 {strides = array<i32>} : memref<4x128xi32, #tpu.memory_space<vmem>>, vector<1x16xi32>,
    %get3A_519 = arith.constant 160 : index
    %get3A_520 = tpu.vector_load %arg8[%get3A_519] {strides = array<i32>} : memref<512xi32, #tpu.memory_space<vmem>>, vector<16xi32>,
    %get3A_521 = vector.shape_cast %get3A_520 : vector<16xi32> to vector<16xi32>
    %get3A_522 = arith.constant 160 : index
    %get3A_523 = tpu.vector_load %arg9[%get3A_522] {strides = array<i32>} : memref<512xi32, #tpu.memory_space<vmem>>, vector<16xi32>,
    %get3A_524 = vector.shape_cast %get3A_523 : vector<16xi32> to vector<16xi32>
    %get3A_525 = arith.constant 160 : index
    %get3A_526 = tpu.vector_load %arg10[%get3A_525] {strides = array<i32>} : memref<512xi32, #tpu.memory_space<vmem>>, vector<16xi32>,
    %get3A_527 = vector.shape_cast %get3A_526 : vector<16xi32> to vector<16xi32>
    %shift_right_arithmetic3A_528 = arith.constant 7 : i32
    %shift_right_arithmetic3A_529 = vector.broadcast %shift_right_arithmetic3A_528 : i32 to vector<16xi32>
    %shift_right_arithmetic3A_530 = arith.shrsi %get3A_524, %shift_right_arithmetic3A_529 : vector<16xi32>
    %mul3A_531 = arith.constant 128000 : i32
    %mul3A_532 = vector.broadcast %mul3A_531 : i32 to vector<16xi32>
    %mul3A_533 = arith.muli %shift_right_arithmetic3A_530, %mul3A_532 : vector<16xi32>
    %mul3A_534 = arith.constant 128 : i32
    %mul3A_535 = vector.broadcast %mul3A_534 : i32 to vector<16xi32>
    %mul3A_536 = arith.muli %get3A_521, %mul3A_535 : vector<16xi32>
    %add3A_537 = arith.addi %mul3A_533, %mul3A_536 : vector<16xi32>
    %and3A_538 = arith.constant 127 : i32
    %and3A_539 = vector.broadcast %and3A_538 : i32 to vector<16xi32>
    %and3A_540 = arith.andi %get3A_524, %and3A_539 : vector<16xi32>
    %add3A_541 = arith.addi %add3A_537, %and3A_540 : vector<16xi32>
    %swap3A_542 = arith.constant 1 : i32
    %swap3A_543 = arith.index_cast %swap3A_542 : i32 to index
    %swap3A_544 = arith.constant 32 : index
    %swap3A_545 = tpu.vector_load %arg12[%swap3A_543, %swap3A_544] {strides = array<i32>} : memref<4x128xi32, #tpu.memory_space<vmem>>, vector<1x16xi32>,
    %swap3A_546 = vector.shape_cast %swap3A_545 : vector<1x16xi32> to vector<16xi32>
    %swap3A_547 = vector.shape_cast %add3A_541 : vector<16xi32> to vector<1x16xi32>
    tpu.vector_store %arg12[%swap3A_543, %swap3A_544], %swap3A_547 {strides = array<i32>} : memref<4x128xi32, #tpu.memory_space<vmem>>, vector<1x16xi32>,
    %shift_right_arithmetic3A_548 = arith.constant 7 : i32
    %shift_right_arithmetic3A_549 = vector.broadcast %shift_right_arithmetic3A_548 : i32 to vector<16xi32>
    %shift_right_arithmetic3A_550 = arith.shrsi %get3A_527, %shift_right_arithmetic3A_549 : vector<16xi32>
    %mul3A_551 = arith.constant 128000 : i32
    %mul3A_552 = vector.broadcast %mul3A_551 : i32 to vector<16xi32>
    %mul3A_553 = arith.muli %shift_right_arithmetic3A_550, %mul3A_552 : vector<16xi32>
    %add3A_554 = arith.constant 1024000 : i32
    %add3A_555 = vector.broadcast %add3A_554 : i32 to vector<16xi32>
    %add3A_556 = arith.addi %add3A_555, %mul3A_553 : vector<16xi32>
    %mul3A_557 = arith.constant 128 : i32
    %mul3A_558 = vector.broadcast %mul3A_557 : i32 to vector<16xi32>
    %mul3A_559 = arith.muli %get3A_524, %mul3A_558 : vector<16xi32>
    %add3A_560 = arith.addi %add3A_556, %mul3A_559 : vector<16xi32>
    %and3A_561 = arith.constant 127 : i32
    %and3A_562 = vector.broadcast %and3A_561 : i32 to vector<16xi32>
    %and3A_563 = arith.andi %get3A_527, %and3A_562 : vector<16xi32>
    %add3A_564 = arith.addi %add3A_560, %and3A_563 : vector<16xi32>
    %swap3A_565 = arith.constant 1 : i32
    %swap3A_566 = arith.index_cast %swap3A_565 : i32 to index
    %swap3A_567 = arith.constant 32 : index
    %swap3A_568 = tpu.vector_load %arg13[%swap3A_566, %swap3A_567] {strides = array<i32>} : memref<4x128xi32, #tpu.memory_space<vmem>>, vector<1x16xi32>,
    %swap3A_569 = vector.shape_cast %swap3A_568 : vector<1x16xi32> to vector<16xi32>
    %swap3A_570 = vector.shape_cast %add3A_564 : vector<16xi32> to vector<1x16xi32>
    tpu.vector_store %arg13[%swap3A_566, %swap3A_567], %swap3A_570 {strides = array<i32>} : memref<4x128xi32, #tpu.memory_space<vmem>>, vector<1x16xi32>,
    %get3A_571 = arith.constant 176 : index
    %get3A_572 = tpu.vector_load %arg8[%get3A_571] {strides = array<i32>} : memref<512xi32, #tpu.memory_space<vmem>>, vector<16xi32>,
    %get3A_573 = vector.shape_cast %get3A_572 : vector<16xi32> to vector<16xi32>
    %get3A_574 = arith.constant 176 : index
    %get3A_575 = tpu.vector_load %arg9[%get3A_574] {strides = array<i32>} : memref<512xi32, #tpu.memory_space<vmem>>, vector<16xi32>,
    %get3A_576 = vector.shape_cast %get3A_575 : vector<16xi32> to vector<16xi32>
    %get3A_577 = arith.constant 176 : index
    %get3A_578 = tpu.vector_load %arg10[%get3A_577] {strides = array<i32>} : memref<512xi32, #tpu.memory_space<vmem>>, vector<16xi32>,
    %get3A_579 = vector.shape_cast %get3A_578 : vector<16xi32> to vector<16xi32>
    %shift_right_arithmetic3A_580 = arith.constant 7 : i32
    %shift_right_arithmetic3A_581 = vector.broadcast %shift_right_arithmetic3A_580 : i32 to vector<16xi32>
    %shift_right_arithmetic3A_582 = arith.shrsi %get3A_576, %shift_right_arithmetic3A_581 : vector<16xi32>
    %mul3A_583 = arith.constant 128000 : i32
    %mul3A_584 = vector.broadcast %mul3A_583 : i32 to vector<16xi32>
    %mul3A_585 = arith.muli %shift_right_arithmetic3A_582, %mul3A_584 : vector<16xi32>
    %mul3A_586 = arith.constant 128 : i32
    %mul3A_587 = vector.broadcast %mul3A_586 : i32 to vector<16xi32>
    %mul3A_588 = arith.muli %get3A_573, %mul3A_587 : vector<16xi32>
    %add3A_589 = arith.addi %mul3A_585, %mul3A_588 : vector<16xi32>
    %and3A_590 = arith.constant 127 : i32
    %and3A_591 = vector.broadcast %and3A_590 : i32 to vector<16xi32>
    %and3A_592 = arith.andi %get3A_576, %and3A_591 : vector<16xi32>
    %add3A_593 = arith.addi %add3A_589, %and3A_592 : vector<16xi32>
    %swap3A_594 = arith.constant 1 : i32
    %swap3A_595 = arith.index_cast %swap3A_594 : i32 to index
    %swap3A_596 = arith.constant 48 : index
    %swap3A_597 = tpu.vector_load %arg12[%swap3A_595, %swap3A_596] {strides = array<i32>} : memref<4x128xi32, #tpu.memory_space<vmem>>, vector<1x16xi32>,
    %swap3A_598 = vector.shape_cast %swap3A_597 : vector<1x16xi32> to vector<16xi32>
    %swap3A_599 = vector.shape_cast %add3A_593 : vector<16xi32> to vector<1x16xi32>
    tpu.vector_store %arg12[%swap3A_595, %swap3A_596], %swap3A_599 {strides = array<i32>} : memref<4x128xi32, #tpu.memory_space<vmem>>, vector<1x16xi32>,
    %shift_right_arithmetic3A_600 = arith.constant 7 : i32
    %shift_right_arithmetic3A_601 = vector.broadcast %shift_right_arithmetic3A_600 : i32 to vector<16xi32>
    %shift_right_arithmetic3A_602 = arith.shrsi %get3A_579, %shift_right_arithmetic3A_601 : vector<16xi32>
    %mul3A_603 = arith.constant 128000 : i32
    %mul3A_604 = vector.broadcast %mul3A_603 : i32 to vector<16xi32>
    %mul3A_605 = arith.muli %shift_right_arithmetic3A_602, %mul3A_604 : vector<16xi32>
    %add3A_606 = arith.constant 1024000 : i32
    %add3A_607 = vector.broadcast %add3A_606 : i32 to vector<16xi32>
    %add3A_608 = arith.addi %add3A_607, %mul3A_605 : vector<16xi32>
    %mul3A_609 = arith.constant 128 : i32
    %mul3A_610 = vector.broadcast %mul3A_609 : i32 to vector<16xi32>
    %mul3A_611 = arith.muli %get3A_576, %mul3A_610 : vector<16xi32>
    %add3A_612 = arith.addi %add3A_608, %mul3A_611 : vector<16xi32>
    %and3A_613 = arith.constant 127 : i32
    %and3A_614 = vector.broadcast %and3A_613 : i32 to vector<16xi32>
    %and3A_615 = arith.andi %get3A_579, %and3A_614 : vector<16xi32>
    %add3A_616 = arith.addi %add3A_612, %and3A_615 : vector<16xi32>
    %swap3A_617 = arith.constant 1 : i32
    %swap3A_618 = arith.index_cast %swap3A_617 : i32 to index
    %swap3A_619 = arith.constant 48 : index
    %swap3A_620 = tpu.vector_load %arg13[%swap3A_618, %swap3A_619] {strides = array<i32>} : memref<4x128xi32, #tpu.memory_space<vmem>>, vector<1x16xi32>,
    %swap3A_621 = vector.shape_cast %swap3A_620 : vector<1x16xi32> to vector<16xi32>
    %swap3A_622 = vector.shape_cast %add3A_616 : vector<16xi32> to vector<1x16xi32>
    tpu.vector_store %arg13[%swap3A_618, %swap3A_619], %swap3A_622 {strides = array<i32>} : memref<4x128xi32, #tpu.memory_space<vmem>>, vector<1x16xi32>,
    %get3A_623 = arith.constant 192 : index
    %get3A_624 = tpu.vector_load %arg8[%get3A_623] {strides = array<i32>} : memref<512xi32, #tpu.memory_space<vmem>>, vector<16xi32>,
    %get3A_625 = vector.shape_cast %get3A_624 : vector<16xi32> to vector<16xi32>
    %get3A_626 = arith.constant 192 : index
    %get3A_627 = tpu.vector_load %arg9[%get3A_626] {strides = array<i32>} : memref<512xi32, #tpu.memory_space<vmem>>, vector<16xi32>,
    %get3A_628 = vector.shape_cast %get3A_627 : vector<16xi32> to vector<16xi32>
    %get3A_629 = arith.constant 192 : index
    %get3A_630 = tpu.vector_load %arg10[%get3A_629] {strides = array<i32>} : memref<512xi32, #tpu.memory_space<vmem>>, vector<16xi32>,
    %get3A_631 = vector.shape_cast %get3A_630 : vector<16xi32> to vector<16xi32>
    %shift_right_arithmetic3A_632 = arith.constant 7 : i32
    %shift_right_arithmetic3A_633 = vector.broadcast %shift_right_arithmetic3A_632 : i32 to vector<16xi32>
    %shift_right_arithmetic3A_634 = arith.shrsi %get3A_628, %shift_right_arithmetic3A_633 : vector<16xi32>
    %mul3A_635 = arith.constant 128000 : i32
    %mul3A_636 = vector.broadcast %mul3A_635 : i32 to vector<16xi32>
    %mul3A_637 = arith.muli %shift_right_arithmetic3A_634, %mul3A_636 : vector<16xi32>
    %mul3A_638 = arith.constant 128 : i32
    %mul3A_639 = vector.broadcast %mul3A_638 : i32 to vector<16xi32>
    %mul3A_640 = arith.muli %get3A_625, %mul3A_639 : vector<16xi32>
    %add3A_641 = arith.addi %mul3A_637, %mul3A_640 : vector<16xi32>
    %and3A_642 = arith.constant 127 : i32
    %and3A_643 = vector.broadcast %and3A_642 : i32 to vector<16xi32>
    %and3A_644 = arith.andi %get3A_628, %and3A_643 : vector<16xi32>
    %add3A_645 = arith.addi %add3A_641, %and3A_644 : vector<16xi32>
    %swap3A_646 = arith.constant 1 : i32
    %swap3A_647 = arith.index_cast %swap3A_646 : i32 to index
    %swap3A_648 = arith.constant 64 : index
    %swap3A_649 = tpu.vector_load %arg12[%swap3A_647, %swap3A_648] {strides = array<i32>} : memref<4x128xi32, #tpu.memory_space<vmem>>, vector<1x16xi32>,
    %swap3A_650 = vector.shape_cast %swap3A_649 : vector<1x16xi32> to vector<16xi32>
    %swap3A_651 = vector.shape_cast %add3A_645 : vector<16xi32> to vector<1x16xi32>
    tpu.vector_store %arg12[%swap3A_647, %swap3A_648], %swap3A_651 {strides = array<i32>} : memref<4x128xi32, #tpu.memory_space<vmem>>, vector<1x16xi32>,
    %shift_right_arithmetic3A_652 = arith.constant 7 : i32
    %shift_right_arithmetic3A_653 = vector.broadcast %shift_right_arithmetic3A_652 : i32 to vector<16xi32>
    %shift_right_arithmetic3A_654 = arith.shrsi %get3A_631, %shift_right_arithmetic3A_653 : vector<16xi32>
    %mul3A_655 = arith.constant 128000 : i32
    %mul3A_656 = vector.broadcast %mul3A_655 : i32 to vector<16xi32>
    %mul3A_657 = arith.muli %shift_right_arithmetic3A_654, %mul3A_656 : vector<16xi32>
    %add3A_658 = arith.constant 1024000 : i32
    %add3A_659 = vector.broadcast %add3A_658 : i32 to vector<16xi32>
    %add3A_660 = arith.addi %add3A_659, %mul3A_657 : vector<16xi32>
    %mul3A_661 = arith.constant 128 : i32
    %mul3A_662 = vector.broadcast %mul3A_661 : i32 to vector<16xi32>
    %mul3A_663 = arith.muli %get3A_628, %mul3A_662 : vector<16xi32>
    %add3A_664 = arith.addi %add3A_660, %mul3A_663 : vector<16xi32>
    %and3A_665 = arith.constant 127 : i32
    %and3A_666 = vector.broadcast %and3A_665 : i32 to vector<16xi32>
    %and3A_667 = arith.andi %get3A_631, %and3A_666 : vector<16xi32>
    %add3A_668 = arith.addi %add3A_664, %and3A_667 : vector<16xi32>
    %swap3A_669 = arith.constant 1 : i32
    %swap3A_670 = arith.index_cast %swap3A_669 : i32 to index
    %swap3A_671 = arith.constant 64 : index
    %swap3A_672 = tpu.vector_load %arg13[%swap3A_670, %swap3A_671] {strides = array<i32>} : memref<4x128xi32, #tpu.memory_space<vmem>>, vector<1x16xi32>,
    %swap3A_673 = vector.shape_cast %swap3A_672 : vector<1x16xi32> to vector<16xi32>
    %swap3A_674 = vector.shape_cast %add3A_668 : vector<16xi32> to vector<1x16xi32>
    tpu.vector_store %arg13[%swap3A_670, %swap3A_671], %swap3A_674 {strides = array<i32>} : memref<4x128xi32, #tpu.memory_space<vmem>>, vector<1x16xi32>,
    %get3A_675 = arith.constant 208 : index
    %get3A_676 = tpu.vector_load %arg8[%get3A_675] {strides = array<i32>} : memref<512xi32, #tpu.memory_space<vmem>>, vector<16xi32>,
    %get3A_677 = vector.shape_cast %get3A_676 : vector<16xi32> to vector<16xi32>
    %get3A_678 = arith.constant 208 : index
    %get3A_679 = tpu.vector_load %arg9[%get3A_678] {strides = array<i32>} : memref<512xi32, #tpu.memory_space<vmem>>, vector<16xi32>,
    %get3A_680 = vector.shape_cast %get3A_679 : vector<16xi32> to vector<16xi32>
    %get3A_681 = arith.constant 208 : index
    %get3A_682 = tpu.vector_load %arg10[%get3A_681] {strides = array<i32>} : memref<512xi32, #tpu.memory_space<vmem>>, vector<16xi32>,
    %get3A_683 = vector.shape_cast %get3A_682 : vector<16xi32> to vector<16xi32>
    %shift_right_arithmetic3A_684 = arith.constant 7 : i32
    %shift_right_arithmetic3A_685 = vector.broadcast %shift_right_arithmetic3A_684 : i32 to vector<16xi32>
    %shift_right_arithmetic3A_686 = arith.shrsi %get3A_680, %shift_right_arithmetic3A_685 : vector<16xi32>
    %mul3A_687 = arith.constant 128000 : i32
    %mul3A_688 = vector.broadcast %mul3A_687 : i32 to vector<16xi32>
    %mul3A_689 = arith.muli %shift_right_arithmetic3A_686, %mul3A_688 : vector<16xi32>
    %mul3A_690 = arith.constant 128 : i32
    %mul3A_691 = vector.broadcast %mul3A_690 : i32 to vector<16xi32>
    %mul3A_692 = arith.muli %get3A_677, %mul3A_691 : vector<16xi32>
    %add3A_693 = arith.addi %mul3A_689, %mul3A_692 : vector<16xi32>
    %and3A_694 = arith.constant 127 : i32
    %and3A_695 = vector.broadcast %and3A_694 : i32 to vector<16xi32>
    %and3A_696 = arith.andi %get3A_680, %and3A_695 : vector<16xi32>
    %add3A_697 = arith.addi %add3A_693, %and3A_696 : vector<16xi32>
    %swap3A_698 = arith.constant 1 : i32
    %swap3A_699 = arith.index_cast %swap3A_698 : i32 to index
    %swap3A_700 = arith.constant 80 : index
    %swap3A_701 = tpu.vector_load %arg12[%swap3A_699, %swap3A_700] {strides = array<i32>} : memref<4x128xi32, #tpu.memory_space<vmem>>, vector<1x16xi32>,
    %swap3A_702 = vector.shape_cast %swap3A_701 : vector<1x16xi32> to vector<16xi32>
    %swap3A_703 = vector.shape_cast %add3A_697 : vector<16xi32> to vector<1x16xi32>
    tpu.vector_store %arg12[%swap3A_699, %swap3A_700], %swap3A_703 {strides = array<i32>} : memref<4x128xi32, #tpu.memory_space<vmem>>, vector<1x16xi32>,
    %shift_right_arithmetic3A_704 = arith.constant 7 : i32
    %shift_right_arithmetic3A_705 = vector.broadcast %shift_right_arithmetic3A_704 : i32 to vector<16xi32>
    %shift_right_arithmetic3A_706 = arith.shrsi %get3A_683, %shift_right_arithmetic3A_705 : vector<16xi32>
    %mul3A_707 = arith.constant 128000 : i32
    %mul3A_708 = vector.broadcast %mul3A_707 : i32 to vector<16xi32>
    %mul3A_709 = arith.muli %shift_right_arithmetic3A_706, %mul3A_708 : vector<16xi32>
    %add3A_710 = arith.constant 1024000 : i32
    %add3A_711 = vector.broadcast %add3A_710 : i32 to vector<16xi32>
    %add3A_712 = arith.addi %add3A_711, %mul3A_709 : vector<16xi32>
    %mul3A_713 = arith.constant 128 : i32
    %mul3A_714 = vector.broadcast %mul3A_713 : i32 to vector<16xi32>
    %mul3A_715 = arith.muli %get3A_680, %mul3A_714 : vector<16xi32>
    %add3A_716 = arith.addi %add3A_712, %mul3A_715 : vector<16xi32>
    %and3A_717 = arith.constant 127 : i32
    %and3A_718 = vector.broadcast %and3A_717 : i32 to vector<16xi32>
    %and3A_719 = arith.andi %get3A_683, %and3A_718 : vector<16xi32>
    %add3A_720 = arith.addi %add3A_716, %and3A_719 : vector<16xi32>
    %swap3A_721 = arith.constant 1 : i32
    %swap3A_722 = arith.index_cast %swap3A_721 : i32 to index
    %swap3A_723 = arith.constant 80 : index
    %swap3A_724 = tpu.vector_load %arg13[%swap3A_722, %swap3A_723] {strides = array<i32>} : memref<4x128xi32, #tpu.memory_space<vmem>>, vector<1x16xi32>,
    %swap3A_725 = vector.shape_cast %swap3A_724 : vector<1x16xi32> to vector<16xi32>
    %swap3A_726 = vector.shape_cast %add3A_720 : vector<16xi32> to vector<1x16xi32>
    tpu.vector_store %arg13[%swap3A_722, %swap3A_723], %swap3A_726 {strides = array<i32>} : memref<4x128xi32, #tpu.memory_space<vmem>>, vector<1x16xi32>,
    %get3A_727 = arith.constant 224 : index
    %get3A_728 = tpu.vector_load %arg8[%get3A_727] {strides = array<i32>} : memref<512xi32, #tpu.memory_space<vmem>>, vector<16xi32>,
    %get3A_729 = vector.shape_cast %get3A_728 : vector<16xi32> to vector<16xi32>
    %get3A_730 = arith.constant 224 : index
    %get3A_731 = tpu.vector_load %arg9[%get3A_730] {strides = array<i32>} : memref<512xi32, #tpu.memory_space<vmem>>, vector<16xi32>,
    %get3A_732 = vector.shape_cast %get3A_731 : vector<16xi32> to vector<16xi32>
    %get3A_733 = arith.constant 224 : index
    %get3A_734 = tpu.vector_load %arg10[%get3A_733] {strides = array<i32>} : memref<512xi32, #tpu.memory_space<vmem>>, vector<16xi32>,
    %get3A_735 = vector.shape_cast %get3A_734 : vector<16xi32> to vector<16xi32>
    %shift_right_arithmetic3A_736 = arith.constant 7 : i32
    %shift_right_arithmetic3A_737 = vector.broadcast %shift_right_arithmetic3A_736 : i32 to vector<16xi32>
    %shift_right_arithmetic3A_738 = arith.shrsi %get3A_732, %shift_right_arithmetic3A_737 : vector<16xi32>
    %mul3A_739 = arith.constant 128000 : i32
    %mul3A_740 = vector.broadcast %mul3A_739 : i32 to vector<16xi32>
    %mul3A_741 = arith.muli %shift_right_arithmetic3A_738, %mul3A_740 : vector<16xi32>
    %mul3A_742 = arith.constant 128 : i32
    %mul3A_743 = vector.broadcast %mul3A_742 : i32 to vector<16xi32>
    %mul3A_744 = arith.muli %get3A_729, %mul3A_743 : vector<16xi32>
    %add3A_745 = arith.addi %mul3A_741, %mul3A_744 : vector<16xi32>
    %and3A_746 = arith.constant 127 : i32
    %and3A_747 = vector.broadcast %and3A_746 : i32 to vector<16xi32>
    %and3A_748 = arith.andi %get3A_732, %and3A_747 : vector<16xi32>
    %add3A_749 = arith.addi %add3A_745, %and3A_748 : vector<16xi32>
    %swap3A_750 = arith.constant 1 : i32
    %swap3A_751 = arith.index_cast %swap3A_750 : i32 to index
    %swap3A_752 = arith.constant 96 : index
    %swap3A_753 = tpu.vector_load %arg12[%swap3A_751, %swap3A_752] {strides = array<i32>} : memref<4x128xi32, #tpu.memory_space<vmem>>, vector<1x16xi32>,
    %swap3A_754 = vector.shape_cast %swap3A_753 : vector<1x16xi32> to vector<16xi32>
    %swap3A_755 = vector.shape_cast %add3A_749 : vector<16xi32> to vector<1x16xi32>
    tpu.vector_store %arg12[%swap3A_751, %swap3A_752], %swap3A_755 {strides = array<i32>} : memref<4x128xi32, #tpu.memory_space<vmem>>, vector<1x16xi32>,
    %shift_right_arithmetic3A_756 = arith.constant 7 : i32
    %shift_right_arithmetic3A_757 = vector.broadcast %shift_right_arithmetic3A_756 : i32 to vector<16xi32>
    %shift_right_arithmetic3A_758 = arith.shrsi %get3A_735, %shift_right_arithmetic3A_757 : vector<16xi32>
    %mul3A_759 = arith.constant 128000 : i32
    %mul3A_760 = vector.broadcast %mul3A_759 : i32 to vector<16xi32>
    %mul3A_761 = arith.muli %shift_right_arithmetic3A_758, %mul3A_760 : vector<16xi32>
    %add3A_762 = arith.constant 1024000 : i32
    %add3A_763 = vector.broadcast %add3A_762 : i32 to vector<16xi32>
    %add3A_764 = arith.addi %add3A_763, %mul3A_761 : vector<16xi32>
    %mul3A_765 = arith.constant 128 : i32
    %mul3A_766 = vector.broadcast %mul3A_765 : i32 to vector<16xi32>
    %mul3A_767 = arith.muli %get3A_732, %mul3A_766 : vector<16xi32>
    %add3A_768 = arith.addi %add3A_764, %mul3A_767 : vector<16xi32>
    %and3A_769 = arith.constant 127 : i32
    %and3A_770 = vector.broadcast %and3A_769 : i32 to vector<16xi32>
    %and3A_771 = arith.andi %get3A_735, %and3A_770 : vector<16xi32>
    %add3A_772 = arith.addi %add3A_768, %and3A_771 : vector<16xi32>
    %swap3A_773 = arith.constant 1 : i32
    %swap3A_774 = arith.index_cast %swap3A_773 : i32 to index
    %swap3A_775 = arith.constant 96 : index
    %swap3A_776 = tpu.vector_load %arg13[%swap3A_774, %swap3A_775] {strides = array<i32>} : memref<4x128xi32, #tpu.memory_space<vmem>>, vector<1x16xi32>,
    %swap3A_777 = vector.shape_cast %swap3A_776 : vector<1x16xi32> to vector<16xi32>
    %swap3A_778 = vector.shape_cast %add3A_772 : vector<16xi32> to vector<1x16xi32>
    tpu.vector_store %arg13[%swap3A_774, %swap3A_775], %swap3A_778 {strides = array<i32>} : memref<4x128xi32, #tpu.memory_space<vmem>>, vector<1x16xi32>,
    %get3A_779 = arith.constant 240 : index
    %get3A_780 = tpu.vector_load %arg8[%get3A_779] {strides = array<i32>} : memref<512xi32, #tpu.memory_space<vmem>>, vector<16xi32>,
    %get3A_781 = vector.shape_cast %get3A_780 : vector<16xi32> to vector<16xi32>
    %get3A_782 = arith.constant 240 : index
    %get3A_783 = tpu.vector_load %arg9[%get3A_782] {strides = array<i32>} : memref<512xi32, #tpu.memory_space<vmem>>, vector<16xi32>,
    %get3A_784 = vector.shape_cast %get3A_783 : vector<16xi32> to vector<16xi32>
    %get3A_785 = arith.constant 240 : index
    %get3A_786 = tpu.vector_load %arg10[%get3A_785] {strides = array<i32>} : memref<512xi32, #tpu.memory_space<vmem>>, vector<16xi32>,
    %get3A_787 = vector.shape_cast %get3A_786 : vector<16xi32> to vector<16xi32>
    %shift_right_arithmetic3A_788 = arith.constant 7 : i32
    %shift_right_arithmetic3A_789 = vector.broadcast %shift_right_arithmetic3A_788 : i32 to vector<16xi32>
    %shift_right_arithmetic3A_790 = arith.shrsi %get3A_784, %shift_right_arithmetic3A_789 : vector<16xi32>
    %mul3A_791 = arith.constant 128000 : i32
    %mul3A_792 = vector.broadcast %mul3A_791 : i32 to vector<16xi32>
    %mul3A_793 = arith.muli %shift_right_arithmetic3A_790, %mul3A_792 : vector<16xi32>
    %mul3A_794 = arith.constant 128 : i32
    %mul3A_795 = vector.broadcast %mul3A_794 : i32 to vector<16xi32>
    %mul3A_796 = arith.muli %get3A_781, %mul3A_795 : vector<16xi32>
    %add3A_797 = arith.addi %mul3A_793, %mul3A_796 : vector<16xi32>
    %and3A_798 = arith.constant 127 : i32
    %and3A_799 = vector.broadcast %and3A_798 : i32 to vector<16xi32>
    %and3A_800 = arith.andi %get3A_784, %and3A_799 : vector<16xi32>
    %add3A_801 = arith.addi %add3A_797, %and3A_800 : vector<16xi32>
    %swap3A_802 = arith.constant 1 : i32
    %swap3A_803 = arith.index_cast %swap3A_802 : i32 to index
    %swap3A_804 = arith.constant 112 : index
    %swap3A_805 = tpu.vector_load %arg12[%swap3A_803, %swap3A_804] {strides = array<i32>} : memref<4x128xi32, #tpu.memory_space<vmem>>, vector<1x16xi32>,
    %swap3A_806 = vector.shape_cast %swap3A_805 : vector<1x16xi32> to vector<16xi32>
    %swap3A_807 = vector.shape_cast %add3A_801 : vector<16xi32> to vector<1x16xi32>
    tpu.vector_store %arg12[%swap3A_803, %swap3A_804], %swap3A_807 {strides = array<i32>} : memref<4x128xi32, #tpu.memory_space<vmem>>, vector<1x16xi32>,
    %shift_right_arithmetic3A_808 = arith.constant 7 : i32
    %shift_right_arithmetic3A_809 = vector.broadcast %shift_right_arithmetic3A_808 : i32 to vector<16xi32>
    %shift_right_arithmetic3A_810 = arith.shrsi %get3A_787, %shift_right_arithmetic3A_809 : vector<16xi32>
    %mul3A_811 = arith.constant 128000 : i32
    %mul3A_812 = vector.broadcast %mul3A_811 : i32 to vector<16xi32>
    %mul3A_813 = arith.muli %shift_right_arithmetic3A_810, %mul3A_812 : vector<16xi32>
    %add3A_814 = arith.constant 1024000 : i32
    %add3A_815 = vector.broadcast %add3A_814 : i32 to vector<16xi32>
    %add3A_816 = arith.addi %add3A_815, %mul3A_813 : vector<16xi32>
    %mul3A_817 = arith.constant 128 : i32
    %mul3A_818 = vector.broadcast %mul3A_817 : i32 to vector<16xi32>
    %mul3A_819 = arith.muli %get3A_784, %mul3A_818 : vector<16xi32>
    %add3A_820 = arith.addi %add3A_816, %mul3A_819 : vector<16xi32>
    %and3A_821 = arith.constant 127 : i32
    %and3A_822 = vector.broadcast %and3A_821 : i32 to vector<16xi32>
    %and3A_823 = arith.andi %get3A_787, %and3A_822 : vector<16xi32>
    %add3A_824 = arith.addi %add3A_820, %and3A_823 : vector<16xi32>
    %swap3A_825 = arith.constant 1 : i32
    %swap3A_826 = arith.index_cast %swap3A_825 : i32 to index
    %swap3A_827 = arith.constant 112 : index
    %swap3A_828 = tpu.vector_load %arg13[%swap3A_826, %swap3A_827] {strides = array<i32>} : memref<4x128xi32, #tpu.memory_space<vmem>>, vector<1x16xi32>,
    %swap3A_829 = vector.shape_cast %swap3A_828 : vector<1x16xi32> to vector<16xi32>
    %swap3A_830 = vector.shape_cast %add3A_824 : vector<16xi32> to vector<1x16xi32>
    tpu.vector_store %arg13[%swap3A_826, %swap3A_827], %swap3A_830 {strides = array<i32>} : memref<4x128xi32, #tpu.memory_space<vmem>>, vector<1x16xi32>,
    %get3A_831 = arith.constant 256 : index
    %get3A_832 = tpu.vector_load %arg8[%get3A_831] {strides = array<i32>} : memref<512xi32, #tpu.memory_space<vmem>>, vector<16xi32>,
    %get3A_833 = vector.shape_cast %get3A_832 : vector<16xi32> to vector<16xi32>
    %get3A_834 = arith.constant 256 : index
    %get3A_835 = tpu.vector_load %arg9[%get3A_834] {strides = array<i32>} : memref<512xi32, #tpu.memory_space<vmem>>, vector<16xi32>,
    %get3A_836 = vector.shape_cast %get3A_835 : vector<16xi32> to vector<16xi32>
    %get3A_837 = arith.constant 256 : index
    %get3A_838 = tpu.vector_load %arg10[%get3A_837] {strides = array<i32>} : memref<512xi32, #tpu.memory_space<vmem>>, vector<16xi32>,
    %get3A_839 = vector.shape_cast %get3A_838 : vector<16xi32> to vector<16xi32>
    %shift_right_arithmetic3A_840 = arith.constant 7 : i32
    %shift_right_arithmetic3A_841 = vector.broadcast %shift_right_arithmetic3A_840 : i32 to vector<16xi32>
    %shift_right_arithmetic3A_842 = arith.shrsi %get3A_836, %shift_right_arithmetic3A_841 : vector<16xi32>
    %mul3A_843 = arith.constant 128000 : i32
    %mul3A_844 = vector.broadcast %mul3A_843 : i32 to vector<16xi32>
    %mul3A_845 = arith.muli %shift_right_arithmetic3A_842, %mul3A_844 : vector<16xi32>
    %mul3A_846 = arith.constant 128 : i32
    %mul3A_847 = vector.broadcast %mul3A_846 : i32 to vector<16xi32>
    %mul3A_848 = arith.muli %get3A_833, %mul3A_847 : vector<16xi32>
    %add3A_849 = arith.addi %mul3A_845, %mul3A_848 : vector<16xi32>
    %and3A_850 = arith.constant 127 : i32
    %and3A_851 = vector.broadcast %and3A_850 : i32 to vector<16xi32>
    %and3A_852 = arith.andi %get3A_836, %and3A_851 : vector<16xi32>
    %add3A_853 = arith.addi %add3A_849, %and3A_852 : vector<16xi32>
    %swap3A_854 = arith.constant 2 : i32
    %swap3A_855 = arith.index_cast %swap3A_854 : i32 to index
    %swap3A_856 = arith.constant 0 : index
    %swap3A_857 = tpu.vector_load %arg12[%swap3A_855, %swap3A_856] {strides = array<i32>} : memref<4x128xi32, #tpu.memory_space<vmem>>, vector<1x16xi32>,
    %swap3A_858 = vector.shape_cast %swap3A_857 : vector<1x16xi32> to vector<16xi32>
    %swap3A_859 = vector.shape_cast %add3A_853 : vector<16xi32> to vector<1x16xi32>
    tpu.vector_store %arg12[%swap3A_855, %swap3A_856], %swap3A_859 {strides = array<i32>} : memref<4x128xi32, #tpu.memory_space<vmem>>, vector<1x16xi32>,
    %shift_right_arithmetic3A_860 = arith.constant 7 : i32
    %shift_right_arithmetic3A_861 = vector.broadcast %shift_right_arithmetic3A_860 : i32 to vector<16xi32>
    %shift_right_arithmetic3A_862 = arith.shrsi %get3A_839, %shift_right_arithmetic3A_861 : vector<16xi32>
    %mul3A_863 = arith.constant 128000 : i32
    %mul3A_864 = vector.broadcast %mul3A_863 : i32 to vector<16xi32>
    %mul3A_865 = arith.muli %shift_right_arithmetic3A_862, %mul3A_864 : vector<16xi32>
    %add3A_866 = arith.constant 1024000 : i32
    %add3A_867 = vector.broadcast %add3A_866 : i32 to vector<16xi32>
    %add3A_868 = arith.addi %add3A_867, %mul3A_865 : vector<16xi32>
    %mul3A_869 = arith.constant 128 : i32
    %mul3A_870 = vector.broadcast %mul3A_869 : i32 to vector<16xi32>
    %mul3A_871 = arith.muli %get3A_836, %mul3A_870 : vector<16xi32>
    %add3A_872 = arith.addi %add3A_868, %mul3A_871 : vector<16xi32>
    %and3A_873 = arith.constant 127 : i32
    %and3A_874 = vector.broadcast %and3A_873 : i32 to vector<16xi32>
    %and3A_875 = arith.andi %get3A_839, %and3A_874 : vector<16xi32>
    %add3A_876 = arith.addi %add3A_872, %and3A_875 : vector<16xi32>
    %swap3A_877 = arith.constant 2 : i32
    %swap3A_878 = arith.index_cast %swap3A_877 : i32 to index
    %swap3A_879 = arith.constant 0 : index
    %swap3A_880 = tpu.vector_load %arg13[%swap3A_878, %swap3A_879] {strides = array<i32>} : memref<4x128xi32, #tpu.memory_space<vmem>>, vector<1x16xi32>,
    %swap3A_881 = vector.shape_cast %swap3A_880 : vector<1x16xi32> to vector<16xi32>
    %swap3A_882 = vector.shape_cast %add3A_876 : vector<16xi32> to vector<1x16xi32>
    tpu.vector_store %arg13[%swap3A_878, %swap3A_879], %swap3A_882 {strides = array<i32>} : memref<4x128xi32, #tpu.memory_space<vmem>>, vector<1x16xi32>,
    %get3A_883 = arith.constant 272 : index
    %get3A_884 = tpu.vector_load %arg8[%get3A_883] {strides = array<i32>} : memref<512xi32, #tpu.memory_space<vmem>>, vector<16xi32>,
    %get3A_885 = vector.shape_cast %get3A_884 : vector<16xi32> to vector<16xi32>
    %get3A_886 = arith.constant 272 : index
    %get3A_887 = tpu.vector_load %arg9[%get3A_886] {strides = array<i32>} : memref<512xi32, #tpu.memory_space<vmem>>, vector<16xi32>,
    %get3A_888 = vector.shape_cast %get3A_887 : vector<16xi32> to vector<16xi32>
    %get3A_889 = arith.constant 272 : index
    %get3A_890 = tpu.vector_load %arg10[%get3A_889] {strides = array<i32>} : memref<512xi32, #tpu.memory_space<vmem>>, vector<16xi32>,
    %get3A_891 = vector.shape_cast %get3A_890 : vector<16xi32> to vector<16xi32>
    %shift_right_arithmetic3A_892 = arith.constant 7 : i32
    %shift_right_arithmetic3A_893 = vector.broadcast %shift_right_arithmetic3A_892 : i32 to vector<16xi32>
    %shift_right_arithmetic3A_894 = arith.shrsi %get3A_888, %shift_right_arithmetic3A_893 : vector<16xi32>
    %mul3A_895 = arith.constant 128000 : i32
    %mul3A_896 = vector.broadcast %mul3A_895 : i32 to vector<16xi32>
    %mul3A_897 = arith.muli %shift_right_arithmetic3A_894, %mul3A_896 : vector<16xi32>
    %mul3A_898 = arith.constant 128 : i32
    %mul3A_899 = vector.broadcast %mul3A_898 : i32 to vector<16xi32>
    %mul3A_900 = arith.muli %get3A_885, %mul3A_899 : vector<16xi32>
    %add3A_901 = arith.addi %mul3A_897, %mul3A_900 : vector<16xi32>
    %and3A_902 = arith.constant 127 : i32
    %and3A_903 = vector.broadcast %and3A_902 : i32 to vector<16xi32>
    %and3A_904 = arith.andi %get3A_888, %and3A_903 : vector<16xi32>
    %add3A_905 = arith.addi %add3A_901, %and3A_904 : vector<16xi32>
    %swap3A_906 = arith.constant 2 : i32
    %swap3A_907 = arith.index_cast %swap3A_906 : i32 to index
    %swap3A_908 = arith.constant 16 : index
    %swap3A_909 = tpu.vector_load %arg12[%swap3A_907, %swap3A_908] {strides = array<i32>} : memref<4x128xi32, #tpu.memory_space<vmem>>, vector<1x16xi32>,
    %swap3A_910 = vector.shape_cast %swap3A_909 : vector<1x16xi32> to vector<16xi32>
    %swap3A_911 = vector.shape_cast %add3A_905 : vector<16xi32> to vector<1x16xi32>
    tpu.vector_store %arg12[%swap3A_907, %swap3A_908], %swap3A_911 {strides = array<i32>} : memref<4x128xi32, #tpu.memory_space<vmem>>, vector<1x16xi32>,
    %shift_right_arithmetic3A_912 = arith.constant 7 : i32
    %shift_right_arithmetic3A_913 = vector.broadcast %shift_right_arithmetic3A_912 : i32 to vector<16xi32>
    %shift_right_arithmetic3A_914 = arith.shrsi %get3A_891, %shift_right_arithmetic3A_913 : vector<16xi32>
    %mul3A_915 = arith.constant 128000 : i32
    %mul3A_916 = vector.broadcast %mul3A_915 : i32 to vector<16xi32>
    %mul3A_917 = arith.muli %shift_right_arithmetic3A_914, %mul3A_916 : vector<16xi32>
    %add3A_918 = arith.constant 1024000 : i32
    %add3A_919 = vector.broadcast %add3A_918 : i32 to vector<16xi32>
    %add3A_920 = arith.addi %add3A_919, %mul3A_917 : vector<16xi32>
    %mul3A_921 = arith.constant 128 : i32
    %mul3A_922 = vector.broadcast %mul3A_921 : i32 to vector<16xi32>
    %mul3A_923 = arith.muli %get3A_888, %mul3A_922 : vector<16xi32>
    %add3A_924 = arith.addi %add3A_920, %mul3A_923 : vector<16xi32>
    %and3A_925 = arith.constant 127 : i32
    %and3A_926 = vector.broadcast %and3A_925 : i32 to vector<16xi32>
    %and3A_927 = arith.andi %get3A_891, %and3A_926 : vector<16xi32>
    %add3A_928 = arith.addi %add3A_924, %and3A_927 : vector<16xi32>
    %swap3A_929 = arith.constant 2 : i32
    %swap3A_930 = arith.index_cast %swap3A_929 : i32 to index
    %swap3A_931 = arith.constant 16 : index
    %swap3A_932 = tpu.vector_load %arg13[%swap3A_930, %swap3A_931] {strides = array<i32>} : memref<4x128xi32, #tpu.memory_space<vmem>>, vector<1x16xi32>,
    %swap3A_933 = vector.shape_cast %swap3A_932 : vector<1x16xi32> to vector<16xi32>
    %swap3A_934 = vector.shape_cast %add3A_928 : vector<16xi32> to vector<1x16xi32>
    tpu.vector_store %arg13[%swap3A_930, %swap3A_931], %swap3A_934 {strides = array<i32>} : memref<4x128xi32, #tpu.memory_space<vmem>>, vector<1x16xi32>,
    %get3A_935 = arith.constant 288 : index
    %get3A_936 = tpu.vector_load %arg8[%get3A_935] {strides = array<i32>} : memref<512xi32, #tpu.memory_space<vmem>>, vector<16xi32>,
    %get3A_937 = vector.shape_cast %get3A_936 : vector<16xi32> to vector<16xi32>
    %get3A_938 = arith.constant 288 : index
    %get3A_939 = tpu.vector_load %arg9[%get3A_938] {strides = array<i32>} : memref<512xi32, #tpu.memory_space<vmem>>, vector<16xi32>,
    %get3A_940 = vector.shape_cast %get3A_939 : vector<16xi32> to vector<16xi32>
    %get3A_941 = arith.constant 288 : index
    %get3A_942 = tpu.vector_load %arg10[%get3A_941] {strides = array<i32>} : memref<512xi32, #tpu.memory_space<vmem>>, vector<16xi32>,
    %get3A_943 = vector.shape_cast %get3A_942 : vector<16xi32> to vector<16xi32>
    %shift_right_arithmetic3A_944 = arith.constant 7 : i32
    %shift_right_arithmetic3A_945 = vector.broadcast %shift_right_arithmetic3A_944 : i32 to vector<16xi32>
    %shift_right_arithmetic3A_946 = arith.shrsi %get3A_940, %shift_right_arithmetic3A_945 : vector<16xi32>
    %mul3A_947 = arith.constant 128000 : i32
    %mul3A_948 = vector.broadcast %mul3A_947 : i32 to vector<16xi32>
    %mul3A_949 = arith.muli %shift_right_arithmetic3A_946, %mul3A_948 : vector<16xi32>
    %mul3A_950 = arith.constant 128 : i32
    %mul3A_951 = vector.broadcast %mul3A_950 : i32 to vector<16xi32>
    %mul3A_952 = arith.muli %get3A_937, %mul3A_951 : vector<16xi32>
    %add3A_953 = arith.addi %mul3A_949, %mul3A_952 : vector<16xi32>
    %and3A_954 = arith.constant 127 : i32
    %and3A_955 = vector.broadcast %and3A_954 : i32 to vector<16xi32>
    %and3A_956 = arith.andi %get3A_940, %and3A_955 : vector<16xi32>
    %add3A_957 = arith.addi %add3A_953, %and3A_956 : vector<16xi32>
    %swap3A_958 = arith.constant 2 : i32
    %swap3A_959 = arith.index_cast %swap3A_958 : i32 to index
    %swap3A_960 = arith.constant 32 : index
    %swap3A_961 = tpu.vector_load %arg12[%swap3A_959, %swap3A_960] {strides = array<i32>} : memref<4x128xi32, #tpu.memory_space<vmem>>, vector<1x16xi32>,
    %swap3A_962 = vector.shape_cast %swap3A_961 : vector<1x16xi32> to vector<16xi32>
    %swap3A_963 = vector.shape_cast %add3A_957 : vector<16xi32> to vector<1x16xi32>
    tpu.vector_store %arg12[%swap3A_959, %swap3A_960], %swap3A_963 {strides = array<i32>} : memref<4x128xi32, #tpu.memory_space<vmem>>, vector<1x16xi32>,
    %shift_right_arithmetic3A_964 = arith.constant 7 : i32
    %shift_right_arithmetic3A_965 = vector.broadcast %shift_right_arithmetic3A_964 : i32 to vector<16xi32>
    %shift_right_arithmetic3A_966 = arith.shrsi %get3A_943, %shift_right_arithmetic3A_965 : vector<16xi32>
    %mul3A_967 = arith.constant 128000 : i32
    %mul3A_968 = vector.broadcast %mul3A_967 : i32 to vector<16xi32>
    %mul3A_969 = arith.muli %shift_right_arithmetic3A_966, %mul3A_968 : vector<16xi32>
    %add3A_970 = arith.constant 1024000 : i32
    %add3A_971 = vector.broadcast %add3A_970 : i32 to vector<16xi32>
    %add3A_972 = arith.addi %add3A_971, %mul3A_969 : vector<16xi32>
    %mul3A_973 = arith.constant 128 : i32
    %mul3A_974 = vector.broadcast %mul3A_973 : i32 to vector<16xi32>
    %mul3A_975 = arith.muli %get3A_940, %mul3A_974 : vector<16xi32>
    %add3A_976 = arith.addi %add3A_972, %mul3A_975 : vector<16xi32>
    %and3A_977 = arith.constant 127 : i32
    %and3A_978 = vector.broadcast %and3A_977 : i32 to vector<16xi32>
    %and3A_979 = arith.andi %get3A_943, %and3A_978 : vector<16xi32>
    %add3A_980 = arith.addi %add3A_976, %and3A_979 : vector<16xi32>
    %swap3A_981 = arith.constant 2 : i32
    %swap3A_982 = arith.index_cast %swap3A_981 : i32 to index
    %swap3A_983 = arith.constant 32 : index
    %swap3A_984 = tpu.vector_load %arg13[%swap3A_982, %swap3A_983] {strides = array<i32>} : memref<4x128xi32, #tpu.memory_space<vmem>>, vector<1x16xi32>,
    %swap3A_985 = vector.shape_cast %swap3A_984 : vector<1x16xi32> to vector<16xi32>
    %swap3A_986 = vector.shape_cast %add3A_980 : vector<16xi32> to vector<1x16xi32>
    tpu.vector_store %arg13[%swap3A_982, %swap3A_983], %swap3A_986 {strides = array<i32>} : memref<4x128xi32, #tpu.memory_space<vmem>>, vector<1x16xi32>,
    %get3A_987 = arith.constant 304 : index
    %get3A_988 = tpu.vector_load %arg8[%get3A_987] {strides = array<i32>} : memref<512xi32, #tpu.memory_space<vmem>>, vector<16xi32>,
    %get3A_989 = vector.shape_cast %get3A_988 : vector<16xi32> to vector<16xi32>
    %get3A_990 = arith.constant 304 : index
    %get3A_991 = tpu.vector_load %arg9[%get3A_990] {strides = array<i32>} : memref<512xi32, #tpu.memory_space<vmem>>, vector<16xi32>,
    %get3A_992 = vector.shape_cast %get3A_991 : vector<16xi32> to vector<16xi32>
    %get3A_993 = arith.constant 304 : index
    %get3A_994 = tpu.vector_load %arg10[%get3A_993] {strides = array<i32>} : memref<512xi32, #tpu.memory_space<vmem>>, vector<16xi32>,
    %get3A_995 = vector.shape_cast %get3A_994 : vector<16xi32> to vector<16xi32>
    %shift_right_arithmetic3A_996 = arith.constant 7 : i32
    %shift_right_arithmetic3A_997 = vector.broadcast %shift_right_arithmetic3A_996 : i32 to vector<16xi32>
    %shift_right_arithmetic3A_998 = arith.shrsi %get3A_992, %shift_right_arithmetic3A_997 : vector<16xi32>
    %mul3A_999 = arith.constant 128000 : i32
    %mul3A_1000 = vector.broadcast %mul3A_999 : i32 to vector<16xi32>
    %mul3A_1001 = arith.muli %shift_right_arithmetic3A_998, %mul3A_1000 : vector<16xi32>
    %mul3A_1002 = arith.constant 128 : i32
    %mul3A_1003 = vector.broadcast %mul3A_1002 : i32 to vector<16xi32>
    %mul3A_1004 = arith.muli %get3A_989, %mul3A_1003 : vector<16xi32>
    %add3A_1005 = arith.addi %mul3A_1001, %mul3A_1004 : vector<16xi32>
    %and3A_1006 = arith.constant 127 : i32
    %and3A_1007 = vector.broadcast %and3A_1006 : i32 to vector<16xi32>
    %and3A_1008 = arith.andi %get3A_992, %and3A_1007 : vector<16xi32>
    %add3A_1009 = arith.addi %add3A_1005, %and3A_1008 : vector<16xi32>
    %swap3A_1010 = arith.constant 2 : i32
    %swap3A_1011 = arith.index_cast %swap3A_1010 : i32 to index
    %swap3A_1012 = arith.constant 48 : index
    %swap3A_1013 = tpu.vector_load %arg12[%swap3A_1011, %swap3A_1012] {strides = array<i32>} : memref<4x128xi32, #tpu.memory_space<vmem>>, vector<1x16xi32>,
    %swap3A_1014 = vector.shape_cast %swap3A_1013 : vector<1x16xi32> to vector<16xi32>
    %swap3A_1015 = vector.shape_cast %add3A_1009 : vector<16xi32> to vector<1x16xi32>
    tpu.vector_store %arg12[%swap3A_1011, %swap3A_1012], %swap3A_1015 {strides = array<i32>} : memref<4x128xi32, #tpu.memory_space<vmem>>, vector<1x16xi32>,
    %shift_right_arithmetic3A_1016 = arith.constant 7 : i32
    %shift_right_arithmetic3A_1017 = vector.broadcast %shift_right_arithmetic3A_1016 : i32 to vector<16xi32>
    %shift_right_arithmetic3A_1018 = arith.shrsi %get3A_995, %shift_right_arithmetic3A_1017 : vector<16xi32>
    %mul3A_1019 = arith.constant 128000 : i32
    %mul3A_1020 = vector.broadcast %mul3A_1019 : i32 to vector<16xi32>
    %mul3A_1021 = arith.muli %shift_right_arithmetic3A_1018, %mul3A_1020 : vector<16xi32>
    %add3A_1022 = arith.constant 1024000 : i32
    %add3A_1023 = vector.broadcast %add3A_1022 : i32 to vector<16xi32>
    %add3A_1024 = arith.addi %add3A_1023, %mul3A_1021 : vector<16xi32>
    %mul3A_1025 = arith.constant 128 : i32
    %mul3A_1026 = vector.broadcast %mul3A_1025 : i32 to vector<16xi32>
    %mul3A_1027 = arith.muli %get3A_992, %mul3A_1026 : vector<16xi32>
    %add3A_1028 = arith.addi %add3A_1024, %mul3A_1027 : vector<16xi32>
    %and3A_1029 = arith.constant 127 : i32
    %and3A_1030 = vector.broadcast %and3A_1029 : i32 to vector<16xi32>
    %and3A_1031 = arith.andi %get3A_995, %and3A_1030 : vector<16xi32>
    %add3A_1032 = arith.addi %add3A_1028, %and3A_1031 : vector<16xi32>
    %swap3A_1033 = arith.constant 2 : i32
    %swap3A_1034 = arith.index_cast %swap3A_1033 : i32 to index
    %swap3A_1035 = arith.constant 48 : index
    %swap3A_1036 = tpu.vector_load %arg13[%swap3A_1034, %swap3A_1035] {strides = array<i32>} : memref<4x128xi32, #tpu.memory_space<vmem>>, vector<1x16xi32>,
    %swap3A_1037 = vector.shape_cast %swap3A_1036 : vector<1x16xi32> to vector<16xi32>
    %swap3A_1038 = vector.shape_cast %add3A_1032 : vector<16xi32> to vector<1x16xi32>
    tpu.vector_store %arg13[%swap3A_1034, %swap3A_1035], %swap3A_1038 {strides = array<i32>} : memref<4x128xi32, #tpu.memory_space<vmem>>, vector<1x16xi32>,
    %get3A_1039 = arith.constant 320 : index
    %get3A_1040 = tpu.vector_load %arg8[%get3A_1039] {strides = array<i32>} : memref<512xi32, #tpu.memory_space<vmem>>, vector<16xi32>,
    %get3A_1041 = vector.shape_cast %get3A_1040 : vector<16xi32> to vector<16xi32>
    %get3A_1042 = arith.constant 320 : index
    %get3A_1043 = tpu.vector_load %arg9[%get3A_1042] {strides = array<i32>} : memref<512xi32, #tpu.memory_space<vmem>>, vector<16xi32>,
    %get3A_1044 = vector.shape_cast %get3A_1043 : vector<16xi32> to vector<16xi32>
    %get3A_1045 = arith.constant 320 : index
    %get3A_1046 = tpu.vector_load %arg10[%get3A_1045] {strides = array<i32>} : memref<512xi32, #tpu.memory_space<vmem>>, vector<16xi32>,
    %get3A_1047 = vector.shape_cast %get3A_1046 : vector<16xi32> to vector<16xi32>
    %shift_right_arithmetic3A_1048 = arith.constant 7 : i32
    %shift_right_arithmetic3A_1049 = vector.broadcast %shift_right_arithmetic3A_1048 : i32 to vector<16xi32>
    %shift_right_arithmetic3A_1050 = arith.shrsi %get3A_1044, %shift_right_arithmetic3A_1049 : vector<16xi32>
    %mul3A_1051 = arith.constant 128000 : i32
    %mul3A_1052 = vector.broadcast %mul3A_1051 : i32 to vector<16xi32>
    %mul3A_1053 = arith.muli %shift_right_arithmetic3A_1050, %mul3A_1052 : vector<16xi32>
    %mul3A_1054 = arith.constant 128 : i32
    %mul3A_1055 = vector.broadcast %mul3A_1054 : i32 to vector<16xi32>
    %mul3A_1056 = arith.muli %get3A_1041, %mul3A_1055 : vector<16xi32>
    %add3A_1057 = arith.addi %mul3A_1053, %mul3A_1056 : vector<16xi32>
    %and3A_1058 = arith.constant 127 : i32
    %and3A_1059 = vector.broadcast %and3A_1058 : i32 to vector<16xi32>
    %and3A_1060 = arith.andi %get3A_1044, %and3A_1059 : vector<16xi32>
    %add3A_1061 = arith.addi %add3A_1057, %and3A_1060 : vector<16xi32>
    %swap3A_1062 = arith.constant 2 : i32
    %swap3A_1063 = arith.index_cast %swap3A_1062 : i32 to index
    %swap3A_1064 = arith.constant 64 : index
    %swap3A_1065 = tpu.vector_load %arg12[%swap3A_1063, %swap3A_1064] {strides = array<i32>} : memref<4x128xi32, #tpu.memory_space<vmem>>, vector<1x16xi32>,
    %swap3A_1066 = vector.shape_cast %swap3A_1065 : vector<1x16xi32> to vector<16xi32>
    %swap3A_1067 = vector.shape_cast %add3A_1061 : vector<16xi32> to vector<1x16xi32>
    tpu.vector_store %arg12[%swap3A_1063, %swap3A_1064], %swap3A_1067 {strides = array<i32>} : memref<4x128xi32, #tpu.memory_space<vmem>>, vector<1x16xi32>,
    %shift_right_arithmetic3A_1068 = arith.constant 7 : i32
    %shift_right_arithmetic3A_1069 = vector.broadcast %shift_right_arithmetic3A_1068 : i32 to vector<16xi32>
    %shift_right_arithmetic3A_1070 = arith.shrsi %get3A_1047, %shift_right_arithmetic3A_1069 : vector<16xi32>
    %mul3A_1071 = arith.constant 128000 : i32
    %mul3A_1072 = vector.broadcast %mul3A_1071 : i32 to vector<16xi32>
    %mul3A_1073 = arith.muli %shift_right_arithmetic3A_1070, %mul3A_1072 : vector<16xi32>
    %add3A_1074 = arith.constant 1024000 : i32
    %add3A_1075 = vector.broadcast %add3A_1074 : i32 to vector<16xi32>
    %add3A_1076 = arith.addi %add3A_1075, %mul3A_1073 : vector<16xi32>
    %mul3A_1077 = arith.constant 128 : i32
    %mul3A_1078 = vector.broadcast %mul3A_1077 : i32 to vector<16xi32>
    %mul3A_1079 = arith.muli %get3A_1044, %mul3A_1078 : vector<16xi32>
    %add3A_1080 = arith.addi %add3A_1076, %mul3A_1079 : vector<16xi32>
    %and3A_1081 = arith.constant 127 : i32
    %and3A_1082 = vector.broadcast %and3A_1081 : i32 to vector<16xi32>
    %and3A_1083 = arith.andi %get3A_1047, %and3A_1082 : vector<16xi32>
    %add3A_1084 = arith.addi %add3A_1080, %and3A_1083 : vector<16xi32>
    %swap3A_1085 = arith.constant 2 : i32
    %swap3A_1086 = arith.index_cast %swap3A_1085 : i32 to index
    %swap3A_1087 = arith.constant 64 : index
    %swap3A_1088 = tpu.vector_load %arg13[%swap3A_1086, %swap3A_1087] {strides = array<i32>} : memref<4x128xi32, #tpu.memory_space<vmem>>, vector<1x16xi32>,
    %swap3A_1089 = vector.shape_cast %swap3A_1088 : vector<1x16xi32> to vector<16xi32>
    %swap3A_1090 = vector.shape_cast %add3A_1084 : vector<16xi32> to vector<1x16xi32>
    tpu.vector_store %arg13[%swap3A_1086, %swap3A_1087], %swap3A_1090 {strides = array<i32>} : memref<4x128xi32, #tpu.memory_space<vmem>>, vector<1x16xi32>,
    %get3A_1091 = arith.constant 336 : index
    %get3A_1092 = tpu.vector_load %arg8[%get3A_1091] {strides = array<i32>} : memref<512xi32, #tpu.memory_space<vmem>>, vector<16xi32>,
    %get3A_1093 = vector.shape_cast %get3A_1092 : vector<16xi32> to vector<16xi32>
    %get3A_1094 = arith.constant 336 : index
    %get3A_1095 = tpu.vector_load %arg9[%get3A_1094] {strides = array<i32>} : memref<512xi32, #tpu.memory_space<vmem>>, vector<16xi32>,
    %get3A_1096 = vector.shape_cast %get3A_1095 : vector<16xi32> to vector<16xi32>
    %get3A_1097 = arith.constant 336 : index
    %get3A_1098 = tpu.vector_load %arg10[%get3A_1097] {strides = array<i32>} : memref<512xi32, #tpu.memory_space<vmem>>, vector<16xi32>,
    %get3A_1099 = vector.shape_cast %get3A_1098 : vector<16xi32> to vector<16xi32>
    %shift_right_arithmetic3A_1100 = arith.constant 7 : i32
    %shift_right_arithmetic3A_1101 = vector.broadcast %shift_right_arithmetic3A_1100 : i32 to vector<16xi32>
    %shift_right_arithmetic3A_1102 = arith.shrsi %get3A_1096, %shift_right_arithmetic3A_1101 : vector<16xi32>
    %mul3A_1103 = arith.constant 128000 : i32
    %mul3A_1104 = vector.broadcast %mul3A_1103 : i32 to vector<16xi32>
    %mul3A_1105 = arith.muli %shift_right_arithmetic3A_1102, %mul3A_1104 : vector<16xi32>
    %mul3A_1106 = arith.constant 128 : i32
    %mul3A_1107 = vector.broadcast %mul3A_1106 : i32 to vector<16xi32>
    %mul3A_1108 = arith.muli %get3A_1093, %mul3A_1107 : vector<16xi32>
    %add3A_1109 = arith.addi %mul3A_1105, %mul3A_1108 : vector<16xi32>
    %and3A_1110 = arith.constant 127 : i32
    %and3A_1111 = vector.broadcast %and3A_1110 : i32 to vector<16xi32>
    %and3A_1112 = arith.andi %get3A_1096, %and3A_1111 : vector<16xi32>
    %add3A_1113 = arith.addi %add3A_1109, %and3A_1112 : vector<16xi32>
    %swap3A_1114 = arith.constant 2 : i32
    %swap3A_1115 = arith.index_cast %swap3A_1114 : i32 to index
    %swap3A_1116 = arith.constant 80 : index
    %swap3A_1117 = tpu.vector_load %arg12[%swap3A_1115, %swap3A_1116] {strides = array<i32>} : memref<4x128xi32, #tpu.memory_space<vmem>>, vector<1x16xi32>,
    %swap3A_1118 = vector.shape_cast %swap3A_1117 : vector<1x16xi32> to vector<16xi32>
    %swap3A_1119 = vector.shape_cast %add3A_1113 : vector<16xi32> to vector<1x16xi32>
    tpu.vector_store %arg12[%swap3A_1115, %swap3A_1116], %swap3A_1119 {strides = array<i32>} : memref<4x128xi32, #tpu.memory_space<vmem>>, vector<1x16xi32>,
    %shift_right_arithmetic3A_1120 = arith.constant 7 : i32
    %shift_right_arithmetic3A_1121 = vector.broadcast %shift_right_arithmetic3A_1120 : i32 to vector<16xi32>
    %shift_right_arithmetic3A_1122 = arith.shrsi %get3A_1099, %shift_right_arithmetic3A_1121 : vector<16xi32>
    %mul3A_1123 = arith.constant 128000 : i32
    %mul3A_1124 = vector.broadcast %mul3A_1123 : i32 to vector<16xi32>
    %mul3A_1125 = arith.muli %shift_right_arithmetic3A_1122, %mul3A_1124 : vector<16xi32>
    %add3A_1126 = arith.constant 1024000 : i32
    %add3A_1127 = vector.broadcast %add3A_1126 : i32 to vector<16xi32>
    %add3A_1128 = arith.addi %add3A_1127, %mul3A_1125 : vector<16xi32>
    %mul3A_1129 = arith.constant 128 : i32
    %mul3A_1130 = vector.broadcast %mul3A_1129 : i32 to vector<16xi32>
    %mul3A_1131 = arith.muli %get3A_1096, %mul3A_1130 : vector<16xi32>
    %add3A_1132 = arith.addi %add3A_1128, %mul3A_1131 : vector<16xi32>
    %and3A_1133 = arith.constant 127 : i32
    %and3A_1134 = vector.broadcast %and3A_1133 : i32 to vector<16xi32>
    %and3A_1135 = arith.andi %get3A_1099, %and3A_1134 : vector<16xi32>
    %add3A_1136 = arith.addi %add3A_1132, %and3A_1135 : vector<16xi32>
    %swap3A_1137 = arith.constant 2 : i32
    %swap3A_1138 = arith.index_cast %swap3A_1137 : i32 to index
    %swap3A_1139 = arith.constant 80 : index
    %swap3A_1140 = tpu.vector_load %arg13[%swap3A_1138, %swap3A_1139] {strides = array<i32>} : memref<4x128xi32, #tpu.memory_space<vmem>>, vector<1x16xi32>,
    %swap3A_1141 = vector.shape_cast %swap3A_1140 : vector<1x16xi32> to vector<16xi32>
    %swap3A_1142 = vector.shape_cast %add3A_1136 : vector<16xi32> to vector<1x16xi32>
    tpu.vector_store %arg13[%swap3A_1138, %swap3A_1139], %swap3A_1142 {strides = array<i32>} : memref<4x128xi32, #tpu.memory_space<vmem>>, vector<1x16xi32>,
    %get3A_1143 = arith.constant 352 : index
    %get3A_1144 = tpu.vector_load %arg8[%get3A_1143] {strides = array<i32>} : memref<512xi32, #tpu.memory_space<vmem>>, vector<16xi32>,
    %get3A_1145 = vector.shape_cast %get3A_1144 : vector<16xi32> to vector<16xi32>
    %get3A_1146 = arith.constant 352 : index
    %get3A_1147 = tpu.vector_load %arg9[%get3A_1146] {strides = array<i32>} : memref<512xi32, #tpu.memory_space<vmem>>, vector<16xi32>,
    %get3A_1148 = vector.shape_cast %get3A_1147 : vector<16xi32> to vector<16xi32>
    %get3A_1149 = arith.constant 352 : index
    %get3A_1150 = tpu.vector_load %arg10[%get3A_1149] {strides = array<i32>} : memref<512xi32, #tpu.memory_space<vmem>>, vector<16xi32>,
    %get3A_1151 = vector.shape_cast %get3A_1150 : vector<16xi32> to vector<16xi32>
    %shift_right_arithmetic3A_1152 = arith.constant 7 : i32
    %shift_right_arithmetic3A_1153 = vector.broadcast %shift_right_arithmetic3A_1152 : i32 to vector<16xi32>
    %shift_right_arithmetic3A_1154 = arith.shrsi %get3A_1148, %shift_right_arithmetic3A_1153 : vector<16xi32>
    %mul3A_1155 = arith.constant 128000 : i32
    %mul3A_1156 = vector.broadcast %mul3A_1155 : i32 to vector<16xi32>
    %mul3A_1157 = arith.muli %shift_right_arithmetic3A_1154, %mul3A_1156 : vector<16xi32>
    %mul3A_1158 = arith.constant 128 : i32
    %mul3A_1159 = vector.broadcast %mul3A_1158 : i32 to vector<16xi32>
    %mul3A_1160 = arith.muli %get3A_1145, %mul3A_1159 : vector<16xi32>
    %add3A_1161 = arith.addi %mul3A_1157, %mul3A_1160 : vector<16xi32>
    %and3A_1162 = arith.constant 127 : i32
    %and3A_1163 = vector.broadcast %and3A_1162 : i32 to vector<16xi32>
    %and3A_1164 = arith.andi %get3A_1148, %and3A_1163 : vector<16xi32>
    %add3A_1165 = arith.addi %add3A_1161, %and3A_1164 : vector<16xi32>
    %swap3A_1166 = arith.constant 2 : i32
    %swap3A_1167 = arith.index_cast %swap3A_1166 : i32 to index
    %swap3A_1168 = arith.constant 96 : index
    %swap3A_1169 = tpu.vector_load %arg12[%swap3A_1167, %swap3A_1168] {strides = array<i32>} : memref<4x128xi32, #tpu.memory_space<vmem>>, vector<1x16xi32>,
    %swap3A_1170 = vector.shape_cast %swap3A_1169 : vector<1x16xi32> to vector<16xi32>
    %swap3A_1171 = vector.shape_cast %add3A_1165 : vector<16xi32> to vector<1x16xi32>
    tpu.vector_store %arg12[%swap3A_1167, %swap3A_1168], %swap3A_1171 {strides = array<i32>} : memref<4x128xi32, #tpu.memory_space<vmem>>, vector<1x16xi32>,
    %shift_right_arithmetic3A_1172 = arith.constant 7 : i32
    %shift_right_arithmetic3A_1173 = vector.broadcast %shift_right_arithmetic3A_1172 : i32 to vector<16xi32>
    %shift_right_arithmetic3A_1174 = arith.shrsi %get3A_1151, %shift_right_arithmetic3A_1173 : vector<16xi32>
    %mul3A_1175 = arith.constant 128000 : i32
    %mul3A_1176 = vector.broadcast %mul3A_1175 : i32 to vector<16xi32>
    %mul3A_1177 = arith.muli %shift_right_arithmetic3A_1174, %mul3A_1176 : vector<16xi32>
    %add3A_1178 = arith.constant 1024000 : i32
    %add3A_1179 = vector.broadcast %add3A_1178 : i32 to vector<16xi32>
    %add3A_1180 = arith.addi %add3A_1179, %mul3A_1177 : vector<16xi32>
    %mul3A_1181 = arith.constant 128 : i32
    %mul3A_1182 = vector.broadcast %mul3A_1181 : i32 to vector<16xi32>
    %mul3A_1183 = arith.muli %get3A_1148, %mul3A_1182 : vector<16xi32>
    %add3A_1184 = arith.addi %add3A_1180, %mul3A_1183 : vector<16xi32>
    %and3A_1185 = arith.constant 127 : i32
    %and3A_1186 = vector.broadcast %and3A_1185 : i32 to vector<16xi32>
    %and3A_1187 = arith.andi %get3A_1151, %and3A_1186 : vector<16xi32>
    %add3A_1188 = arith.addi %add3A_1184, %and3A_1187 : vector<16xi32>
    %swap3A_1189 = arith.constant 2 : i32
    %swap3A_1190 = arith.index_cast %swap3A_1189 : i32 to index
    %swap3A_1191 = arith.constant 96 : index
    %swap3A_1192 = tpu.vector_load %arg13[%swap3A_1190, %swap3A_1191] {strides = array<i32>} : memref<4x128xi32, #tpu.memory_space<vmem>>, vector<1x16xi32>,
    %swap3A_1193 = vector.shape_cast %swap3A_1192 : vector<1x16xi32> to vector<16xi32>
    %swap3A_1194 = vector.shape_cast %add3A_1188 : vector<16xi32> to vector<1x16xi32>
    tpu.vector_store %arg13[%swap3A_1190, %swap3A_1191], %swap3A_1194 {strides = array<i32>} : memref<4x128xi32, #tpu.memory_space<vmem>>, vector<1x16xi32>,
    %get3A_1195 = arith.constant 368 : index
    %get3A_1196 = tpu.vector_load %arg8[%get3A_1195] {strides = array<i32>} : memref<512xi32, #tpu.memory_space<vmem>>, vector<16xi32>,
    %get3A_1197 = vector.shape_cast %get3A_1196 : vector<16xi32> to vector<16xi32>
    %get3A_1198 = arith.constant 368 : index
    %get3A_1199 = tpu.vector_load %arg9[%get3A_1198] {strides = array<i32>} : memref<512xi32, #tpu.memory_space<vmem>>, vector<16xi32>,
    %get3A_1200 = vector.shape_cast %get3A_1199 : vector<16xi32> to vector<16xi32>
    %get3A_1201 = arith.constant 368 : index
    %get3A_1202 = tpu.vector_load %arg10[%get3A_1201] {strides = array<i32>} : memref<512xi32, #tpu.memory_space<vmem>>, vector<16xi32>,
    %get3A_1203 = vector.shape_cast %get3A_1202 : vector<16xi32> to vector<16xi32>
    %shift_right_arithmetic3A_1204 = arith.constant 7 : i32
    %shift_right_arithmetic3A_1205 = vector.broadcast %shift_right_arithmetic3A_1204 : i32 to vector<16xi32>
    %shift_right_arithmetic3A_1206 = arith.shrsi %get3A_1200, %shift_right_arithmetic3A_1205 : vector<16xi32>
    %mul3A_1207 = arith.constant 128000 : i32
    %mul3A_1208 = vector.broadcast %mul3A_1207 : i32 to vector<16xi32>
    %mul3A_1209 = arith.muli %shift_right_arithmetic3A_1206, %mul3A_1208 : vector<16xi32>
    %mul3A_1210 = arith.constant 128 : i32
    %mul3A_1211 = vector.broadcast %mul3A_1210 : i32 to vector<16xi32>
    %mul3A_1212 = arith.muli %get3A_1197, %mul3A_1211 : vector<16xi32>
    %add3A_1213 = arith.addi %mul3A_1209, %mul3A_1212 : vector<16xi32>
    %and3A_1214 = arith.constant 127 : i32
    %and3A_1215 = vector.broadcast %and3A_1214 : i32 to vector<16xi32>
    %and3A_1216 = arith.andi %get3A_1200, %and3A_1215 : vector<16xi32>
    %add3A_1217 = arith.addi %add3A_1213, %and3A_1216 : vector<16xi32>
    %swap3A_1218 = arith.constant 2 : i32
    %swap3A_1219 = arith.index_cast %swap3A_1218 : i32 to index
    %swap3A_1220 = arith.constant 112 : index
    %swap3A_1221 = tpu.vector_load %arg12[%swap3A_1219, %swap3A_1220] {strides = array<i32>} : memref<4x128xi32, #tpu.memory_space<vmem>>, vector<1x16xi32>,
    %swap3A_1222 = vector.shape_cast %swap3A_1221 : vector<1x16xi32> to vector<16xi32>
    %swap3A_1223 = vector.shape_cast %add3A_1217 : vector<16xi32> to vector<1x16xi32>
    tpu.vector_store %arg12[%swap3A_1219, %swap3A_1220], %swap3A_1223 {strides = array<i32>} : memref<4x128xi32, #tpu.memory_space<vmem>>, vector<1x16xi32>,
    %shift_right_arithmetic3A_1224 = arith.constant 7 : i32
    %shift_right_arithmetic3A_1225 = vector.broadcast %shift_right_arithmetic3A_1224 : i32 to vector<16xi32>
    %shift_right_arithmetic3A_1226 = arith.shrsi %get3A_1203, %shift_right_arithmetic3A_1225 : vector<16xi32>
    %mul3A_1227 = arith.constant 128000 : i32
    %mul3A_1228 = vector.broadcast %mul3A_1227 : i32 to vector<16xi32>
    %mul3A_1229 = arith.muli %shift_right_arithmetic3A_1226, %mul3A_1228 : vector<16xi32>
    %add3A_1230 = arith.constant 1024000 : i32
    %add3A_1231 = vector.broadcast %add3A_1230 : i32 to vector<16xi32>
    %add3A_1232 = arith.addi %add3A_1231, %mul3A_1229 : vector<16xi32>
    %mul3A_1233 = arith.constant 128 : i32
    %mul3A_1234 = vector.broadcast %mul3A_1233 : i32 to vector<16xi32>
    %mul3A_1235 = arith.muli %get3A_1200, %mul3A_1234 : vector<16xi32>
    %add3A_1236 = arith.addi %add3A_1232, %mul3A_1235 : vector<16xi32>
    %and3A_1237 = arith.constant 127 : i32
    %and3A_1238 = vector.broadcast %and3A_1237 : i32 to vector<16xi32>
    %and3A_1239 = arith.andi %get3A_1203, %and3A_1238 : vector<16xi32>
    %add3A_1240 = arith.addi %add3A_1236, %and3A_1239 : vector<16xi32>
    %swap3A_1241 = arith.constant 2 : i32
    %swap3A_1242 = arith.index_cast %swap3A_1241 : i32 to index
    %swap3A_1243 = arith.constant 112 : index
    %swap3A_1244 = tpu.vector_load %arg13[%swap3A_1242, %swap3A_1243] {strides = array<i32>} : memref<4x128xi32, #tpu.memory_space<vmem>>, vector<1x16xi32>,
    %swap3A_1245 = vector.shape_cast %swap3A_1244 : vector<1x16xi32> to vector<16xi32>
    %swap3A_1246 = vector.shape_cast %add3A_1240 : vector<16xi32> to vector<1x16xi32>
    tpu.vector_store %arg13[%swap3A_1242, %swap3A_1243], %swap3A_1246 {strides = array<i32>} : memref<4x128xi32, #tpu.memory_space<vmem>>, vector<1x16xi32>,
    %get3A_1247 = arith.constant 384 : index
    %get3A_1248 = tpu.vector_load %arg8[%get3A_1247] {strides = array<i32>} : memref<512xi32, #tpu.memory_space<vmem>>, vector<16xi32>,
    %get3A_1249 = vector.shape_cast %get3A_1248 : vector<16xi32> to vector<16xi32>
    %get3A_1250 = arith.constant 384 : index
    %get3A_1251 = tpu.vector_load %arg9[%get3A_1250] {strides = array<i32>} : memref<512xi32, #tpu.memory_space<vmem>>, vector<16xi32>,
    %get3A_1252 = vector.shape_cast %get3A_1251 : vector<16xi32> to vector<16xi32>
    %get3A_1253 = arith.constant 384 : index
    %get3A_1254 = tpu.vector_load %arg10[%get3A_1253] {strides = array<i32>} : memref<512xi32, #tpu.memory_space<vmem>>, vector<16xi32>,
    %get3A_1255 = vector.shape_cast %get3A_1254 : vector<16xi32> to vector<16xi32>
    %shift_right_arithmetic3A_1256 = arith.constant 7 : i32
    %shift_right_arithmetic3A_1257 = vector.broadcast %shift_right_arithmetic3A_1256 : i32 to vector<16xi32>
    %shift_right_arithmetic3A_1258 = arith.shrsi %get3A_1252, %shift_right_arithmetic3A_1257 : vector<16xi32>
    %mul3A_1259 = arith.constant 128000 : i32
    %mul3A_1260 = vector.broadcast %mul3A_1259 : i32 to vector<16xi32>
    %mul3A_1261 = arith.muli %shift_right_arithmetic3A_1258, %mul3A_1260 : vector<16xi32>
    %mul3A_1262 = arith.constant 128 : i32
    %mul3A_1263 = vector.broadcast %mul3A_1262 : i32 to vector<16xi32>
    %mul3A_1264 = arith.muli %get3A_1249, %mul3A_1263 : vector<16xi32>
    %add3A_1265 = arith.addi %mul3A_1261, %mul3A_1264 : vector<16xi32>
    %and3A_1266 = arith.constant 127 : i32
    %and3A_1267 = vector.broadcast %and3A_1266 : i32 to vector<16xi32>
    %and3A_1268 = arith.andi %get3A_1252, %and3A_1267 : vector<16xi32>
    %add3A_1269 = arith.addi %add3A_1265, %and3A_1268 : vector<16xi32>
    %swap3A_1270 = arith.constant 3 : i32
    %swap3A_1271 = arith.index_cast %swap3A_1270 : i32 to index
    %swap3A_1272 = arith.constant 0 : index
    %swap3A_1273 = tpu.vector_load %arg12[%swap3A_1271, %swap3A_1272] {strides = array<i32>} : memref<4x128xi32, #tpu.memory_space<vmem>>, vector<1x16xi32>,
    %swap3A_1274 = vector.shape_cast %swap3A_1273 : vector<1x16xi32> to vector<16xi32>
    %swap3A_1275 = vector.shape_cast %add3A_1269 : vector<16xi32> to vector<1x16xi32>
    tpu.vector_store %arg12[%swap3A_1271, %swap3A_1272], %swap3A_1275 {strides = array<i32>} : memref<4x128xi32, #tpu.memory_space<vmem>>, vector<1x16xi32>,
    %shift_right_arithmetic3A_1276 = arith.constant 7 : i32
    %shift_right_arithmetic3A_1277 = vector.broadcast %shift_right_arithmetic3A_1276 : i32 to vector<16xi32>
    %shift_right_arithmetic3A_1278 = arith.shrsi %get3A_1255, %shift_right_arithmetic3A_1277 : vector<16xi32>
    %mul3A_1279 = arith.constant 128000 : i32
    %mul3A_1280 = vector.broadcast %mul3A_1279 : i32 to vector<16xi32>
    %mul3A_1281 = arith.muli %shift_right_arithmetic3A_1278, %mul3A_1280 : vector<16xi32>
    %add3A_1282 = arith.constant 1024000 : i32
    %add3A_1283 = vector.broadcast %add3A_1282 : i32 to vector<16xi32>
    %add3A_1284 = arith.addi %add3A_1283, %mul3A_1281 : vector<16xi32>
    %mul3A_1285 = arith.constant 128 : i32
    %mul3A_1286 = vector.broadcast %mul3A_1285 : i32 to vector<16xi32>
    %mul3A_1287 = arith.muli %get3A_1252, %mul3A_1286 : vector<16xi32>
    %add3A_1288 = arith.addi %add3A_1284, %mul3A_1287 : vector<16xi32>
    %and3A_1289 = arith.constant 127 : i32
    %and3A_1290 = vector.broadcast %and3A_1289 : i32 to vector<16xi32>
    %and3A_1291 = arith.andi %get3A_1255, %and3A_1290 : vector<16xi32>
    %add3A_1292 = arith.addi %add3A_1288, %and3A_1291 : vector<16xi32>
    %swap3A_1293 = arith.constant 3 : i32
    %swap3A_1294 = arith.index_cast %swap3A_1293 : i32 to index
    %swap3A_1295 = arith.constant 0 : index
    %swap3A_1296 = tpu.vector_load %arg13[%swap3A_1294, %swap3A_1295] {strides = array<i32>} : memref<4x128xi32, #tpu.memory_space<vmem>>, vector<1x16xi32>,
    %swap3A_1297 = vector.shape_cast %swap3A_1296 : vector<1x16xi32> to vector<16xi32>
    %swap3A_1298 = vector.shape_cast %add3A_1292 : vector<16xi32> to vector<1x16xi32>
    tpu.vector_store %arg13[%swap3A_1294, %swap3A_1295], %swap3A_1298 {strides = array<i32>} : memref<4x128xi32, #tpu.memory_space<vmem>>, vector<1x16xi32>,
    %get3A_1299 = arith.constant 400 : index
    %get3A_1300 = tpu.vector_load %arg8[%get3A_1299] {strides = array<i32>} : memref<512xi32, #tpu.memory_space<vmem>>, vector<16xi32>,
    %get3A_1301 = vector.shape_cast %get3A_1300 : vector<16xi32> to vector<16xi32>
    %get3A_1302 = arith.constant 400 : index
    %get3A_1303 = tpu.vector_load %arg9[%get3A_1302] {strides = array<i32>} : memref<512xi32, #tpu.memory_space<vmem>>, vector<16xi32>,
    %get3A_1304 = vector.shape_cast %get3A_1303 : vector<16xi32> to vector<16xi32>
    %get3A_1305 = arith.constant 400 : index
    %get3A_1306 = tpu.vector_load %arg10[%get3A_1305] {strides = array<i32>} : memref<512xi32, #tpu.memory_space<vmem>>, vector<16xi32>,
    %get3A_1307 = vector.shape_cast %get3A_1306 : vector<16xi32> to vector<16xi32>
    %shift_right_arithmetic3A_1308 = arith.constant 7 : i32
    %shift_right_arithmetic3A_1309 = vector.broadcast %shift_right_arithmetic3A_1308 : i32 to vector<16xi32>
    %shift_right_arithmetic3A_1310 = arith.shrsi %get3A_1304, %shift_right_arithmetic3A_1309 : vector<16xi32>
    %mul3A_1311 = arith.constant 128000 : i32
    %mul3A_1312 = vector.broadcast %mul3A_1311 : i32 to vector<16xi32>
    %mul3A_1313 = arith.muli %shift_right_arithmetic3A_1310, %mul3A_1312 : vector<16xi32>
    %mul3A_1314 = arith.constant 128 : i32
    %mul3A_1315 = vector.broadcast %mul3A_1314 : i32 to vector<16xi32>
    %mul3A_1316 = arith.muli %get3A_1301, %mul3A_1315 : vector<16xi32>
    %add3A_1317 = arith.addi %mul3A_1313, %mul3A_1316 : vector<16xi32>
    %and3A_1318 = arith.constant 127 : i32
    %and3A_1319 = vector.broadcast %and3A_1318 : i32 to vector<16xi32>
    %and3A_1320 = arith.andi %get3A_1304, %and3A_1319 : vector<16xi32>
    %add3A_1321 = arith.addi %add3A_1317, %and3A_1320 : vector<16xi32>
    %swap3A_1322 = arith.constant 3 : i32
    %swap3A_1323 = arith.index_cast %swap3A_1322 : i32 to index
    %swap3A_1324 = arith.constant 16 : index
    %swap3A_1325 = tpu.vector_load %arg12[%swap3A_1323, %swap3A_1324] {strides = array<i32>} : memref<4x128xi32, #tpu.memory_space<vmem>>, vector<1x16xi32>,
    %swap3A_1326 = vector.shape_cast %swap3A_1325 : vector<1x16xi32> to vector<16xi32>
    %swap3A_1327 = vector.shape_cast %add3A_1321 : vector<16xi32> to vector<1x16xi32>
    tpu.vector_store %arg12[%swap3A_1323, %swap3A_1324], %swap3A_1327 {strides = array<i32>} : memref<4x128xi32, #tpu.memory_space<vmem>>, vector<1x16xi32>,
    %shift_right_arithmetic3A_1328 = arith.constant 7 : i32
    %shift_right_arithmetic3A_1329 = vector.broadcast %shift_right_arithmetic3A_1328 : i32 to vector<16xi32>
    %shift_right_arithmetic3A_1330 = arith.shrsi %get3A_1307, %shift_right_arithmetic3A_1329 : vector<16xi32>
    %mul3A_1331 = arith.constant 128000 : i32
    %mul3A_1332 = vector.broadcast %mul3A_1331 : i32 to vector<16xi32>
    %mul3A_1333 = arith.muli %shift_right_arithmetic3A_1330, %mul3A_1332 : vector<16xi32>
    %add3A_1334 = arith.constant 1024000 : i32
    %add3A_1335 = vector.broadcast %add3A_1334 : i32 to vector<16xi32>
    %add3A_1336 = arith.addi %add3A_1335, %mul3A_1333 : vector<16xi32>
    %mul3A_1337 = arith.constant 128 : i32
    %mul3A_1338 = vector.broadcast %mul3A_1337 : i32 to vector<16xi32>
    %mul3A_1339 = arith.muli %get3A_1304, %mul3A_1338 : vector<16xi32>
    %add3A_1340 = arith.addi %add3A_1336, %mul3A_1339 : vector<16xi32>
    %and3A_1341 = arith.constant 127 : i32
    %and3A_1342 = vector.broadcast %and3A_1341 : i32 to vector<16xi32>
    %and3A_1343 = arith.andi %get3A_1307, %and3A_1342 : vector<16xi32>
    %add3A_1344 = arith.addi %add3A_1340, %and3A_1343 : vector<16xi32>
    %swap3A_1345 = arith.constant 3 : i32
    %swap3A_1346 = arith.index_cast %swap3A_1345 : i32 to index
    %swap3A_1347 = arith.constant 16 : index
    %swap3A_1348 = tpu.vector_load %arg13[%swap3A_1346, %swap3A_1347] {strides = array<i32>} : memref<4x128xi32, #tpu.memory_space<vmem>>, vector<1x16xi32>,
    %swap3A_1349 = vector.shape_cast %swap3A_1348 : vector<1x16xi32> to vector<16xi32>
    %swap3A_1350 = vector.shape_cast %add3A_1344 : vector<16xi32> to vector<1x16xi32>
    tpu.vector_store %arg13[%swap3A_1346, %swap3A_1347], %swap3A_1350 {strides = array<i32>} : memref<4x128xi32, #tpu.memory_space<vmem>>, vector<1x16xi32>,
    %get3A_1351 = arith.constant 416 : index
    %get3A_1352 = tpu.vector_load %arg8[%get3A_1351] {strides = array<i32>} : memref<512xi32, #tpu.memory_space<vmem>>, vector<16xi32>,
    %get3A_1353 = vector.shape_cast %get3A_1352 : vector<16xi32> to vector<16xi32>
    %get3A_1354 = arith.constant 416 : index
    %get3A_1355 = tpu.vector_load %arg9[%get3A_1354] {strides = array<i32>} : memref<512xi32, #tpu.memory_space<vmem>>, vector<16xi32>,
    %get3A_1356 = vector.shape_cast %get3A_1355 : vector<16xi32> to vector<16xi32>
    %get3A_1357 = arith.constant 416 : index
    %get3A_1358 = tpu.vector_load %arg10[%get3A_1357] {strides = array<i32>} : memref<512xi32, #tpu.memory_space<vmem>>, vector<16xi32>,
    %get3A_1359 = vector.shape_cast %get3A_1358 : vector<16xi32> to vector<16xi32>
    %shift_right_arithmetic3A_1360 = arith.constant 7 : i32
    %shift_right_arithmetic3A_1361 = vector.broadcast %shift_right_arithmetic3A_1360 : i32 to vector<16xi32>
    %shift_right_arithmetic3A_1362 = arith.shrsi %get3A_1356, %shift_right_arithmetic3A_1361 : vector<16xi32>
    %mul3A_1363 = arith.constant 128000 : i32
    %mul3A_1364 = vector.broadcast %mul3A_1363 : i32 to vector<16xi32>
    %mul3A_1365 = arith.muli %shift_right_arithmetic3A_1362, %mul3A_1364 : vector<16xi32>
    %mul3A_1366 = arith.constant 128 : i32
    %mul3A_1367 = vector.broadcast %mul3A_1366 : i32 to vector<16xi32>
    %mul3A_1368 = arith.muli %get3A_1353, %mul3A_1367 : vector<16xi32>
    %add3A_1369 = arith.addi %mul3A_1365, %mul3A_1368 : vector<16xi32>
    %and3A_1370 = arith.constant 127 : i32
    %and3A_1371 = vector.broadcast %and3A_1370 : i32 to vector<16xi32>
    %and3A_1372 = arith.andi %get3A_1356, %and3A_1371 : vector<16xi32>
    %add3A_1373 = arith.addi %add3A_1369, %and3A_1372 : vector<16xi32>
    %swap3A_1374 = arith.constant 3 : i32
    %swap3A_1375 = arith.index_cast %swap3A_1374 : i32 to index
    %swap3A_1376 = arith.constant 32 : index
    %swap3A_1377 = tpu.vector_load %arg12[%swap3A_1375, %swap3A_1376] {strides = array<i32>} : memref<4x128xi32, #tpu.memory_space<vmem>>, vector<1x16xi32>,
    %swap3A_1378 = vector.shape_cast %swap3A_1377 : vector<1x16xi32> to vector<16xi32>
    %swap3A_1379 = vector.shape_cast %add3A_1373 : vector<16xi32> to vector<1x16xi32>
    tpu.vector_store %arg12[%swap3A_1375, %swap3A_1376], %swap3A_1379 {strides = array<i32>} : memref<4x128xi32, #tpu.memory_space<vmem>>, vector<1x16xi32>,
    %shift_right_arithmetic3A_1380 = arith.constant 7 : i32
    %shift_right_arithmetic3A_1381 = vector.broadcast %shift_right_arithmetic3A_1380 : i32 to vector<16xi32>
    %shift_right_arithmetic3A_1382 = arith.shrsi %get3A_1359, %shift_right_arithmetic3A_1381 : vector<16xi32>
    %mul3A_1383 = arith.constant 128000 : i32
    %mul3A_1384 = vector.broadcast %mul3A_1383 : i32 to vector<16xi32>
    %mul3A_1385 = arith.muli %shift_right_arithmetic3A_1382, %mul3A_1384 : vector<16xi32>
    %add3A_1386 = arith.constant 1024000 : i32
    %add3A_1387 = vector.broadcast %add3A_1386 : i32 to vector<16xi32>
    %add3A_1388 = arith.addi %add3A_1387, %mul3A_1385 : vector<16xi32>
    %mul3A_1389 = arith.constant 128 : i32
    %mul3A_1390 = vector.broadcast %mul3A_1389 : i32 to vector<16xi32>
    %mul3A_1391 = arith.muli %get3A_1356, %mul3A_1390 : vector<16xi32>
    %add3A_1392 = arith.addi %add3A_1388, %mul3A_1391 : vector<16xi32>
    %and3A_1393 = arith.constant 127 : i32
    %and3A_1394 = vector.broadcast %and3A_1393 : i32 to vector<16xi32>
    %and3A_1395 = arith.andi %get3A_1359, %and3A_1394 : vector<16xi32>
    %add3A_1396 = arith.addi %add3A_1392, %and3A_1395 : vector<16xi32>
    %swap3A_1397 = arith.constant 3 : i32
    %swap3A_1398 = arith.index_cast %swap3A_1397 : i32 to index
    %swap3A_1399 = arith.constant 32 : index
    %swap3A_1400 = tpu.vector_load %arg13[%swap3A_1398, %swap3A_1399] {strides = array<i32>} : memref<4x128xi32, #tpu.memory_space<vmem>>, vector<1x16xi32>,
    %swap3A_1401 = vector.shape_cast %swap3A_1400 : vector<1x16xi32> to vector<16xi32>
    %swap3A_1402 = vector.shape_cast %add3A_1396 : vector<16xi32> to vector<1x16xi32>
    tpu.vector_store %arg13[%swap3A_1398, %swap3A_1399], %swap3A_1402 {strides = array<i32>} : memref<4x128xi32, #tpu.memory_space<vmem>>, vector<1x16xi32>,
    %get3A_1403 = arith.constant 432 : index
    %get3A_1404 = tpu.vector_load %arg8[%get3A_1403] {strides = array<i32>} : memref<512xi32, #tpu.memory_space<vmem>>, vector<16xi32>,
    %get3A_1405 = vector.shape_cast %get3A_1404 : vector<16xi32> to vector<16xi32>
    %get3A_1406 = arith.constant 432 : index
    %get3A_1407 = tpu.vector_load %arg9[%get3A_1406] {strides = array<i32>} : memref<512xi32, #tpu.memory_space<vmem>>, vector<16xi32>,
    %get3A_1408 = vector.shape_cast %get3A_1407 : vector<16xi32> to vector<16xi32>
    %get3A_1409 = arith.constant 432 : index
    %get3A_1410 = tpu.vector_load %arg10[%get3A_1409] {strides = array<i32>} : memref<512xi32, #tpu.memory_space<vmem>>, vector<16xi32>,
    %get3A_1411 = vector.shape_cast %get3A_1410 : vector<16xi32> to vector<16xi32>
    %shift_right_arithmetic3A_1412 = arith.constant 7 : i32
    %shift_right_arithmetic3A_1413 = vector.broadcast %shift_right_arithmetic3A_1412 : i32 to vector<16xi32>
    %shift_right_arithmetic3A_1414 = arith.shrsi %get3A_1408, %shift_right_arithmetic3A_1413 : vector<16xi32>
    %mul3A_1415 = arith.constant 128000 : i32
    %mul3A_1416 = vector.broadcast %mul3A_1415 : i32 to vector<16xi32>
    %mul3A_1417 = arith.muli %shift_right_arithmetic3A_1414, %mul3A_1416 : vector<16xi32>
    %mul3A_1418 = arith.constant 128 : i32
    %mul3A_1419 = vector.broadcast %mul3A_1418 : i32 to vector<16xi32>
    %mul3A_1420 = arith.muli %get3A_1405, %mul3A_1419 : vector<16xi32>
    %add3A_1421 = arith.addi %mul3A_1417, %mul3A_1420 : vector<16xi32>
    %and3A_1422 = arith.constant 127 : i32
    %and3A_1423 = vector.broadcast %and3A_1422 : i32 to vector<16xi32>
    %and3A_1424 = arith.andi %get3A_1408, %and3A_1423 : vector<16xi32>
    %add3A_1425 = arith.addi %add3A_1421, %and3A_1424 : vector<16xi32>
    %swap3A_1426 = arith.constant 3 : i32
    %swap3A_1427 = arith.index_cast %swap3A_1426 : i32 to index
    %swap3A_1428 = arith.constant 48 : index
    %swap3A_1429 = tpu.vector_load %arg12[%swap3A_1427, %swap3A_1428] {strides = array<i32>} : memref<4x128xi32, #tpu.memory_space<vmem>>, vector<1x16xi32>,
    %swap3A_1430 = vector.shape_cast %swap3A_1429 : vector<1x16xi32> to vector<16xi32>
    %swap3A_1431 = vector.shape_cast %add3A_1425 : vector<16xi32> to vector<1x16xi32>
    tpu.vector_store %arg12[%swap3A_1427, %swap3A_1428], %swap3A_1431 {strides = array<i32>} : memref<4x128xi32, #tpu.memory_space<vmem>>, vector<1x16xi32>,
    %shift_right_arithmetic3A_1432 = arith.constant 7 : i32
    %shift_right_arithmetic3A_1433 = vector.broadcast %shift_right_arithmetic3A_1432 : i32 to vector<16xi32>
    %shift_right_arithmetic3A_1434 = arith.shrsi %get3A_1411, %shift_right_arithmetic3A_1433 : vector<16xi32>
    %mul3A_1435 = arith.constant 128000 : i32
    %mul3A_1436 = vector.broadcast %mul3A_1435 : i32 to vector<16xi32>
    %mul3A_1437 = arith.muli %shift_right_arithmetic3A_1434, %mul3A_1436 : vector<16xi32>
    %add3A_1438 = arith.constant 1024000 : i32
    %add3A_1439 = vector.broadcast %add3A_1438 : i32 to vector<16xi32>
    %add3A_1440 = arith.addi %add3A_1439, %mul3A_1437 : vector<16xi32>
    %mul3A_1441 = arith.constant 128 : i32
    %mul3A_1442 = vector.broadcast %mul3A_1441 : i32 to vector<16xi32>
    %mul3A_1443 = arith.muli %get3A_1408, %mul3A_1442 : vector<16xi32>
    %add3A_1444 = arith.addi %add3A_1440, %mul3A_1443 : vector<16xi32>
    %and3A_1445 = arith.constant 127 : i32
    %and3A_1446 = vector.broadcast %and3A_1445 : i32 to vector<16xi32>
    %and3A_1447 = arith.andi %get3A_1411, %and3A_1446 : vector<16xi32>
    %add3A_1448 = arith.addi %add3A_1444, %and3A_1447 : vector<16xi32>
    %swap3A_1449 = arith.constant 3 : i32
    %swap3A_1450 = arith.index_cast %swap3A_1449 : i32 to index
    %swap3A_1451 = arith.constant 48 : index
    %swap3A_1452 = tpu.vector_load %arg13[%swap3A_1450, %swap3A_1451] {strides = array<i32>} : memref<4x128xi32, #tpu.memory_space<vmem>>, vector<1x16xi32>,
    %swap3A_1453 = vector.shape_cast %swap3A_1452 : vector<1x16xi32> to vector<16xi32>
    %swap3A_1454 = vector.shape_cast %add3A_1448 : vector<16xi32> to vector<1x16xi32>
    tpu.vector_store %arg13[%swap3A_1450, %swap3A_1451], %swap3A_1454 {strides = array<i32>} : memref<4x128xi32, #tpu.memory_space<vmem>>, vector<1x16xi32>,
    %get3A_1455 = arith.constant 448 : index
    %get3A_1456 = tpu.vector_load %arg8[%get3A_1455] {strides = array<i32>} : memref<512xi32, #tpu.memory_space<vmem>>, vector<16xi32>,
    %get3A_1457 = vector.shape_cast %get3A_1456 : vector<16xi32> to vector<16xi32>
    %get3A_1458 = arith.constant 448 : index
    %get3A_1459 = tpu.vector_load %arg9[%get3A_1458] {strides = array<i32>} : memref<512xi32, #tpu.memory_space<vmem>>, vector<16xi32>,
    %get3A_1460 = vector.shape_cast %get3A_1459 : vector<16xi32> to vector<16xi32>
    %get3A_1461 = arith.constant 448 : index
    %get3A_1462 = tpu.vector_load %arg10[%get3A_1461] {strides = array<i32>} : memref<512xi32, #tpu.memory_space<vmem>>, vector<16xi32>,
    %get3A_1463 = vector.shape_cast %get3A_1462 : vector<16xi32> to vector<16xi32>
    %shift_right_arithmetic3A_1464 = arith.constant 7 : i32
    %shift_right_arithmetic3A_1465 = vector.broadcast %shift_right_arithmetic3A_1464 : i32 to vector<16xi32>
    %shift_right_arithmetic3A_1466 = arith.shrsi %get3A_1460, %shift_right_arithmetic3A_1465 : vector<16xi32>
    %mul3A_1467 = arith.constant 128000 : i32
    %mul3A_1468 = vector.broadcast %mul3A_1467 : i32 to vector<16xi32>
    %mul3A_1469 = arith.muli %shift_right_arithmetic3A_1466, %mul3A_1468 : vector<16xi32>
    %mul3A_1470 = arith.constant 128 : i32
    %mul3A_1471 = vector.broadcast %mul3A_1470 : i32 to vector<16xi32>
    %mul3A_1472 = arith.muli %get3A_1457, %mul3A_1471 : vector<16xi32>
    %add3A_1473 = arith.addi %mul3A_1469, %mul3A_1472 : vector<16xi32>
    %and3A_1474 = arith.constant 127 : i32
    %and3A_1475 = vector.broadcast %and3A_1474 : i32 to vector<16xi32>
    %and3A_1476 = arith.andi %get3A_1460, %and3A_1475 : vector<16xi32>
    %add3A_1477 = arith.addi %add3A_1473, %and3A_1476 : vector<16xi32>
    %swap3A_1478 = arith.constant 3 : i32
    %swap3A_1479 = arith.index_cast %swap3A_1478 : i32 to index
    %swap3A_1480 = arith.constant 64 : index
    %swap3A_1481 = tpu.vector_load %arg12[%swap3A_1479, %swap3A_1480] {strides = array<i32>} : memref<4x128xi32, #tpu.memory_space<vmem>>, vector<1x16xi32>,
    %swap3A_1482 = vector.shape_cast %swap3A_1481 : vector<1x16xi32> to vector<16xi32>
    %swap3A_1483 = vector.shape_cast %add3A_1477 : vector<16xi32> to vector<1x16xi32>
    tpu.vector_store %arg12[%swap3A_1479, %swap3A_1480], %swap3A_1483 {strides = array<i32>} : memref<4x128xi32, #tpu.memory_space<vmem>>, vector<1x16xi32>,
    %shift_right_arithmetic3A_1484 = arith.constant 7 : i32
    %shift_right_arithmetic3A_1485 = vector.broadcast %shift_right_arithmetic3A_1484 : i32 to vector<16xi32>
    %shift_right_arithmetic3A_1486 = arith.shrsi %get3A_1463, %shift_right_arithmetic3A_1485 : vector<16xi32>
    %mul3A_1487 = arith.constant 128000 : i32
    %mul3A_1488 = vector.broadcast %mul3A_1487 : i32 to vector<16xi32>
    %mul3A_1489 = arith.muli %shift_right_arithmetic3A_1486, %mul3A_1488 : vector<16xi32>
    %add3A_1490 = arith.constant 1024000 : i32
    %add3A_1491 = vector.broadcast %add3A_1490 : i32 to vector<16xi32>
    %add3A_1492 = arith.addi %add3A_1491, %mul3A_1489 : vector<16xi32>
    %mul3A_1493 = arith.constant 128 : i32
    %mul3A_1494 = vector.broadcast %mul3A_1493 : i32 to vector<16xi32>
    %mul3A_1495 = arith.muli %get3A_1460, %mul3A_1494 : vector<16xi32>
    %add3A_1496 = arith.addi %add3A_1492, %mul3A_1495 : vector<16xi32>
    %and3A_1497 = arith.constant 127 : i32
    %and3A_1498 = vector.broadcast %and3A_1497 : i32 to vector<16xi32>
    %and3A_1499 = arith.andi %get3A_1463, %and3A_1498 : vector<16xi32>
    %add3A_1500 = arith.addi %add3A_1496, %and3A_1499 : vector<16xi32>
    %swap3A_1501 = arith.constant 3 : i32
    %swap3A_1502 = arith.index_cast %swap3A_1501 : i32 to index
    %swap3A_1503 = arith.constant 64 : index
    %swap3A_1504 = tpu.vector_load %arg13[%swap3A_1502, %swap3A_1503] {strides = array<i32>} : memref<4x128xi32, #tpu.memory_space<vmem>>, vector<1x16xi32>,
    %swap3A_1505 = vector.shape_cast %swap3A_1504 : vector<1x16xi32> to vector<16xi32>
    %swap3A_1506 = vector.shape_cast %add3A_1500 : vector<16xi32> to vector<1x16xi32>
    tpu.vector_store %arg13[%swap3A_1502, %swap3A_1503], %swap3A_1506 {strides = array<i32>} : memref<4x128xi32, #tpu.memory_space<vmem>>, vector<1x16xi32>,
    %get3A_1507 = arith.constant 464 : index
    %get3A_1508 = tpu.vector_load %arg8[%get3A_1507] {strides = array<i32>} : memref<512xi32, #tpu.memory_space<vmem>>, vector<16xi32>,
    %get3A_1509 = vector.shape_cast %get3A_1508 : vector<16xi32> to vector<16xi32>
    %get3A_1510 = arith.constant 464 : index
    %get3A_1511 = tpu.vector_load %arg9[%get3A_1510] {strides = array<i32>} : memref<512xi32, #tpu.memory_space<vmem>>, vector<16xi32>,
    %get3A_1512 = vector.shape_cast %get3A_1511 : vector<16xi32> to vector<16xi32>
    %get3A_1513 = arith.constant 464 : index
    %get3A_1514 = tpu.vector_load %arg10[%get3A_1513] {strides = array<i32>} : memref<512xi32, #tpu.memory_space<vmem>>, vector<16xi32>,
    %get3A_1515 = vector.shape_cast %get3A_1514 : vector<16xi32> to vector<16xi32>
    %shift_right_arithmetic3A_1516 = arith.constant 7 : i32
    %shift_right_arithmetic3A_1517 = vector.broadcast %shift_right_arithmetic3A_1516 : i32 to vector<16xi32>
    %shift_right_arithmetic3A_1518 = arith.shrsi %get3A_1512, %shift_right_arithmetic3A_1517 : vector<16xi32>
    %mul3A_1519 = arith.constant 128000 : i32
    %mul3A_1520 = vector.broadcast %mul3A_1519 : i32 to vector<16xi32>
    %mul3A_1521 = arith.muli %shift_right_arithmetic3A_1518, %mul3A_1520 : vector<16xi32>
    %mul3A_1522 = arith.constant 128 : i32
    %mul3A_1523 = vector.broadcast %mul3A_1522 : i32 to vector<16xi32>
    %mul3A_1524 = arith.muli %get3A_1509, %mul3A_1523 : vector<16xi32>
    %add3A_1525 = arith.addi %mul3A_1521, %mul3A_1524 : vector<16xi32>
    %and3A_1526 = arith.constant 127 : i32
    %and3A_1527 = vector.broadcast %and3A_1526 : i32 to vector<16xi32>
    %and3A_1528 = arith.andi %get3A_1512, %and3A_1527 : vector<16xi32>
    %add3A_1529 = arith.addi %add3A_1525, %and3A_1528 : vector<16xi32>
    %swap3A_1530 = arith.constant 3 : i32
    %swap3A_1531 = arith.index_cast %swap3A_1530 : i32 to index
    %swap3A_1532 = arith.constant 80 : index
    %swap3A_1533 = tpu.vector_load %arg12[%swap3A_1531, %swap3A_1532] {strides = array<i32>} : memref<4x128xi32, #tpu.memory_space<vmem>>, vector<1x16xi32>,
    %swap3A_1534 = vector.shape_cast %swap3A_1533 : vector<1x16xi32> to vector<16xi32>
    %swap3A_1535 = vector.shape_cast %add3A_1529 : vector<16xi32> to vector<1x16xi32>
    tpu.vector_store %arg12[%swap3A_1531, %swap3A_1532], %swap3A_1535 {strides = array<i32>} : memref<4x128xi32, #tpu.memory_space<vmem>>, vector<1x16xi32>,
    %shift_right_arithmetic3A_1536 = arith.constant 7 : i32
    %shift_right_arithmetic3A_1537 = vector.broadcast %shift_right_arithmetic3A_1536 : i32 to vector<16xi32>
    %shift_right_arithmetic3A_1538 = arith.shrsi %get3A_1515, %shift_right_arithmetic3A_1537 : vector<16xi32>
    %mul3A_1539 = arith.constant 128000 : i32
    %mul3A_1540 = vector.broadcast %mul3A_1539 : i32 to vector<16xi32>
    %mul3A_1541 = arith.muli %shift_right_arithmetic3A_1538, %mul3A_1540 : vector<16xi32>
    %add3A_1542 = arith.constant 1024000 : i32
    %add3A_1543 = vector.broadcast %add3A_1542 : i32 to vector<16xi32>
    %add3A_1544 = arith.addi %add3A_1543, %mul3A_1541 : vector<16xi32>
    %mul3A_1545 = arith.constant 128 : i32
    %mul3A_1546 = vector.broadcast %mul3A_1545 : i32 to vector<16xi32>
    %mul3A_1547 = arith.muli %get3A_1512, %mul3A_1546 : vector<16xi32>
    %add3A_1548 = arith.addi %add3A_1544, %mul3A_1547 : vector<16xi32>
    %and3A_1549 = arith.constant 127 : i32
    %and3A_1550 = vector.broadcast %and3A_1549 : i32 to vector<16xi32>
    %and3A_1551 = arith.andi %get3A_1515, %and3A_1550 : vector<16xi32>
    %add3A_1552 = arith.addi %add3A_1548, %and3A_1551 : vector<16xi32>
    %swap3A_1553 = arith.constant 3 : i32
    %swap3A_1554 = arith.index_cast %swap3A_1553 : i32 to index
    %swap3A_1555 = arith.constant 80 : index
    %swap3A_1556 = tpu.vector_load %arg13[%swap3A_1554, %swap3A_1555] {strides = array<i32>} : memref<4x128xi32, #tpu.memory_space<vmem>>, vector<1x16xi32>,
    %swap3A_1557 = vector.shape_cast %swap3A_1556 : vector<1x16xi32> to vector<16xi32>
    %swap3A_1558 = vector.shape_cast %add3A_1552 : vector<16xi32> to vector<1x16xi32>
    tpu.vector_store %arg13[%swap3A_1554, %swap3A_1555], %swap3A_1558 {strides = array<i32>} : memref<4x128xi32, #tpu.memory_space<vmem>>, vector<1x16xi32>,
    %get3A_1559 = arith.constant 480 : index
    %get3A_1560 = tpu.vector_load %arg8[%get3A_1559] {strides = array<i32>} : memref<512xi32, #tpu.memory_space<vmem>>, vector<16xi32>,
    %get3A_1561 = vector.shape_cast %get3A_1560 : vector<16xi32> to vector<16xi32>
    %get3A_1562 = arith.constant 480 : index
    %get3A_1563 = tpu.vector_load %arg9[%get3A_1562] {strides = array<i32>} : memref<512xi32, #tpu.memory_space<vmem>>, vector<16xi32>,
    %get3A_1564 = vector.shape_cast %get3A_1563 : vector<16xi32> to vector<16xi32>
    %get3A_1565 = arith.constant 480 : index
    %get3A_1566 = tpu.vector_load %arg10[%get3A_1565] {strides = array<i32>} : memref<512xi32, #tpu.memory_space<vmem>>, vector<16xi32>,
    %get3A_1567 = vector.shape_cast %get3A_1566 : vector<16xi32> to vector<16xi32>
    %shift_right_arithmetic3A_1568 = arith.constant 7 : i32
    %shift_right_arithmetic3A_1569 = vector.broadcast %shift_right_arithmetic3A_1568 : i32 to vector<16xi32>
    %shift_right_arithmetic3A_1570 = arith.shrsi %get3A_1564, %shift_right_arithmetic3A_1569 : vector<16xi32>
    %mul3A_1571 = arith.constant 128000 : i32
    %mul3A_1572 = vector.broadcast %mul3A_1571 : i32 to vector<16xi32>
    %mul3A_1573 = arith.muli %shift_right_arithmetic3A_1570, %mul3A_1572 : vector<16xi32>
    %mul3A_1574 = arith.constant 128 : i32
    %mul3A_1575 = vector.broadcast %mul3A_1574 : i32 to vector<16xi32>
    %mul3A_1576 = arith.muli %get3A_1561, %mul3A_1575 : vector<16xi32>
    %add3A_1577 = arith.addi %mul3A_1573, %mul3A_1576 : vector<16xi32>
    %and3A_1578 = arith.constant 127 : i32
    %and3A_1579 = vector.broadcast %and3A_1578 : i32 to vector<16xi32>
    %and3A_1580 = arith.andi %get3A_1564, %and3A_1579 : vector<16xi32>
    %add3A_1581 = arith.addi %add3A_1577, %and3A_1580 : vector<16xi32>
    %swap3A_1582 = arith.constant 3 : i32
    %swap3A_1583 = arith.index_cast %swap3A_1582 : i32 to index
    %swap3A_1584 = arith.constant 96 : index
    %swap3A_1585 = tpu.vector_load %arg12[%swap3A_1583, %swap3A_1584] {strides = array<i32>} : memref<4x128xi32, #tpu.memory_space<vmem>>, vector<1x16xi32>,
    %swap3A_1586 = vector.shape_cast %swap3A_1585 : vector<1x16xi32> to vector<16xi32>
    %swap3A_1587 = vector.shape_cast %add3A_1581 : vector<16xi32> to vector<1x16xi32>
    tpu.vector_store %arg12[%swap3A_1583, %swap3A_1584], %swap3A_1587 {strides = array<i32>} : memref<4x128xi32, #tpu.memory_space<vmem>>, vector<1x16xi32>,
    %shift_right_arithmetic3A_1588 = arith.constant 7 : i32
    %shift_right_arithmetic3A_1589 = vector.broadcast %shift_right_arithmetic3A_1588 : i32 to vector<16xi32>
    %shift_right_arithmetic3A_1590 = arith.shrsi %get3A_1567, %shift_right_arithmetic3A_1589 : vector<16xi32>
    %mul3A_1591 = arith.constant 128000 : i32
    %mul3A_1592 = vector.broadcast %mul3A_1591 : i32 to vector<16xi32>
    %mul3A_1593 = arith.muli %shift_right_arithmetic3A_1590, %mul3A_1592 : vector<16xi32>
    %add3A_1594 = arith.constant 1024000 : i32
    %add3A_1595 = vector.broadcast %add3A_1594 : i32 to vector<16xi32>
    %add3A_1596 = arith.addi %add3A_1595, %mul3A_1593 : vector<16xi32>
    %mul3A_1597 = arith.constant 128 : i32
    %mul3A_1598 = vector.broadcast %mul3A_1597 : i32 to vector<16xi32>
    %mul3A_1599 = arith.muli %get3A_1564, %mul3A_1598 : vector<16xi32>
    %add3A_1600 = arith.addi %add3A_1596, %mul3A_1599 : vector<16xi32>
    %and3A_1601 = arith.constant 127 : i32
    %and3A_1602 = vector.broadcast %and3A_1601 : i32 to vector<16xi32>
    %and3A_1603 = arith.andi %get3A_1567, %and3A_1602 : vector<16xi32>
    %add3A_1604 = arith.addi %add3A_1600, %and3A_1603 : vector<16xi32>
    %swap3A_1605 = arith.constant 3 : i32
    %swap3A_1606 = arith.index_cast %swap3A_1605 : i32 to index
    %swap3A_1607 = arith.constant 96 : index
    %swap3A_1608 = tpu.vector_load %arg13[%swap3A_1606, %swap3A_1607] {strides = array<i32>} : memref<4x128xi32, #tpu.memory_space<vmem>>, vector<1x16xi32>,
    %swap3A_1609 = vector.shape_cast %swap3A_1608 : vector<1x16xi32> to vector<16xi32>
    %swap3A_1610 = vector.shape_cast %add3A_1604 : vector<16xi32> to vector<1x16xi32>
    tpu.vector_store %arg13[%swap3A_1606, %swap3A_1607], %swap3A_1610 {strides = array<i32>} : memref<4x128xi32, #tpu.memory_space<vmem>>, vector<1x16xi32>,
    %get3A_1611 = arith.constant 496 : index
    %get3A_1612 = tpu.vector_load %arg8[%get3A_1611] {strides = array<i32>} : memref<512xi32, #tpu.memory_space<vmem>>, vector<16xi32>,
    %get3A_1613 = vector.shape_cast %get3A_1612 : vector<16xi32> to vector<16xi32>
    %get3A_1614 = arith.constant 496 : index
    %get3A_1615 = tpu.vector_load %arg9[%get3A_1614] {strides = array<i32>} : memref<512xi32, #tpu.memory_space<vmem>>, vector<16xi32>,
    %get3A_1616 = vector.shape_cast %get3A_1615 : vector<16xi32> to vector<16xi32>
    %get3A_1617 = arith.constant 496 : index
    %get3A_1618 = tpu.vector_load %arg10[%get3A_1617] {strides = array<i32>} : memref<512xi32, #tpu.memory_space<vmem>>, vector<16xi32>,
    %get3A_1619 = vector.shape_cast %get3A_1618 : vector<16xi32> to vector<16xi32>
    %shift_right_arithmetic3A_1620 = arith.constant 7 : i32
    %shift_right_arithmetic3A_1621 = vector.broadcast %shift_right_arithmetic3A_1620 : i32 to vector<16xi32>
    %shift_right_arithmetic3A_1622 = arith.shrsi %get3A_1616, %shift_right_arithmetic3A_1621 : vector<16xi32>
    %mul3A_1623 = arith.constant 128000 : i32
    %mul3A_1624 = vector.broadcast %mul3A_1623 : i32 to vector<16xi32>
    %mul3A_1625 = arith.muli %shift_right_arithmetic3A_1622, %mul3A_1624 : vector<16xi32>
    %mul3A_1626 = arith.constant 128 : i32
    %mul3A_1627 = vector.broadcast %mul3A_1626 : i32 to vector<16xi32>
    %mul3A_1628 = arith.muli %get3A_1613, %mul3A_1627 : vector<16xi32>
    %add3A_1629 = arith.addi %mul3A_1625, %mul3A_1628 : vector<16xi32>
    %and3A_1630 = arith.constant 127 : i32
    %and3A_1631 = vector.broadcast %and3A_1630 : i32 to vector<16xi32>
    %and3A_1632 = arith.andi %get3A_1616, %and3A_1631 : vector<16xi32>
    %add3A_1633 = arith.addi %add3A_1629, %and3A_1632 : vector<16xi32>
    %swap3A_1634 = arith.constant 3 : i32
    %swap3A_1635 = arith.index_cast %swap3A_1634 : i32 to index
    %swap3A_1636 = arith.constant 112 : index
    %swap3A_1637 = tpu.vector_load %arg12[%swap3A_1635, %swap3A_1636] {strides = array<i32>} : memref<4x128xi32, #tpu.memory_space<vmem>>, vector<1x16xi32>,
    %swap3A_1638 = vector.shape_cast %swap3A_1637 : vector<1x16xi32> to vector<16xi32>
    %swap3A_1639 = vector.shape_cast %add3A_1633 : vector<16xi32> to vector<1x16xi32>
    tpu.vector_store %arg12[%swap3A_1635, %swap3A_1636], %swap3A_1639 {strides = array<i32>} : memref<4x128xi32, #tpu.memory_space<vmem>>, vector<1x16xi32>,
    %shift_right_arithmetic3A_1640 = arith.constant 7 : i32
    %shift_right_arithmetic3A_1641 = vector.broadcast %shift_right_arithmetic3A_1640 : i32 to vector<16xi32>
    %shift_right_arithmetic3A_1642 = arith.shrsi %get3A_1619, %shift_right_arithmetic3A_1641 : vector<16xi32>
    %mul3A_1643 = arith.constant 128000 : i32
    %mul3A_1644 = vector.broadcast %mul3A_1643 : i32 to vector<16xi32>
    %mul3A_1645 = arith.muli %shift_right_arithmetic3A_1642, %mul3A_1644 : vector<16xi32>
    %add3A_1646 = arith.constant 1024000 : i32
    %add3A_1647 = vector.broadcast %add3A_1646 : i32 to vector<16xi32>
    %add3A_1648 = arith.addi %add3A_1647, %mul3A_1645 : vector<16xi32>
    %mul3A_1649 = arith.constant 128 : i32
    %mul3A_1650 = vector.broadcast %mul3A_1649 : i32 to vector<16xi32>
    %mul3A_1651 = arith.muli %get3A_1616, %mul3A_1650 : vector<16xi32>
    %add3A_1652 = arith.addi %add3A_1648, %mul3A_1651 : vector<16xi32>
    %and3A_1653 = arith.constant 127 : i32
    %and3A_1654 = vector.broadcast %and3A_1653 : i32 to vector<16xi32>
    %and3A_1655 = arith.andi %get3A_1619, %and3A_1654 : vector<16xi32>
    %add3A_1656 = arith.addi %add3A_1652, %and3A_1655 : vector<16xi32>
    %swap3A_1657 = arith.constant 3 : i32
    %swap3A_1658 = arith.index_cast %swap3A_1657 : i32 to index
    %swap3A_1659 = arith.constant 112 : index
    %swap3A_1660 = tpu.vector_load %arg13[%swap3A_1658, %swap3A_1659] {strides = array<i32>} : memref<4x128xi32, #tpu.memory_space<vmem>>, vector<1x16xi32>,
    %swap3A_1661 = vector.shape_cast %swap3A_1660 : vector<1x16xi32> to vector<16xi32>
    %swap3A_1662 = vector.shape_cast %add3A_1656 : vector<16xi32> to vector<1x16xi32>
    tpu.vector_store %arg13[%swap3A_1658, %swap3A_1659], %swap3A_1662 {strides = array<i32>} : memref<4x128xi32, #tpu.memory_space<vmem>>, vector<1x16xi32>,
    %dma_start3A = arith.constant 0 : i32
    %dma_start3A_1663 = arith.constant 0 : i32
    %dma_start3A_1664 = arith.constant 0 : i32
    %dma_start3A_1665 = tpu.memref_slice %arg14[%dma_start3A_1663, %dma_start3A_1664] : memref<4x128xf32, #tpu.memory_space<vmem>> -> memref<1x128xf32, #tpu.memory_space<vmem>>
    %dma_start3A_1666 = tpu.memref_squeeze %dma_start3A_1665 : memref<1x128xf32, #tpu.memory_space<vmem>> -> memref<128xf32, #tpu.memory_space<vmem>>
    %dma_start3A_1667 = arith.constant 0 : i32
    %dma_start3A_1668 = tpu.memref_slice %arg12[%dma_start3A, %dma_start3A_1667] : memref<4x128xi32, #tpu.memory_space<vmem>> -> memref<1x128xi32, #tpu.memory_space<vmem>>
    %dma_start3A_1669 = tpu.memref_squeeze %dma_start3A_1668 : memref<1x128xi32, #tpu.memory_space<vmem>> -> memref<128xi32, #tpu.memory_space<vmem>>
    %dma_start3A_1670 = arith.constant 0 : i32
    %dma_start3A_1671 = tpu.memref_slice %arg6[%dma_start3A_1670] : memref<2048000xf32, #tpu.memory_space<hbm>> -> memref<2048000xf32, #tpu.memory_space<hbm>>
    tpu.enqueue_indirect_dma source(%dma_start3A_1671 : memref<2048000xf32, #tpu.memory_space<hbm>>) target(%dma_start3A_1666 : memref<128xf32, #tpu.memory_space<vmem>>) offsets(%dma_start3A_1669 : memref<128xi32, #tpu.memory_space<vmem>>) semaphore(%arg17 : memref<!tpu.dma_semaphore, #tpu.memory_space<semaphore_mem>>)
    %dma_start3A_1672 = arith.constant 0 : i32
    %dma_start3A_1673 = arith.constant 0 : i32
    %dma_start3A_1674 = arith.constant 0 : i32
    %dma_start3A_1675 = tpu.memref_slice %arg15[%dma_start3A_1673, %dma_start3A_1674] : memref<4x128xf32, #tpu.memory_space<vmem>> -> memref<1x128xf32, #tpu.memory_space<vmem>>
    %dma_start3A_1676 = tpu.memref_squeeze %dma_start3A_1675 : memref<1x128xf32, #tpu.memory_space<vmem>> -> memref<128xf32, #tpu.memory_space<vmem>>
    %dma_start3A_1677 = arith.constant 0 : i32
    %dma_start3A_1678 = tpu.memref_slice %arg13[%dma_start3A_1672, %dma_start3A_1677] : memref<4x128xi32, #tpu.memory_space<vmem>> -> memref<1x128xi32, #tpu.memory_space<vmem>>
    %dma_start3A_1679 = tpu.memref_squeeze %dma_start3A_1678 : memref<1x128xi32, #tpu.memory_space<vmem>> -> memref<128xi32, #tpu.memory_space<vmem>>
    %dma_start3A_1680 = arith.constant 0 : i32
    %dma_start3A_1681 = tpu.memref_slice %arg6[%dma_start3A_1680] : memref<2048000xf32, #tpu.memory_space<hbm>> -> memref<2048000xf32, #tpu.memory_space<hbm>>
    tpu.enqueue_indirect_dma source(%dma_start3A_1681 : memref<2048000xf32, #tpu.memory_space<hbm>>) target(%dma_start3A_1676 : memref<128xf32, #tpu.memory_space<vmem>>) offsets(%dma_start3A_1679 : memref<128xi32, #tpu.memory_space<vmem>>) semaphore(%arg17 : memref<!tpu.dma_semaphore, #tpu.memory_space<semaphore_mem>>)
    %dma_start3A_1682 = arith.constant 1 : i32
    %dma_start3A_1683 = arith.constant 1 : i32
    %dma_start3A_1684 = arith.constant 0 : i32
    %dma_start3A_1685 = tpu.memref_slice %arg14[%dma_start3A_1683, %dma_start3A_1684] : memref<4x128xf32, #tpu.memory_space<vmem>> -> memref<1x128xf32, #tpu.memory_space<vmem>>
    %dma_start3A_1686 = tpu.memref_squeeze %dma_start3A_1685 : memref<1x128xf32, #tpu.memory_space<vmem>> -> memref<128xf32, #tpu.memory_space<vmem>>
    %dma_start3A_1687 = arith.constant 0 : i32
    %dma_start3A_1688 = tpu.memref_slice %arg12[%dma_start3A_1682, %dma_start3A_1687] : memref<4x128xi32, #tpu.memory_space<vmem>> -> memref<1x128xi32, #tpu.memory_space<vmem>>
    %dma_start3A_1689 = tpu.memref_squeeze %dma_start3A_1688 : memref<1x128xi32, #tpu.memory_space<vmem>> -> memref<128xi32, #tpu.memory_space<vmem>>
    %dma_start3A_1690 = arith.constant 0 : i32
    %dma_start3A_1691 = tpu.memref_slice %arg6[%dma_start3A_1690] : memref<2048000xf32, #tpu.memory_space<hbm>> -> memref<2048000xf32, #tpu.memory_space<hbm>>
    tpu.enqueue_indirect_dma source(%dma_start3A_1691 : memref<2048000xf32, #tpu.memory_space<hbm>>) target(%dma_start3A_1686 : memref<128xf32, #tpu.memory_space<vmem>>) offsets(%dma_start3A_1689 : memref<128xi32, #tpu.memory_space<vmem>>) semaphore(%arg17 : memref<!tpu.dma_semaphore, #tpu.memory_space<semaphore_mem>>)
    %dma_start3A_1692 = arith.constant 1 : i32
    %dma_start3A_1693 = arith.constant 1 : i32
    %dma_start3A_1694 = arith.constant 0 : i32
    %dma_start3A_1695 = tpu.memref_slice %arg15[%dma_start3A_1693, %dma_start3A_1694] : memref<4x128xf32, #tpu.memory_space<vmem>> -> memref<1x128xf32, #tpu.memory_space<vmem>>
    %dma_start3A_1696 = tpu.memref_squeeze %dma_start3A_1695 : memref<1x128xf32, #tpu.memory_space<vmem>> -> memref<128xf32, #tpu.memory_space<vmem>>
    %dma_start3A_1697 = arith.constant 0 : i32
    %dma_start3A_1698 = tpu.memref_slice %arg13[%dma_start3A_1692, %dma_start3A_1697] : memref<4x128xi32, #tpu.memory_space<vmem>> -> memref<1x128xi32, #tpu.memory_space<vmem>>
    %dma_start3A_1699 = tpu.memref_squeeze %dma_start3A_1698 : memref<1x128xi32, #tpu.memory_space<vmem>> -> memref<128xi32, #tpu.memory_space<vmem>>
    %dma_start3A_1700 = arith.constant 0 : i32
    %dma_start3A_1701 = tpu.memref_slice %arg6[%dma_start3A_1700] : memref<2048000xf32, #tpu.memory_space<hbm>> -> memref<2048000xf32, #tpu.memory_space<hbm>>
    tpu.enqueue_indirect_dma source(%dma_start3A_1701 : memref<2048000xf32, #tpu.memory_space<hbm>>) target(%dma_start3A_1696 : memref<128xf32, #tpu.memory_space<vmem>>) offsets(%dma_start3A_1699 : memref<128xi32, #tpu.memory_space<vmem>>) semaphore(%arg17 : memref<!tpu.dma_semaphore, #tpu.memory_space<semaphore_mem>>)
    %dma_start3A_1702 = arith.constant 2 : i32
    %dma_start3A_1703 = arith.constant 2 : i32
    %dma_start3A_1704 = arith.constant 0 : i32
    %dma_start3A_1705 = tpu.memref_slice %arg14[%dma_start3A_1703, %dma_start3A_1704] : memref<4x128xf32, #tpu.memory_space<vmem>> -> memref<1x128xf32, #tpu.memory_space<vmem>>
    %dma_start3A_1706 = tpu.memref_squeeze %dma_start3A_1705 : memref<1x128xf32, #tpu.memory_space<vmem>> -> memref<128xf32, #tpu.memory_space<vmem>>
    %dma_start3A_1707 = arith.constant 0 : i32
    %dma_start3A_1708 = tpu.memref_slice %arg12[%dma_start3A_1702, %dma_start3A_1707] : memref<4x128xi32, #tpu.memory_space<vmem>> -> memref<1x128xi32, #tpu.memory_space<vmem>>
    %dma_start3A_1709 = tpu.memref_squeeze %dma_start3A_1708 : memref<1x128xi32, #tpu.memory_space<vmem>> -> memref<128xi32, #tpu.memory_space<vmem>>
    %dma_start3A_1710 = arith.constant 0 : i32
    %dma_start3A_1711 = tpu.memref_slice %arg6[%dma_start3A_1710] : memref<2048000xf32, #tpu.memory_space<hbm>> -> memref<2048000xf32, #tpu.memory_space<hbm>>
    tpu.enqueue_indirect_dma source(%dma_start3A_1711 : memref<2048000xf32, #tpu.memory_space<hbm>>) target(%dma_start3A_1706 : memref<128xf32, #tpu.memory_space<vmem>>) offsets(%dma_start3A_1709 : memref<128xi32, #tpu.memory_space<vmem>>) semaphore(%arg17 : memref<!tpu.dma_semaphore, #tpu.memory_space<semaphore_mem>>)
    %dma_start3A_1712 = arith.constant 2 : i32
    %dma_start3A_1713 = arith.constant 2 : i32
    %dma_start3A_1714 = arith.constant 0 : i32
    %dma_start3A_1715 = tpu.memref_slice %arg15[%dma_start3A_1713, %dma_start3A_1714] : memref<4x128xf32, #tpu.memory_space<vmem>> -> memref<1x128xf32, #tpu.memory_space<vmem>>
    %dma_start3A_1716 = tpu.memref_squeeze %dma_start3A_1715 : memref<1x128xf32, #tpu.memory_space<vmem>> -> memref<128xf32, #tpu.memory_space<vmem>>
    %dma_start3A_1717 = arith.constant 0 : i32
    %dma_start3A_1718 = tpu.memref_slice %arg13[%dma_start3A_1712, %dma_start3A_1717] : memref<4x128xi32, #tpu.memory_space<vmem>> -> memref<1x128xi32, #tpu.memory_space<vmem>>
    %dma_start3A_1719 = tpu.memref_squeeze %dma_start3A_1718 : memref<1x128xi32, #tpu.memory_space<vmem>> -> memref<128xi32, #tpu.memory_space<vmem>>
    %dma_start3A_1720 = arith.constant 0 : i32
    %dma_start3A_1721 = tpu.memref_slice %arg6[%dma_start3A_1720] : memref<2048000xf32, #tpu.memory_space<hbm>> -> memref<2048000xf32, #tpu.memory_space<hbm>>
    tpu.enqueue_indirect_dma source(%dma_start3A_1721 : memref<2048000xf32, #tpu.memory_space<hbm>>) target(%dma_start3A_1716 : memref<128xf32, #tpu.memory_space<vmem>>) offsets(%dma_start3A_1719 : memref<128xi32, #tpu.memory_space<vmem>>) semaphore(%arg17 : memref<!tpu.dma_semaphore, #tpu.memory_space<semaphore_mem>>)
    %dma_start3A_1722 = arith.constant 3 : i32
    %dma_start3A_1723 = arith.constant 3 : i32
    %dma_start3A_1724 = arith.constant 0 : i32
    %dma_start3A_1725 = tpu.memref_slice %arg14[%dma_start3A_1723, %dma_start3A_1724] : memref<4x128xf32, #tpu.memory_space<vmem>> -> memref<1x128xf32, #tpu.memory_space<vmem>>
    %dma_start3A_1726 = tpu.memref_squeeze %dma_start3A_1725 : memref<1x128xf32, #tpu.memory_space<vmem>> -> memref<128xf32, #tpu.memory_space<vmem>>
    %dma_start3A_1727 = arith.constant 0 : i32
    %dma_start3A_1728 = tpu.memref_slice %arg12[%dma_start3A_1722, %dma_start3A_1727] : memref<4x128xi32, #tpu.memory_space<vmem>> -> memref<1x128xi32, #tpu.memory_space<vmem>>
    %dma_start3A_1729 = tpu.memref_squeeze %dma_start3A_1728 : memref<1x128xi32, #tpu.memory_space<vmem>> -> memref<128xi32, #tpu.memory_space<vmem>>
    %dma_start3A_1730 = arith.constant 0 : i32
    %dma_start3A_1731 = tpu.memref_slice %arg6[%dma_start3A_1730] : memref<2048000xf32, #tpu.memory_space<hbm>> -> memref<2048000xf32, #tpu.memory_space<hbm>>
    tpu.enqueue_indirect_dma source(%dma_start3A_1731 : memref<2048000xf32, #tpu.memory_space<hbm>>) target(%dma_start3A_1726 : memref<128xf32, #tpu.memory_space<vmem>>) offsets(%dma_start3A_1729 : memref<128xi32, #tpu.memory_space<vmem>>) semaphore(%arg17 : memref<!tpu.dma_semaphore, #tpu.memory_space<semaphore_mem>>)
    %dma_start3A_1732 = arith.constant 3 : i32
    %dma_start3A_1733 = arith.constant 3 : i32
    %dma_start3A_1734 = arith.constant 0 : i32
    %dma_start3A_1735 = tpu.memref_slice %arg15[%dma_start3A_1733, %dma_start3A_1734] : memref<4x128xf32, #tpu.memory_space<vmem>> -> memref<1x128xf32, #tpu.memory_space<vmem>>
    %dma_start3A_1736 = tpu.memref_squeeze %dma_start3A_1735 : memref<1x128xf32, #tpu.memory_space<vmem>> -> memref<128xf32, #tpu.memory_space<vmem>>
    %dma_start3A_1737 = arith.constant 0 : i32
    %dma_start3A_1738 = tpu.memref_slice %arg13[%dma_start3A_1732, %dma_start3A_1737] : memref<4x128xi32, #tpu.memory_space<vmem>> -> memref<1x128xi32, #tpu.memory_space<vmem>>
    %dma_start3A_1739 = tpu.memref_squeeze %dma_start3A_1738 : memref<1x128xi32, #tpu.memory_space<vmem>> -> memref<128xi32, #tpu.memory_space<vmem>>
    %dma_start3A_1740 = arith.constant 0 : i32
    %dma_start3A_1741 = tpu.memref_slice %arg6[%dma_start3A_1740] : memref<2048000xf32, #tpu.memory_space<hbm>> -> memref<2048000xf32, #tpu.memory_space<hbm>>
    tpu.enqueue_indirect_dma source(%dma_start3A_1741 : memref<2048000xf32, #tpu.memory_space<hbm>>) target(%dma_start3A_1736 : memref<128xf32, #tpu.memory_space<vmem>>) offsets(%dma_start3A_1739 : memref<128xi32, #tpu.memory_space<vmem>>) semaphore(%arg17 : memref<!tpu.dma_semaphore, #tpu.memory_space<semaphore_mem>>)
    %dma_wait3A = arith.constant 0 : i32
    %dma_wait3A_1742 = arith.constant 0 : i32
    %dma_wait3A_1743 = arith.constant 0 : i32
    %dma_wait3A_1744 = tpu.memref_slice %arg14[%dma_wait3A_1742, %dma_wait3A_1743] : memref<4x128xf32, #tpu.memory_space<vmem>> -> memref<1x128xf32, #tpu.memory_space<vmem>>
    %dma_wait3A_1745 = tpu.memref_squeeze %dma_wait3A_1744 : memref<1x128xf32, #tpu.memory_space<vmem>> -> memref<128xf32, #tpu.memory_space<vmem>>
    %dma_wait3A_1746 = arith.constant 0 : i32
    %dma_wait3A_1747 = tpu.memref_slice %arg12[%dma_wait3A, %dma_wait3A_1746] : memref<4x128xi32, #tpu.memory_space<vmem>> -> memref<1x128xi32, #tpu.memory_space<vmem>>
    %dma_wait3A_1748 = tpu.memref_squeeze %dma_wait3A_1747 : memref<1x128xi32, #tpu.memory_space<vmem>> -> memref<128xi32, #tpu.memory_space<vmem>>
    %dma_wait3A_1749 = arith.constant 0 : i32
    %dma_wait3A_1750 = tpu.memref_slice %arg6[%dma_wait3A_1749] : memref<2048000xf32, #tpu.memory_space<hbm>> -> memref<2048000xf32, #tpu.memory_space<hbm>>
    tpu.wait_indirect_dma semaphore(%arg17 : memref<!tpu.dma_semaphore, #tpu.memory_space<semaphore_mem>>) src(%dma_wait3A_1750 : memref<2048000xf32, #tpu.memory_space<hbm>>) dst(%dma_wait3A_1745 : memref<128xf32, #tpu.memory_space<vmem>>)
    %dma_wait3A_1751 = arith.constant 0 : i32
    %dma_wait3A_1752 = arith.constant 0 : i32
    %dma_wait3A_1753 = arith.constant 0 : i32
    %dma_wait3A_1754 = tpu.memref_slice %arg15[%dma_wait3A_1752, %dma_wait3A_1753] : memref<4x128xf32, #tpu.memory_space<vmem>> -> memref<1x128xf32, #tpu.memory_space<vmem>>
    %dma_wait3A_1755 = tpu.memref_squeeze %dma_wait3A_1754 : memref<1x128xf32, #tpu.memory_space<vmem>> -> memref<128xf32, #tpu.memory_space<vmem>>
    %dma_wait3A_1756 = arith.constant 0 : i32
    %dma_wait3A_1757 = tpu.memref_slice %arg13[%dma_wait3A_1751, %dma_wait3A_1756] : memref<4x128xi32, #tpu.memory_space<vmem>> -> memref<1x128xi32, #tpu.memory_space<vmem>>
    %dma_wait3A_1758 = tpu.memref_squeeze %dma_wait3A_1757 : memref<1x128xi32, #tpu.memory_space<vmem>> -> memref<128xi32, #tpu.memory_space<vmem>>
    %dma_wait3A_1759 = arith.constant 0 : i32
    %dma_wait3A_1760 = tpu.memref_slice %arg6[%dma_wait3A_1759] : memref<2048000xf32, #tpu.memory_space<hbm>> -> memref<2048000xf32, #tpu.memory_space<hbm>>
    tpu.wait_indirect_dma semaphore(%arg17 : memref<!tpu.dma_semaphore, #tpu.memory_space<semaphore_mem>>) src(%dma_wait3A_1760 : memref<2048000xf32, #tpu.memory_space<hbm>>) dst(%dma_wait3A_1755 : memref<128xf32, #tpu.memory_space<vmem>>)
    %dma_wait3A_1761 = arith.constant 1 : i32
    %dma_wait3A_1762 = arith.constant 1 : i32
    %dma_wait3A_1763 = arith.constant 0 : i32
    %dma_wait3A_1764 = tpu.memref_slice %arg14[%dma_wait3A_1762, %dma_wait3A_1763] : memref<4x128xf32, #tpu.memory_space<vmem>> -> memref<1x128xf32, #tpu.memory_space<vmem>>
    %dma_wait3A_1765 = tpu.memref_squeeze %dma_wait3A_1764 : memref<1x128xf32, #tpu.memory_space<vmem>> -> memref<128xf32, #tpu.memory_space<vmem>>
    %dma_wait3A_1766 = arith.constant 0 : i32
    %dma_wait3A_1767 = tpu.memref_slice %arg12[%dma_wait3A_1761, %dma_wait3A_1766] : memref<4x128xi32, #tpu.memory_space<vmem>> -> memref<1x128xi32, #tpu.memory_space<vmem>>
    %dma_wait3A_1768 = tpu.memref_squeeze %dma_wait3A_1767 : memref<1x128xi32, #tpu.memory_space<vmem>> -> memref<128xi32, #tpu.memory_space<vmem>>
    %dma_wait3A_1769 = arith.constant 0 : i32
    %dma_wait3A_1770 = tpu.memref_slice %arg6[%dma_wait3A_1769] : memref<2048000xf32, #tpu.memory_space<hbm>> -> memref<2048000xf32, #tpu.memory_space<hbm>>
    tpu.wait_indirect_dma semaphore(%arg17 : memref<!tpu.dma_semaphore, #tpu.memory_space<semaphore_mem>>) src(%dma_wait3A_1770 : memref<2048000xf32, #tpu.memory_space<hbm>>) dst(%dma_wait3A_1765 : memref<128xf32, #tpu.memory_space<vmem>>)
    %dma_wait3A_1771 = arith.constant 1 : i32
    %dma_wait3A_1772 = arith.constant 1 : i32
    %dma_wait3A_1773 = arith.constant 0 : i32
    %dma_wait3A_1774 = tpu.memref_slice %arg15[%dma_wait3A_1772, %dma_wait3A_1773] : memref<4x128xf32, #tpu.memory_space<vmem>> -> memref<1x128xf32, #tpu.memory_space<vmem>>
    %dma_wait3A_1775 = tpu.memref_squeeze %dma_wait3A_1774 : memref<1x128xf32, #tpu.memory_space<vmem>> -> memref<128xf32, #tpu.memory_space<vmem>>
    %dma_wait3A_1776 = arith.constant 0 : i32
    %dma_wait3A_1777 = tpu.memref_slice %arg13[%dma_wait3A_1771, %dma_wait3A_1776] : memref<4x128xi32, #tpu.memory_space<vmem>> -> memref<1x128xi32, #tpu.memory_space<vmem>>
    %dma_wait3A_1778 = tpu.memref_squeeze %dma_wait3A_1777 : memref<1x128xi32, #tpu.memory_space<vmem>> -> memref<128xi32, #tpu.memory_space<vmem>>
    %dma_wait3A_1779 = arith.constant 0 : i32
    %dma_wait3A_1780 = tpu.memref_slice %arg6[%dma_wait3A_1779] : memref<2048000xf32, #tpu.memory_space<hbm>> -> memref<2048000xf32, #tpu.memory_space<hbm>>
    tpu.wait_indirect_dma semaphore(%arg17 : memref<!tpu.dma_semaphore, #tpu.memory_space<semaphore_mem>>) src(%dma_wait3A_1780 : memref<2048000xf32, #tpu.memory_space<hbm>>) dst(%dma_wait3A_1775 : memref<128xf32, #tpu.memory_space<vmem>>)
    %dma_wait3A_1781 = arith.constant 2 : i32
    %dma_wait3A_1782 = arith.constant 2 : i32
    %dma_wait3A_1783 = arith.constant 0 : i32
    %dma_wait3A_1784 = tpu.memref_slice %arg14[%dma_wait3A_1782, %dma_wait3A_1783] : memref<4x128xf32, #tpu.memory_space<vmem>> -> memref<1x128xf32, #tpu.memory_space<vmem>>
    %dma_wait3A_1785 = tpu.memref_squeeze %dma_wait3A_1784 : memref<1x128xf32, #tpu.memory_space<vmem>> -> memref<128xf32, #tpu.memory_space<vmem>>
    %dma_wait3A_1786 = arith.constant 0 : i32
    %dma_wait3A_1787 = tpu.memref_slice %arg12[%dma_wait3A_1781, %dma_wait3A_1786] : memref<4x128xi32, #tpu.memory_space<vmem>> -> memref<1x128xi32, #tpu.memory_space<vmem>>
    %dma_wait3A_1788 = tpu.memref_squeeze %dma_wait3A_1787 : memref<1x128xi32, #tpu.memory_space<vmem>> -> memref<128xi32, #tpu.memory_space<vmem>>
    %dma_wait3A_1789 = arith.constant 0 : i32
    %dma_wait3A_1790 = tpu.memref_slice %arg6[%dma_wait3A_1789] : memref<2048000xf32, #tpu.memory_space<hbm>> -> memref<2048000xf32, #tpu.memory_space<hbm>>
    tpu.wait_indirect_dma semaphore(%arg17 : memref<!tpu.dma_semaphore, #tpu.memory_space<semaphore_mem>>) src(%dma_wait3A_1790 : memref<2048000xf32, #tpu.memory_space<hbm>>) dst(%dma_wait3A_1785 : memref<128xf32, #tpu.memory_space<vmem>>)
    %dma_wait3A_1791 = arith.constant 2 : i32
    %dma_wait3A_1792 = arith.constant 2 : i32
    %dma_wait3A_1793 = arith.constant 0 : i32
    %dma_wait3A_1794 = tpu.memref_slice %arg15[%dma_wait3A_1792, %dma_wait3A_1793] : memref<4x128xf32, #tpu.memory_space<vmem>> -> memref<1x128xf32, #tpu.memory_space<vmem>>
    %dma_wait3A_1795 = tpu.memref_squeeze %dma_wait3A_1794 : memref<1x128xf32, #tpu.memory_space<vmem>> -> memref<128xf32, #tpu.memory_space<vmem>>
    %dma_wait3A_1796 = arith.constant 0 : i32
    %dma_wait3A_1797 = tpu.memref_slice %arg13[%dma_wait3A_1791, %dma_wait3A_1796] : memref<4x128xi32, #tpu.memory_space<vmem>> -> memref<1x128xi32, #tpu.memory_space<vmem>>
    %dma_wait3A_1798 = tpu.memref_squeeze %dma_wait3A_1797 : memref<1x128xi32, #tpu.memory_space<vmem>> -> memref<128xi32, #tpu.memory_space<vmem>>
    %dma_wait3A_1799 = arith.constant 0 : i32
    %dma_wait3A_1800 = tpu.memref_slice %arg6[%dma_wait3A_1799] : memref<2048000xf32, #tpu.memory_space<hbm>> -> memref<2048000xf32, #tpu.memory_space<hbm>>
    tpu.wait_indirect_dma semaphore(%arg17 : memref<!tpu.dma_semaphore, #tpu.memory_space<semaphore_mem>>) src(%dma_wait3A_1800 : memref<2048000xf32, #tpu.memory_space<hbm>>) dst(%dma_wait3A_1795 : memref<128xf32, #tpu.memory_space<vmem>>)
    %dma_wait3A_1801 = arith.constant 3 : i32
    %dma_wait3A_1802 = arith.constant 3 : i32
    %dma_wait3A_1803 = arith.constant 0 : i32
    %dma_wait3A_1804 = tpu.memref_slice %arg14[%dma_wait3A_1802, %dma_wait3A_1803] : memref<4x128xf32, #tpu.memory_space<vmem>> -> memref<1x128xf32, #tpu.memory_space<vmem>>
    %dma_wait3A_1805 = tpu.memref_squeeze %dma_wait3A_1804 : memref<1x128xf32, #tpu.memory_space<vmem>> -> memref<128xf32, #tpu.memory_space<vmem>>
    %dma_wait3A_1806 = arith.constant 0 : i32
    %dma_wait3A_1807 = tpu.memref_slice %arg12[%dma_wait3A_1801, %dma_wait3A_1806] : memref<4x128xi32, #tpu.memory_space<vmem>> -> memref<1x128xi32, #tpu.memory_space<vmem>>
    %dma_wait3A_1808 = tpu.memref_squeeze %dma_wait3A_1807 : memref<1x128xi32, #tpu.memory_space<vmem>> -> memref<128xi32, #tpu.memory_space<vmem>>
    %dma_wait3A_1809 = arith.constant 0 : i32
    %dma_wait3A_1810 = tpu.memref_slice %arg6[%dma_wait3A_1809] : memref<2048000xf32, #tpu.memory_space<hbm>> -> memref<2048000xf32, #tpu.memory_space<hbm>>
    tpu.wait_indirect_dma semaphore(%arg17 : memref<!tpu.dma_semaphore, #tpu.memory_space<semaphore_mem>>) src(%dma_wait3A_1810 : memref<2048000xf32, #tpu.memory_space<hbm>>) dst(%dma_wait3A_1805 : memref<128xf32, #tpu.memory_space<vmem>>)
    %dma_wait3A_1811 = arith.constant 3 : i32
    %dma_wait3A_1812 = arith.constant 3 : i32
    %dma_wait3A_1813 = arith.constant 0 : i32
    %dma_wait3A_1814 = tpu.memref_slice %arg15[%dma_wait3A_1812, %dma_wait3A_1813] : memref<4x128xf32, #tpu.memory_space<vmem>> -> memref<1x128xf32, #tpu.memory_space<vmem>>
    %dma_wait3A_1815 = tpu.memref_squeeze %dma_wait3A_1814 : memref<1x128xf32, #tpu.memory_space<vmem>> -> memref<128xf32, #tpu.memory_space<vmem>>
    %dma_wait3A_1816 = arith.constant 0 : i32
    %dma_wait3A_1817 = tpu.memref_slice %arg13[%dma_wait3A_1811, %dma_wait3A_1816] : memref<4x128xi32, #tpu.memory_space<vmem>> -> memref<1x128xi32, #tpu.memory_space<vmem>>
    %dma_wait3A_1818 = tpu.memref_squeeze %dma_wait3A_1817 : memref<1x128xi32, #tpu.memory_space<vmem>> -> memref<128xi32, #tpu.memory_space<vmem>>
    %dma_wait3A_1819 = arith.constant 0 : i32
    %dma_wait3A_1820 = tpu.memref_slice %arg6[%dma_wait3A_1819] : memref<2048000xf32, #tpu.memory_space<hbm>> -> memref<2048000xf32, #tpu.memory_space<hbm>>
    tpu.wait_indirect_dma semaphore(%arg17 : memref<!tpu.dma_semaphore, #tpu.memory_space<semaphore_mem>>) src(%dma_wait3A_1820 : memref<2048000xf32, #tpu.memory_space<hbm>>) dst(%dma_wait3A_1815 : memref<128xf32, #tpu.memory_space<vmem>>)
    %broadcast_in_dim3A = arith.constant 0.000000e+00 : f32
    %broadcast_in_dim3A_1821 = vector.broadcast %broadcast_in_dim3A : f32 to vector<16xf32>
    %get3A_1822 = arith.constant 0 : i32
    %get3A_1823 = arith.index_cast %get3A_1822 : i32 to index
    %get3A_1824 = arith.constant 0 : index
    %get3A_1825 = tpu.vector_load %arg14[%get3A_1823, %get3A_1824] {strides = array<i32>} : memref<4x128xf32, #tpu.memory_space<vmem>>, vector<1x16xf32>,
    %get3A_1826 = vector.shape_cast %get3A_1825 : vector<1x16xf32> to vector<16xf32>
    %get3A_1827 = arith.constant 0 : i32
    %get3A_1828 = arith.index_cast %get3A_1827 : i32 to index
    %get3A_1829 = arith.constant 0 : index
    %get3A_1830 = tpu.vector_load %arg15[%get3A_1828, %get3A_1829] {strides = array<i32>} : memref<4x128xf32, #tpu.memory_space<vmem>>, vector<1x16xf32>,
    %get3A_1831 = vector.shape_cast %get3A_1830 : vector<1x16xf32> to vector<16xf32>
    %add3A_1832 = arith.addf %get3A_1826, %get3A_1831 : vector<16xf32>
    %get3A_1833 = arith.constant 0 : index
    %get3A_1834 = tpu.vector_load %arg11[%get3A_1833] {strides = array<i32>} : memref<512xf32, #tpu.memory_space<vmem>>, vector<16xf32>,
    %get3A_1835 = vector.shape_cast %get3A_1834 : vector<16xf32> to vector<16xf32>
    %sub3A = arith.subf %add3A_1832, %get3A_1835 : vector<16xf32>
    %mul3A_1836 = arith.mulf %sub3A, %sub3A : vector<16xf32>
    %add3A_1837 = arith.addf %broadcast_in_dim3A_1821, %mul3A_1836 : vector<16xf32>
    %get3A_1838 = arith.constant 0 : i32
    %get3A_1839 = arith.index_cast %get3A_1838 : i32 to index
    %get3A_1840 = arith.constant 16 : index
    %get3A_1841 = tpu.vector_load %arg14[%get3A_1839, %get3A_1840] {strides = array<i32>} : memref<4x128xf32, #tpu.memory_space<vmem>>, vector<1x16xf32>,
    %get3A_1842 = vector.shape_cast %get3A_1841 : vector<1x16xf32> to vector<16xf32>
    %get3A_1843 = arith.constant 0 : i32
    %get3A_1844 = arith.index_cast %get3A_1843 : i32 to index
    %get3A_1845 = arith.constant 16 : index
    %get3A_1846 = tpu.vector_load %arg15[%get3A_1844, %get3A_1845] {strides = array<i32>} : memref<4x128xf32, #tpu.memory_space<vmem>>, vector<1x16xf32>,
    %get3A_1847 = vector.shape_cast %get3A_1846 : vector<1x16xf32> to vector<16xf32>
    %add3A_1848 = arith.addf %get3A_1842, %get3A_1847 : vector<16xf32>
    %get3A_1849 = arith.constant 16 : index
    %get3A_1850 = tpu.vector_load %arg11[%get3A_1849] {strides = array<i32>} : memref<512xf32, #tpu.memory_space<vmem>>, vector<16xf32>,
    %get3A_1851 = vector.shape_cast %get3A_1850 : vector<16xf32> to vector<16xf32>
    %sub3A_1852 = arith.subf %add3A_1848, %get3A_1851 : vector<16xf32>
    %mul3A_1853 = arith.mulf %sub3A_1852, %sub3A_1852 : vector<16xf32>
    %add3A_1854 = arith.addf %add3A_1837, %mul3A_1853 : vector<16xf32>
    %get3A_1855 = arith.constant 0 : i32
    %get3A_1856 = arith.index_cast %get3A_1855 : i32 to index
    %get3A_1857 = arith.constant 32 : index
    %get3A_1858 = tpu.vector_load %arg14[%get3A_1856, %get3A_1857] {strides = array<i32>} : memref<4x128xf32, #tpu.memory_space<vmem>>, vector<1x16xf32>,
    %get3A_1859 = vector.shape_cast %get3A_1858 : vector<1x16xf32> to vector<16xf32>
    %get3A_1860 = arith.constant 0 : i32
    %get3A_1861 = arith.index_cast %get3A_1860 : i32 to index
    %get3A_1862 = arith.constant 32 : index
    %get3A_1863 = tpu.vector_load %arg15[%get3A_1861, %get3A_1862] {strides = array<i32>} : memref<4x128xf32, #tpu.memory_space<vmem>>, vector<1x16xf32>,
    %get3A_1864 = vector.shape_cast %get3A_1863 : vector<1x16xf32> to vector<16xf32>
    %add3A_1865 = arith.addf %get3A_1859, %get3A_1864 : vector<16xf32>
    %get3A_1866 = arith.constant 32 : index
    %get3A_1867 = tpu.vector_load %arg11[%get3A_1866] {strides = array<i32>} : memref<512xf32, #tpu.memory_space<vmem>>, vector<16xf32>,
    %get3A_1868 = vector.shape_cast %get3A_1867 : vector<16xf32> to vector<16xf32>
    %sub3A_1869 = arith.subf %add3A_1865, %get3A_1868 : vector<16xf32>
    %mul3A_1870 = arith.mulf %sub3A_1869, %sub3A_1869 : vector<16xf32>
    %add3A_1871 = arith.addf %add3A_1854, %mul3A_1870 : vector<16xf32>
    %get3A_1872 = arith.constant 0 : i32
    %get3A_1873 = arith.index_cast %get3A_1872 : i32 to index
    %get3A_1874 = arith.constant 48 : index
    %get3A_1875 = tpu.vector_load %arg14[%get3A_1873, %get3A_1874] {strides = array<i32>} : memref<4x128xf32, #tpu.memory_space<vmem>>, vector<1x16xf32>,
    %get3A_1876 = vector.shape_cast %get3A_1875 : vector<1x16xf32> to vector<16xf32>
    %get3A_1877 = arith.constant 0 : i32
    %get3A_1878 = arith.index_cast %get3A_1877 : i32 to index
    %get3A_1879 = arith.constant 48 : index
    %get3A_1880 = tpu.vector_load %arg15[%get3A_1878, %get3A_1879] {strides = array<i32>} : memref<4x128xf32, #tpu.memory_space<vmem>>, vector<1x16xf32>,
    %get3A_1881 = vector.shape_cast %get3A_1880 : vector<1x16xf32> to vector<16xf32>
    %add3A_1882 = arith.addf %get3A_1876, %get3A_1881 : vector<16xf32>
    %get3A_1883 = arith.constant 48 : index
    %get3A_1884 = tpu.vector_load %arg11[%get3A_1883] {strides = array<i32>} : memref<512xf32, #tpu.memory_space<vmem>>, vector<16xf32>,
    %get3A_1885 = vector.shape_cast %get3A_1884 : vector<16xf32> to vector<16xf32>
    %sub3A_1886 = arith.subf %add3A_1882, %get3A_1885 : vector<16xf32>
    %mul3A_1887 = arith.mulf %sub3A_1886, %sub3A_1886 : vector<16xf32>
    %add3A_1888 = arith.addf %add3A_1871, %mul3A_1887 : vector<16xf32>
    %get3A_1889 = arith.constant 0 : i32
    %get3A_1890 = arith.index_cast %get3A_1889 : i32 to index
    %get3A_1891 = arith.constant 64 : index
    %get3A_1892 = tpu.vector_load %arg14[%get3A_1890, %get3A_1891] {strides = array<i32>} : memref<4x128xf32, #tpu.memory_space<vmem>>, vector<1x16xf32>,
    %get3A_1893 = vector.shape_cast %get3A_1892 : vector<1x16xf32> to vector<16xf32>
    %get3A_1894 = arith.constant 0 : i32
    %get3A_1895 = arith.index_cast %get3A_1894 : i32 to index
    %get3A_1896 = arith.constant 64 : index
    %get3A_1897 = tpu.vector_load %arg15[%get3A_1895, %get3A_1896] {strides = array<i32>} : memref<4x128xf32, #tpu.memory_space<vmem>>, vector<1x16xf32>,
    %get3A_1898 = vector.shape_cast %get3A_1897 : vector<1x16xf32> to vector<16xf32>
    %add3A_1899 = arith.addf %get3A_1893, %get3A_1898 : vector<16xf32>
    %get3A_1900 = arith.constant 64 : index
    %get3A_1901 = tpu.vector_load %arg11[%get3A_1900] {strides = array<i32>} : memref<512xf32, #tpu.memory_space<vmem>>, vector<16xf32>,
    %get3A_1902 = vector.shape_cast %get3A_1901 : vector<16xf32> to vector<16xf32>
    %sub3A_1903 = arith.subf %add3A_1899, %get3A_1902 : vector<16xf32>
    %mul3A_1904 = arith.mulf %sub3A_1903, %sub3A_1903 : vector<16xf32>
    %add3A_1905 = arith.addf %add3A_1888, %mul3A_1904 : vector<16xf32>
    %get3A_1906 = arith.constant 0 : i32
    %get3A_1907 = arith.index_cast %get3A_1906 : i32 to index
    %get3A_1908 = arith.constant 80 : index
    %get3A_1909 = tpu.vector_load %arg14[%get3A_1907, %get3A_1908] {strides = array<i32>} : memref<4x128xf32, #tpu.memory_space<vmem>>, vector<1x16xf32>,
    %get3A_1910 = vector.shape_cast %get3A_1909 : vector<1x16xf32> to vector<16xf32>
    %get3A_1911 = arith.constant 0 : i32
    %get3A_1912 = arith.index_cast %get3A_1911 : i32 to index
    %get3A_1913 = arith.constant 80 : index
    %get3A_1914 = tpu.vector_load %arg15[%get3A_1912, %get3A_1913] {strides = array<i32>} : memref<4x128xf32, #tpu.memory_space<vmem>>, vector<1x16xf32>,
    %get3A_1915 = vector.shape_cast %get3A_1914 : vector<1x16xf32> to vector<16xf32>
    %add3A_1916 = arith.addf %get3A_1910, %get3A_1915 : vector<16xf32>
    %get3A_1917 = arith.constant 80 : index
    %get3A_1918 = tpu.vector_load %arg11[%get3A_1917] {strides = array<i32>} : memref<512xf32, #tpu.memory_space<vmem>>, vector<16xf32>,
    %get3A_1919 = vector.shape_cast %get3A_1918 : vector<16xf32> to vector<16xf32>
    %sub3A_1920 = arith.subf %add3A_1916, %get3A_1919 : vector<16xf32>
    %mul3A_1921 = arith.mulf %sub3A_1920, %sub3A_1920 : vector<16xf32>
    %add3A_1922 = arith.addf %add3A_1905, %mul3A_1921 : vector<16xf32>
    %get3A_1923 = arith.constant 0 : i32
    %get3A_1924 = arith.index_cast %get3A_1923 : i32 to index
    %get3A_1925 = arith.constant 96 : index
    %get3A_1926 = tpu.vector_load %arg14[%get3A_1924, %get3A_1925] {strides = array<i32>} : memref<4x128xf32, #tpu.memory_space<vmem>>, vector<1x16xf32>,
    %get3A_1927 = vector.shape_cast %get3A_1926 : vector<1x16xf32> to vector<16xf32>
    %get3A_1928 = arith.constant 0 : i32
    %get3A_1929 = arith.index_cast %get3A_1928 : i32 to index
    %get3A_1930 = arith.constant 96 : index
    %get3A_1931 = tpu.vector_load %arg15[%get3A_1929, %get3A_1930] {strides = array<i32>} : memref<4x128xf32, #tpu.memory_space<vmem>>, vector<1x16xf32>,
    %get3A_1932 = vector.shape_cast %get3A_1931 : vector<1x16xf32> to vector<16xf32>
    %add3A_1933 = arith.addf %get3A_1927, %get3A_1932 : vector<16xf32>
    %get3A_1934 = arith.constant 96 : index
    %get3A_1935 = tpu.vector_load %arg11[%get3A_1934] {strides = array<i32>} : memref<512xf32, #tpu.memory_space<vmem>>, vector<16xf32>,
    %get3A_1936 = vector.shape_cast %get3A_1935 : vector<16xf32> to vector<16xf32>
    %sub3A_1937 = arith.subf %add3A_1933, %get3A_1936 : vector<16xf32>
    %mul3A_1938 = arith.mulf %sub3A_1937, %sub3A_1937 : vector<16xf32>
    %add3A_1939 = arith.addf %add3A_1922, %mul3A_1938 : vector<16xf32>
    %get3A_1940 = arith.constant 0 : i32
    %get3A_1941 = arith.index_cast %get3A_1940 : i32 to index
    %get3A_1942 = arith.constant 112 : index
    %get3A_1943 = tpu.vector_load %arg14[%get3A_1941, %get3A_1942] {strides = array<i32>} : memref<4x128xf32, #tpu.memory_space<vmem>>, vector<1x16xf32>,
    %get3A_1944 = vector.shape_cast %get3A_1943 : vector<1x16xf32> to vector<16xf32>
    %get3A_1945 = arith.constant 0 : i32
    %get3A_1946 = arith.index_cast %get3A_1945 : i32 to index
    %get3A_1947 = arith.constant 112 : index
    %get3A_1948 = tpu.vector_load %arg15[%get3A_1946, %get3A_1947] {strides = array<i32>} : memref<4x128xf32, #tpu.memory_space<vmem>>, vector<1x16xf32>,
    %get3A_1949 = vector.shape_cast %get3A_1948 : vector<1x16xf32> to vector<16xf32>
    %add3A_1950 = arith.addf %get3A_1944, %get3A_1949 : vector<16xf32>
    %get3A_1951 = arith.constant 112 : index
    %get3A_1952 = tpu.vector_load %arg11[%get3A_1951] {strides = array<i32>} : memref<512xf32, #tpu.memory_space<vmem>>, vector<16xf32>,
    %get3A_1953 = vector.shape_cast %get3A_1952 : vector<16xf32> to vector<16xf32>
    %sub3A_1954 = arith.subf %add3A_1950, %get3A_1953 : vector<16xf32>
    %mul3A_1955 = arith.mulf %sub3A_1954, %sub3A_1954 : vector<16xf32>
    %add3A_1956 = arith.addf %add3A_1939, %mul3A_1955 : vector<16xf32>
    %get3A_1957 = arith.constant 1 : i32
    %get3A_1958 = arith.index_cast %get3A_1957 : i32 to index
    %get3A_1959 = arith.constant 0 : index
    %get3A_1960 = tpu.vector_load %arg14[%get3A_1958, %get3A_1959] {strides = array<i32>} : memref<4x128xf32, #tpu.memory_space<vmem>>, vector<1x16xf32>,
    %get3A_1961 = vector.shape_cast %get3A_1960 : vector<1x16xf32> to vector<16xf32>
    %get3A_1962 = arith.constant 1 : i32
    %get3A_1963 = arith.index_cast %get3A_1962 : i32 to index
    %get3A_1964 = arith.constant 0 : index
    %get3A_1965 = tpu.vector_load %arg15[%get3A_1963, %get3A_1964] {strides = array<i32>} : memref<4x128xf32, #tpu.memory_space<vmem>>, vector<1x16xf32>,
    %get3A_1966 = vector.shape_cast %get3A_1965 : vector<1x16xf32> to vector<16xf32>
    %add3A_1967 = arith.addf %get3A_1961, %get3A_1966 : vector<16xf32>
    %get3A_1968 = arith.constant 128 : index
    %get3A_1969 = tpu.vector_load %arg11[%get3A_1968] {strides = array<i32>} : memref<512xf32, #tpu.memory_space<vmem>>, vector<16xf32>,
    %get3A_1970 = vector.shape_cast %get3A_1969 : vector<16xf32> to vector<16xf32>
    %sub3A_1971 = arith.subf %add3A_1967, %get3A_1970 : vector<16xf32>
    %mul3A_1972 = arith.mulf %sub3A_1971, %sub3A_1971 : vector<16xf32>
    %add3A_1973 = arith.addf %add3A_1956, %mul3A_1972 : vector<16xf32>
    %get3A_1974 = arith.constant 1 : i32
    %get3A_1975 = arith.index_cast %get3A_1974 : i32 to index
    %get3A_1976 = arith.constant 16 : index
    %get3A_1977 = tpu.vector_load %arg14[%get3A_1975, %get3A_1976] {strides = array<i32>} : memref<4x128xf32, #tpu.memory_space<vmem>>, vector<1x16xf32>,
    %get3A_1978 = vector.shape_cast %get3A_1977 : vector<1x16xf32> to vector<16xf32>
    %get3A_1979 = arith.constant 1 : i32
    %get3A_1980 = arith.index_cast %get3A_1979 : i32 to index
    %get3A_1981 = arith.constant 16 : index
    %get3A_1982 = tpu.vector_load %arg15[%get3A_1980, %get3A_1981] {strides = array<i32>} : memref<4x128xf32, #tpu.memory_space<vmem>>, vector<1x16xf32>,
    %get3A_1983 = vector.shape_cast %get3A_1982 : vector<1x16xf32> to vector<16xf32>
    %add3A_1984 = arith.addf %get3A_1978, %get3A_1983 : vector<16xf32>
    %get3A_1985 = arith.constant 144 : index
    %get3A_1986 = tpu.vector_load %arg11[%get3A_1985] {strides = array<i32>} : memref<512xf32, #tpu.memory_space<vmem>>, vector<16xf32>,
    %get3A_1987 = vector.shape_cast %get3A_1986 : vector<16xf32> to vector<16xf32>
    %sub3A_1988 = arith.subf %add3A_1984, %get3A_1987 : vector<16xf32>
    %mul3A_1989 = arith.mulf %sub3A_1988, %sub3A_1988 : vector<16xf32>
    %add3A_1990 = arith.addf %add3A_1973, %mul3A_1989 : vector<16xf32>
    %get3A_1991 = arith.constant 1 : i32
    %get3A_1992 = arith.index_cast %get3A_1991 : i32 to index
    %get3A_1993 = arith.constant 32 : index
    %get3A_1994 = tpu.vector_load %arg14[%get3A_1992, %get3A_1993] {strides = array<i32>} : memref<4x128xf32, #tpu.memory_space<vmem>>, vector<1x16xf32>,
    %get3A_1995 = vector.shape_cast %get3A_1994 : vector<1x16xf32> to vector<16xf32>
    %get3A_1996 = arith.constant 1 : i32
    %get3A_1997 = arith.index_cast %get3A_1996 : i32 to index
    %get3A_1998 = arith.constant 32 : index
    %get3A_1999 = tpu.vector_load %arg15[%get3A_1997, %get3A_1998] {strides = array<i32>} : memref<4x128xf32, #tpu.memory_space<vmem>>, vector<1x16xf32>,
    %get3A_2000 = vector.shape_cast %get3A_1999 : vector<1x16xf32> to vector<16xf32>
    %add3A_2001 = arith.addf %get3A_1995, %get3A_2000 : vector<16xf32>
    %get3A_2002 = arith.constant 160 : index
    %get3A_2003 = tpu.vector_load %arg11[%get3A_2002] {strides = array<i32>} : memref<512xf32, #tpu.memory_space<vmem>>, vector<16xf32>,
    %get3A_2004 = vector.shape_cast %get3A_2003 : vector<16xf32> to vector<16xf32>
    %sub3A_2005 = arith.subf %add3A_2001, %get3A_2004 : vector<16xf32>
    %mul3A_2006 = arith.mulf %sub3A_2005, %sub3A_2005 : vector<16xf32>
    %add3A_2007 = arith.addf %add3A_1990, %mul3A_2006 : vector<16xf32>
    %get3A_2008 = arith.constant 1 : i32
    %get3A_2009 = arith.index_cast %get3A_2008 : i32 to index
    %get3A_2010 = arith.constant 48 : index
    %get3A_2011 = tpu.vector_load %arg14[%get3A_2009, %get3A_2010] {strides = array<i32>} : memref<4x128xf32, #tpu.memory_space<vmem>>, vector<1x16xf32>,
    %get3A_2012 = vector.shape_cast %get3A_2011 : vector<1x16xf32> to vector<16xf32>
    %get3A_2013 = arith.constant 1 : i32
    %get3A_2014 = arith.index_cast %get3A_2013 : i32 to index
    %get3A_2015 = arith.constant 48 : index
    %get3A_2016 = tpu.vector_load %arg15[%get3A_2014, %get3A_2015] {strides = array<i32>} : memref<4x128xf32, #tpu.memory_space<vmem>>, vector<1x16xf32>,
    %get3A_2017 = vector.shape_cast %get3A_2016 : vector<1x16xf32> to vector<16xf32>
    %add3A_2018 = arith.addf %get3A_2012, %get3A_2017 : vector<16xf32>
    %get3A_2019 = arith.constant 176 : index
    %get3A_2020 = tpu.vector_load %arg11[%get3A_2019] {strides = array<i32>} : memref<512xf32, #tpu.memory_space<vmem>>, vector<16xf32>,
    %get3A_2021 = vector.shape_cast %get3A_2020 : vector<16xf32> to vector<16xf32>
    %sub3A_2022 = arith.subf %add3A_2018, %get3A_2021 : vector<16xf32>
    %mul3A_2023 = arith.mulf %sub3A_2022, %sub3A_2022 : vector<16xf32>
    %add3A_2024 = arith.addf %add3A_2007, %mul3A_2023 : vector<16xf32>
    %get3A_2025 = arith.constant 1 : i32
    %get3A_2026 = arith.index_cast %get3A_2025 : i32 to index
    %get3A_2027 = arith.constant 64 : index
    %get3A_2028 = tpu.vector_load %arg14[%get3A_2026, %get3A_2027] {strides = array<i32>} : memref<4x128xf32, #tpu.memory_space<vmem>>, vector<1x16xf32>,
    %get3A_2029 = vector.shape_cast %get3A_2028 : vector<1x16xf32> to vector<16xf32>
    %get3A_2030 = arith.constant 1 : i32
    %get3A_2031 = arith.index_cast %get3A_2030 : i32 to index
    %get3A_2032 = arith.constant 64 : index
    %get3A_2033 = tpu.vector_load %arg15[%get3A_2031, %get3A_2032] {strides = array<i32>} : memref<4x128xf32, #tpu.memory_space<vmem>>, vector<1x16xf32>,
    %get3A_2034 = vector.shape_cast %get3A_2033 : vector<1x16xf32> to vector<16xf32>
    %add3A_2035 = arith.addf %get3A_2029, %get3A_2034 : vector<16xf32>
    %get3A_2036 = arith.constant 192 : index
    %get3A_2037 = tpu.vector_load %arg11[%get3A_2036] {strides = array<i32>} : memref<512xf32, #tpu.memory_space<vmem>>, vector<16xf32>,
    %get3A_2038 = vector.shape_cast %get3A_2037 : vector<16xf32> to vector<16xf32>
    %sub3A_2039 = arith.subf %add3A_2035, %get3A_2038 : vector<16xf32>
    %mul3A_2040 = arith.mulf %sub3A_2039, %sub3A_2039 : vector<16xf32>
    %add3A_2041 = arith.addf %add3A_2024, %mul3A_2040 : vector<16xf32>
    %get3A_2042 = arith.constant 1 : i32
    %get3A_2043 = arith.index_cast %get3A_2042 : i32 to index
    %get3A_2044 = arith.constant 80 : index
    %get3A_2045 = tpu.vector_load %arg14[%get3A_2043, %get3A_2044] {strides = array<i32>} : memref<4x128xf32, #tpu.memory_space<vmem>>, vector<1x16xf32>,
    %get3A_2046 = vector.shape_cast %get3A_2045 : vector<1x16xf32> to vector<16xf32>
    %get3A_2047 = arith.constant 1 : i32
    %get3A_2048 = arith.index_cast %get3A_2047 : i32 to index
    %get3A_2049 = arith.constant 80 : index
    %get3A_2050 = tpu.vector_load %arg15[%get3A_2048, %get3A_2049] {strides = array<i32>} : memref<4x128xf32, #tpu.memory_space<vmem>>, vector<1x16xf32>,
    %get3A_2051 = vector.shape_cast %get3A_2050 : vector<1x16xf32> to vector<16xf32>
    %add3A_2052 = arith.addf %get3A_2046, %get3A_2051 : vector<16xf32>
    %get3A_2053 = arith.constant 208 : index
    %get3A_2054 = tpu.vector_load %arg11[%get3A_2053] {strides = array<i32>} : memref<512xf32, #tpu.memory_space<vmem>>, vector<16xf32>,
    %get3A_2055 = vector.shape_cast %get3A_2054 : vector<16xf32> to vector<16xf32>
    %sub3A_2056 = arith.subf %add3A_2052, %get3A_2055 : vector<16xf32>
    %mul3A_2057 = arith.mulf %sub3A_2056, %sub3A_2056 : vector<16xf32>
    %add3A_2058 = arith.addf %add3A_2041, %mul3A_2057 : vector<16xf32>
    %get3A_2059 = arith.constant 1 : i32
    %get3A_2060 = arith.index_cast %get3A_2059 : i32 to index
    %get3A_2061 = arith.constant 96 : index
    %get3A_2062 = tpu.vector_load %arg14[%get3A_2060, %get3A_2061] {strides = array<i32>} : memref<4x128xf32, #tpu.memory_space<vmem>>, vector<1x16xf32>,
    %get3A_2063 = vector.shape_cast %get3A_2062 : vector<1x16xf32> to vector<16xf32>
    %get3A_2064 = arith.constant 1 : i32
    %get3A_2065 = arith.index_cast %get3A_2064 : i32 to index
    %get3A_2066 = arith.constant 96 : index
    %get3A_2067 = tpu.vector_load %arg15[%get3A_2065, %get3A_2066] {strides = array<i32>} : memref<4x128xf32, #tpu.memory_space<vmem>>, vector<1x16xf32>,
    %get3A_2068 = vector.shape_cast %get3A_2067 : vector<1x16xf32> to vector<16xf32>
    %add3A_2069 = arith.addf %get3A_2063, %get3A_2068 : vector<16xf32>
    %get3A_2070 = arith.constant 224 : index
    %get3A_2071 = tpu.vector_load %arg11[%get3A_2070] {strides = array<i32>} : memref<512xf32, #tpu.memory_space<vmem>>, vector<16xf32>,
    %get3A_2072 = vector.shape_cast %get3A_2071 : vector<16xf32> to vector<16xf32>
    %sub3A_2073 = arith.subf %add3A_2069, %get3A_2072 : vector<16xf32>
    %mul3A_2074 = arith.mulf %sub3A_2073, %sub3A_2073 : vector<16xf32>
    %add3A_2075 = arith.addf %add3A_2058, %mul3A_2074 : vector<16xf32>
    %get3A_2076 = arith.constant 1 : i32
    %get3A_2077 = arith.index_cast %get3A_2076 : i32 to index
    %get3A_2078 = arith.constant 112 : index
    %get3A_2079 = tpu.vector_load %arg14[%get3A_2077, %get3A_2078] {strides = array<i32>} : memref<4x128xf32, #tpu.memory_space<vmem>>, vector<1x16xf32>,
    %get3A_2080 = vector.shape_cast %get3A_2079 : vector<1x16xf32> to vector<16xf32>
    %get3A_2081 = arith.constant 1 : i32
    %get3A_2082 = arith.index_cast %get3A_2081 : i32 to index
    %get3A_2083 = arith.constant 112 : index
    %get3A_2084 = tpu.vector_load %arg15[%get3A_2082, %get3A_2083] {strides = array<i32>} : memref<4x128xf32, #tpu.memory_space<vmem>>, vector<1x16xf32>,
    %get3A_2085 = vector.shape_cast %get3A_2084 : vector<1x16xf32> to vector<16xf32>
    %add3A_2086 = arith.addf %get3A_2080, %get3A_2085 : vector<16xf32>
    %get3A_2087 = arith.constant 240 : index
    %get3A_2088 = tpu.vector_load %arg11[%get3A_2087] {strides = array<i32>} : memref<512xf32, #tpu.memory_space<vmem>>, vector<16xf32>,
    %get3A_2089 = vector.shape_cast %get3A_2088 : vector<16xf32> to vector<16xf32>
    %sub3A_2090 = arith.subf %add3A_2086, %get3A_2089 : vector<16xf32>
    %mul3A_2091 = arith.mulf %sub3A_2090, %sub3A_2090 : vector<16xf32>
    %add3A_2092 = arith.addf %add3A_2075, %mul3A_2091 : vector<16xf32>
    %get3A_2093 = arith.constant 2 : i32
    %get3A_2094 = arith.index_cast %get3A_2093 : i32 to index
    %get3A_2095 = arith.constant 0 : index
    %get3A_2096 = tpu.vector_load %arg14[%get3A_2094, %get3A_2095] {strides = array<i32>} : memref<4x128xf32, #tpu.memory_space<vmem>>, vector<1x16xf32>,
    %get3A_2097 = vector.shape_cast %get3A_2096 : vector<1x16xf32> to vector<16xf32>
    %get3A_2098 = arith.constant 2 : i32
    %get3A_2099 = arith.index_cast %get3A_2098 : i32 to index
    %get3A_2100 = arith.constant 0 : index
    %get3A_2101 = tpu.vector_load %arg15[%get3A_2099, %get3A_2100] {strides = array<i32>} : memref<4x128xf32, #tpu.memory_space<vmem>>, vector<1x16xf32>,
    %get3A_2102 = vector.shape_cast %get3A_2101 : vector<1x16xf32> to vector<16xf32>
    %add3A_2103 = arith.addf %get3A_2097, %get3A_2102 : vector<16xf32>
    %get3A_2104 = arith.constant 256 : index
    %get3A_2105 = tpu.vector_load %arg11[%get3A_2104] {strides = array<i32>} : memref<512xf32, #tpu.memory_space<vmem>>, vector<16xf32>,
    %get3A_2106 = vector.shape_cast %get3A_2105 : vector<16xf32> to vector<16xf32>
    %sub3A_2107 = arith.subf %add3A_2103, %get3A_2106 : vector<16xf32>
    %mul3A_2108 = arith.mulf %sub3A_2107, %sub3A_2107 : vector<16xf32>
    %add3A_2109 = arith.addf %add3A_2092, %mul3A_2108 : vector<16xf32>
    %get3A_2110 = arith.constant 2 : i32
    %get3A_2111 = arith.index_cast %get3A_2110 : i32 to index
    %get3A_2112 = arith.constant 16 : index
    %get3A_2113 = tpu.vector_load %arg14[%get3A_2111, %get3A_2112] {strides = array<i32>} : memref<4x128xf32, #tpu.memory_space<vmem>>, vector<1x16xf32>,
    %get3A_2114 = vector.shape_cast %get3A_2113 : vector<1x16xf32> to vector<16xf32>
    %get3A_2115 = arith.constant 2 : i32
    %get3A_2116 = arith.index_cast %get3A_2115 : i32 to index
    %get3A_2117 = arith.constant 16 : index
    %get3A_2118 = tpu.vector_load %arg15[%get3A_2116, %get3A_2117] {strides = array<i32>} : memref<4x128xf32, #tpu.memory_space<vmem>>, vector<1x16xf32>,
    %get3A_2119 = vector.shape_cast %get3A_2118 : vector<1x16xf32> to vector<16xf32>
    %add3A_2120 = arith.addf %get3A_2114, %get3A_2119 : vector<16xf32>
    %get3A_2121 = arith.constant 272 : index
    %get3A_2122 = tpu.vector_load %arg11[%get3A_2121] {strides = array<i32>} : memref<512xf32, #tpu.memory_space<vmem>>, vector<16xf32>,
    %get3A_2123 = vector.shape_cast %get3A_2122 : vector<16xf32> to vector<16xf32>
    %sub3A_2124 = arith.subf %add3A_2120, %get3A_2123 : vector<16xf32>
    %mul3A_2125 = arith.mulf %sub3A_2124, %sub3A_2124 : vector<16xf32>
    %add3A_2126 = arith.addf %add3A_2109, %mul3A_2125 : vector<16xf32>
    %get3A_2127 = arith.constant 2 : i32
    %get3A_2128 = arith.index_cast %get3A_2127 : i32 to index
    %get3A_2129 = arith.constant 32 : index
    %get3A_2130 = tpu.vector_load %arg14[%get3A_2128, %get3A_2129] {strides = array<i32>} : memref<4x128xf32, #tpu.memory_space<vmem>>, vector<1x16xf32>,
    %get3A_2131 = vector.shape_cast %get3A_2130 : vector<1x16xf32> to vector<16xf32>
    %get3A_2132 = arith.constant 2 : i32
    %get3A_2133 = arith.index_cast %get3A_2132 : i32 to index
    %get3A_2134 = arith.constant 32 : index
    %get3A_2135 = tpu.vector_load %arg15[%get3A_2133, %get3A_2134] {strides = array<i32>} : memref<4x128xf32, #tpu.memory_space<vmem>>, vector<1x16xf32>,
    %get3A_2136 = vector.shape_cast %get3A_2135 : vector<1x16xf32> to vector<16xf32>
    %add3A_2137 = arith.addf %get3A_2131, %get3A_2136 : vector<16xf32>
    %get3A_2138 = arith.constant 288 : index
    %get3A_2139 = tpu.vector_load %arg11[%get3A_2138] {strides = array<i32>} : memref<512xf32, #tpu.memory_space<vmem>>, vector<16xf32>,
    %get3A_2140 = vector.shape_cast %get3A_2139 : vector<16xf32> to vector<16xf32>
    %sub3A_2141 = arith.subf %add3A_2137, %get3A_2140 : vector<16xf32>
    %mul3A_2142 = arith.mulf %sub3A_2141, %sub3A_2141 : vector<16xf32>
    %add3A_2143 = arith.addf %add3A_2126, %mul3A_2142 : vector<16xf32>
    %get3A_2144 = arith.constant 2 : i32
    %get3A_2145 = arith.index_cast %get3A_2144 : i32 to index
    %get3A_2146 = arith.constant 48 : index
    %get3A_2147 = tpu.vector_load %arg14[%get3A_2145, %get3A_2146] {strides = array<i32>} : memref<4x128xf32, #tpu.memory_space<vmem>>, vector<1x16xf32>,
    %get3A_2148 = vector.shape_cast %get3A_2147 : vector<1x16xf32> to vector<16xf32>
    %get3A_2149 = arith.constant 2 : i32
    %get3A_2150 = arith.index_cast %get3A_2149 : i32 to index
    %get3A_2151 = arith.constant 48 : index
    %get3A_2152 = tpu.vector_load %arg15[%get3A_2150, %get3A_2151] {strides = array<i32>} : memref<4x128xf32, #tpu.memory_space<vmem>>, vector<1x16xf32>,
    %get3A_2153 = vector.shape_cast %get3A_2152 : vector<1x16xf32> to vector<16xf32>
    %add3A_2154 = arith.addf %get3A_2148, %get3A_2153 : vector<16xf32>
    %get3A_2155 = arith.constant 304 : index
    %get3A_2156 = tpu.vector_load %arg11[%get3A_2155] {strides = array<i32>} : memref<512xf32, #tpu.memory_space<vmem>>, vector<16xf32>,
    %get3A_2157 = vector.shape_cast %get3A_2156 : vector<16xf32> to vector<16xf32>
    %sub3A_2158 = arith.subf %add3A_2154, %get3A_2157 : vector<16xf32>
    %mul3A_2159 = arith.mulf %sub3A_2158, %sub3A_2158 : vector<16xf32>
    %add3A_2160 = arith.addf %add3A_2143, %mul3A_2159 : vector<16xf32>
    %get3A_2161 = arith.constant 2 : i32
    %get3A_2162 = arith.index_cast %get3A_2161 : i32 to index
    %get3A_2163 = arith.constant 64 : index
    %get3A_2164 = tpu.vector_load %arg14[%get3A_2162, %get3A_2163] {strides = array<i32>} : memref<4x128xf32, #tpu.memory_space<vmem>>, vector<1x16xf32>,
    %get3A_2165 = vector.shape_cast %get3A_2164 : vector<1x16xf32> to vector<16xf32>
    %get3A_2166 = arith.constant 2 : i32
    %get3A_2167 = arith.index_cast %get3A_2166 : i32 to index
    %get3A_2168 = arith.constant 64 : index
    %get3A_2169 = tpu.vector_load %arg15[%get3A_2167, %get3A_2168] {strides = array<i32>} : memref<4x128xf32, #tpu.memory_space<vmem>>, vector<1x16xf32>,
    %get3A_2170 = vector.shape_cast %get3A_2169 : vector<1x16xf32> to vector<16xf32>
    %add3A_2171 = arith.addf %get3A_2165, %get3A_2170 : vector<16xf32>
    %get3A_2172 = arith.constant 320 : index
    %get3A_2173 = tpu.vector_load %arg11[%get3A_2172] {strides = array<i32>} : memref<512xf32, #tpu.memory_space<vmem>>, vector<16xf32>,
    %get3A_2174 = vector.shape_cast %get3A_2173 : vector<16xf32> to vector<16xf32>
    %sub3A_2175 = arith.subf %add3A_2171, %get3A_2174 : vector<16xf32>
    %mul3A_2176 = arith.mulf %sub3A_2175, %sub3A_2175 : vector<16xf32>
    %add3A_2177 = arith.addf %add3A_2160, %mul3A_2176 : vector<16xf32>
    %get3A_2178 = arith.constant 2 : i32
    %get3A_2179 = arith.index_cast %get3A_2178 : i32 to index
    %get3A_2180 = arith.constant 80 : index
    %get3A_2181 = tpu.vector_load %arg14[%get3A_2179, %get3A_2180] {strides = array<i32>} : memref<4x128xf32, #tpu.memory_space<vmem>>, vector<1x16xf32>,
    %get3A_2182 = vector.shape_cast %get3A_2181 : vector<1x16xf32> to vector<16xf32>
    %get3A_2183 = arith.constant 2 : i32
    %get3A_2184 = arith.index_cast %get3A_2183 : i32 to index
    %get3A_2185 = arith.constant 80 : index
    %get3A_2186 = tpu.vector_load %arg15[%get3A_2184, %get3A_2185] {strides = array<i32>} : memref<4x128xf32, #tpu.memory_space<vmem>>, vector<1x16xf32>,
    %get3A_2187 = vector.shape_cast %get3A_2186 : vector<1x16xf32> to vector<16xf32>
    %add3A_2188 = arith.addf %get3A_2182, %get3A_2187 : vector<16xf32>
    %get3A_2189 = arith.constant 336 : index
    %get3A_2190 = tpu.vector_load %arg11[%get3A_2189] {strides = array<i32>} : memref<512xf32, #tpu.memory_space<vmem>>, vector<16xf32>,
    %get3A_2191 = vector.shape_cast %get3A_2190 : vector<16xf32> to vector<16xf32>
    %sub3A_2192 = arith.subf %add3A_2188, %get3A_2191 : vector<16xf32>
    %mul3A_2193 = arith.mulf %sub3A_2192, %sub3A_2192 : vector<16xf32>
    %add3A_2194 = arith.addf %add3A_2177, %mul3A_2193 : vector<16xf32>
    %get3A_2195 = arith.constant 2 : i32
    %get3A_2196 = arith.index_cast %get3A_2195 : i32 to index
    %get3A_2197 = arith.constant 96 : index
    %get3A_2198 = tpu.vector_load %arg14[%get3A_2196, %get3A_2197] {strides = array<i32>} : memref<4x128xf32, #tpu.memory_space<vmem>>, vector<1x16xf32>,
    %get3A_2199 = vector.shape_cast %get3A_2198 : vector<1x16xf32> to vector<16xf32>
    %get3A_2200 = arith.constant 2 : i32
    %get3A_2201 = arith.index_cast %get3A_2200 : i32 to index
    %get3A_2202 = arith.constant 96 : index
    %get3A_2203 = tpu.vector_load %arg15[%get3A_2201, %get3A_2202] {strides = array<i32>} : memref<4x128xf32, #tpu.memory_space<vmem>>, vector<1x16xf32>,
    %get3A_2204 = vector.shape_cast %get3A_2203 : vector<1x16xf32> to vector<16xf32>
    %add3A_2205 = arith.addf %get3A_2199, %get3A_2204 : vector<16xf32>
    %get3A_2206 = arith.constant 352 : index
    %get3A_2207 = tpu.vector_load %arg11[%get3A_2206] {strides = array<i32>} : memref<512xf32, #tpu.memory_space<vmem>>, vector<16xf32>,
    %get3A_2208 = vector.shape_cast %get3A_2207 : vector<16xf32> to vector<16xf32>
    %sub3A_2209 = arith.subf %add3A_2205, %get3A_2208 : vector<16xf32>
    %mul3A_2210 = arith.mulf %sub3A_2209, %sub3A_2209 : vector<16xf32>
    %add3A_2211 = arith.addf %add3A_2194, %mul3A_2210 : vector<16xf32>
    %get3A_2212 = arith.constant 2 : i32
    %get3A_2213 = arith.index_cast %get3A_2212 : i32 to index
    %get3A_2214 = arith.constant 112 : index
    %get3A_2215 = tpu.vector_load %arg14[%get3A_2213, %get3A_2214] {strides = array<i32>} : memref<4x128xf32, #tpu.memory_space<vmem>>, vector<1x16xf32>,
    %get3A_2216 = vector.shape_cast %get3A_2215 : vector<1x16xf32> to vector<16xf32>
    %get3A_2217 = arith.constant 2 : i32
    %get3A_2218 = arith.index_cast %get3A_2217 : i32 to index
    %get3A_2219 = arith.constant 112 : index
    %get3A_2220 = tpu.vector_load %arg15[%get3A_2218, %get3A_2219] {strides = array<i32>} : memref<4x128xf32, #tpu.memory_space<vmem>>, vector<1x16xf32>,
    %get3A_2221 = vector.shape_cast %get3A_2220 : vector<1x16xf32> to vector<16xf32>
    %add3A_2222 = arith.addf %get3A_2216, %get3A_2221 : vector<16xf32>
    %get3A_2223 = arith.constant 368 : index
    %get3A_2224 = tpu.vector_load %arg11[%get3A_2223] {strides = array<i32>} : memref<512xf32, #tpu.memory_space<vmem>>, vector<16xf32>,
    %get3A_2225 = vector.shape_cast %get3A_2224 : vector<16xf32> to vector<16xf32>
    %sub3A_2226 = arith.subf %add3A_2222, %get3A_2225 : vector<16xf32>
    %mul3A_2227 = arith.mulf %sub3A_2226, %sub3A_2226 : vector<16xf32>
    %add3A_2228 = arith.addf %add3A_2211, %mul3A_2227 : vector<16xf32>
    %get3A_2229 = arith.constant 3 : i32
    %get3A_2230 = arith.index_cast %get3A_2229 : i32 to index
    %get3A_2231 = arith.constant 0 : index
    %get3A_2232 = tpu.vector_load %arg14[%get3A_2230, %get3A_2231] {strides = array<i32>} : memref<4x128xf32, #tpu.memory_space<vmem>>, vector<1x16xf32>,
    %get3A_2233 = vector.shape_cast %get3A_2232 : vector<1x16xf32> to vector<16xf32>
    %get3A_2234 = arith.constant 3 : i32
    %get3A_2235 = arith.index_cast %get3A_2234 : i32 to index
    %get3A_2236 = arith.constant 0 : index
    %get3A_2237 = tpu.vector_load %arg15[%get3A_2235, %get3A_2236] {strides = array<i32>} : memref<4x128xf32, #tpu.memory_space<vmem>>, vector<1x16xf32>,
    %get3A_2238 = vector.shape_cast %get3A_2237 : vector<1x16xf32> to vector<16xf32>
    %add3A_2239 = arith.addf %get3A_2233, %get3A_2238 : vector<16xf32>
    %get3A_2240 = arith.constant 384 : index
    %get3A_2241 = tpu.vector_load %arg11[%get3A_2240] {strides = array<i32>} : memref<512xf32, #tpu.memory_space<vmem>>, vector<16xf32>,
    %get3A_2242 = vector.shape_cast %get3A_2241 : vector<16xf32> to vector<16xf32>
    %sub3A_2243 = arith.subf %add3A_2239, %get3A_2242 : vector<16xf32>
    %mul3A_2244 = arith.mulf %sub3A_2243, %sub3A_2243 : vector<16xf32>
    %add3A_2245 = arith.addf %add3A_2228, %mul3A_2244 : vector<16xf32>
    %get3A_2246 = arith.constant 3 : i32
    %get3A_2247 = arith.index_cast %get3A_2246 : i32 to index
    %get3A_2248 = arith.constant 16 : index
    %get3A_2249 = tpu.vector_load %arg14[%get3A_2247, %get3A_2248] {strides = array<i32>} : memref<4x128xf32, #tpu.memory_space<vmem>>, vector<1x16xf32>,
    %get3A_2250 = vector.shape_cast %get3A_2249 : vector<1x16xf32> to vector<16xf32>
    %get3A_2251 = arith.constant 3 : i32
    %get3A_2252 = arith.index_cast %get3A_2251 : i32 to index
    %get3A_2253 = arith.constant 16 : index
    %get3A_2254 = tpu.vector_load %arg15[%get3A_2252, %get3A_2253] {strides = array<i32>} : memref<4x128xf32, #tpu.memory_space<vmem>>, vector<1x16xf32>,
    %get3A_2255 = vector.shape_cast %get3A_2254 : vector<1x16xf32> to vector<16xf32>
    %add3A_2256 = arith.addf %get3A_2250, %get3A_2255 : vector<16xf32>
    %get3A_2257 = arith.constant 400 : index
    %get3A_2258 = tpu.vector_load %arg11[%get3A_2257] {strides = array<i32>} : memref<512xf32, #tpu.memory_space<vmem>>, vector<16xf32>,
    %get3A_2259 = vector.shape_cast %get3A_2258 : vector<16xf32> to vector<16xf32>
    %sub3A_2260 = arith.subf %add3A_2256, %get3A_2259 : vector<16xf32>
    %mul3A_2261 = arith.mulf %sub3A_2260, %sub3A_2260 : vector<16xf32>
    %add3A_2262 = arith.addf %add3A_2245, %mul3A_2261 : vector<16xf32>
    %get3A_2263 = arith.constant 3 : i32
    %get3A_2264 = arith.index_cast %get3A_2263 : i32 to index
    %get3A_2265 = arith.constant 32 : index
    %get3A_2266 = tpu.vector_load %arg14[%get3A_2264, %get3A_2265] {strides = array<i32>} : memref<4x128xf32, #tpu.memory_space<vmem>>, vector<1x16xf32>,
    %get3A_2267 = vector.shape_cast %get3A_2266 : vector<1x16xf32> to vector<16xf32>
    %get3A_2268 = arith.constant 3 : i32
    %get3A_2269 = arith.index_cast %get3A_2268 : i32 to index
    %get3A_2270 = arith.constant 32 : index
    %get3A_2271 = tpu.vector_load %arg15[%get3A_2269, %get3A_2270] {strides = array<i32>} : memref<4x128xf32, #tpu.memory_space<vmem>>, vector<1x16xf32>,
    %get3A_2272 = vector.shape_cast %get3A_2271 : vector<1x16xf32> to vector<16xf32>
    %add3A_2273 = arith.addf %get3A_2267, %get3A_2272 : vector<16xf32>
    %get3A_2274 = arith.constant 416 : index
    %get3A_2275 = tpu.vector_load %arg11[%get3A_2274] {strides = array<i32>} : memref<512xf32, #tpu.memory_space<vmem>>, vector<16xf32>,
    %get3A_2276 = vector.shape_cast %get3A_2275 : vector<16xf32> to vector<16xf32>
    %sub3A_2277 = arith.subf %add3A_2273, %get3A_2276 : vector<16xf32>
    %mul3A_2278 = arith.mulf %sub3A_2277, %sub3A_2277 : vector<16xf32>
    %add3A_2279 = arith.addf %add3A_2262, %mul3A_2278 : vector<16xf32>
    %get3A_2280 = arith.constant 3 : i32
    %get3A_2281 = arith.index_cast %get3A_2280 : i32 to index
    %get3A_2282 = arith.constant 48 : index
    %get3A_2283 = tpu.vector_load %arg14[%get3A_2281, %get3A_2282] {strides = array<i32>} : memref<4x128xf32, #tpu.memory_space<vmem>>, vector<1x16xf32>,
    %get3A_2284 = vector.shape_cast %get3A_2283 : vector<1x16xf32> to vector<16xf32>
    %get3A_2285 = arith.constant 3 : i32
    %get3A_2286 = arith.index_cast %get3A_2285 : i32 to index
    %get3A_2287 = arith.constant 48 : index
    %get3A_2288 = tpu.vector_load %arg15[%get3A_2286, %get3A_2287] {strides = array<i32>} : memref<4x128xf32, #tpu.memory_space<vmem>>, vector<1x16xf32>,
    %get3A_2289 = vector.shape_cast %get3A_2288 : vector<1x16xf32> to vector<16xf32>
    %add3A_2290 = arith.addf %get3A_2284, %get3A_2289 : vector<16xf32>
    %get3A_2291 = arith.constant 432 : index
    %get3A_2292 = tpu.vector_load %arg11[%get3A_2291] {strides = array<i32>} : memref<512xf32, #tpu.memory_space<vmem>>, vector<16xf32>,
    %get3A_2293 = vector.shape_cast %get3A_2292 : vector<16xf32> to vector<16xf32>
    %sub3A_2294 = arith.subf %add3A_2290, %get3A_2293 : vector<16xf32>
    %mul3A_2295 = arith.mulf %sub3A_2294, %sub3A_2294 : vector<16xf32>
    %add3A_2296 = arith.addf %add3A_2279, %mul3A_2295 : vector<16xf32>
    %get3A_2297 = arith.constant 3 : i32
    %get3A_2298 = arith.index_cast %get3A_2297 : i32 to index
    %get3A_2299 = arith.constant 64 : index
    %get3A_2300 = tpu.vector_load %arg14[%get3A_2298, %get3A_2299] {strides = array<i32>} : memref<4x128xf32, #tpu.memory_space<vmem>>, vector<1x16xf32>,
    %get3A_2301 = vector.shape_cast %get3A_2300 : vector<1x16xf32> to vector<16xf32>
    %get3A_2302 = arith.constant 3 : i32
    %get3A_2303 = arith.index_cast %get3A_2302 : i32 to index
    %get3A_2304 = arith.constant 64 : index
    %get3A_2305 = tpu.vector_load %arg15[%get3A_2303, %get3A_2304] {strides = array<i32>} : memref<4x128xf32, #tpu.memory_space<vmem>>, vector<1x16xf32>,
    %get3A_2306 = vector.shape_cast %get3A_2305 : vector<1x16xf32> to vector<16xf32>
    %add3A_2307 = arith.addf %get3A_2301, %get3A_2306 : vector<16xf32>
    %get3A_2308 = arith.constant 448 : index
    %get3A_2309 = tpu.vector_load %arg11[%get3A_2308] {strides = array<i32>} : memref<512xf32, #tpu.memory_space<vmem>>, vector<16xf32>,
    %get3A_2310 = vector.shape_cast %get3A_2309 : vector<16xf32> to vector<16xf32>
    %sub3A_2311 = arith.subf %add3A_2307, %get3A_2310 : vector<16xf32>
    %mul3A_2312 = arith.mulf %sub3A_2311, %sub3A_2311 : vector<16xf32>
    %add3A_2313 = arith.addf %add3A_2296, %mul3A_2312 : vector<16xf32>
    %get3A_2314 = arith.constant 3 : i32
    %get3A_2315 = arith.index_cast %get3A_2314 : i32 to index
    %get3A_2316 = arith.constant 80 : index
    %get3A_2317 = tpu.vector_load %arg14[%get3A_2315, %get3A_2316] {strides = array<i32>} : memref<4x128xf32, #tpu.memory_space<vmem>>, vector<1x16xf32>,
    %get3A_2318 = vector.shape_cast %get3A_2317 : vector<1x16xf32> to vector<16xf32>
    %get3A_2319 = arith.constant 3 : i32
    %get3A_2320 = arith.index_cast %get3A_2319 : i32 to index
    %get3A_2321 = arith.constant 80 : index
    %get3A_2322 = tpu.vector_load %arg15[%get3A_2320, %get3A_2321] {strides = array<i32>} : memref<4x128xf32, #tpu.memory_space<vmem>>, vector<1x16xf32>,
    %get3A_2323 = vector.shape_cast %get3A_2322 : vector<1x16xf32> to vector<16xf32>
    %add3A_2324 = arith.addf %get3A_2318, %get3A_2323 : vector<16xf32>
    %get3A_2325 = arith.constant 464 : index
    %get3A_2326 = tpu.vector_load %arg11[%get3A_2325] {strides = array<i32>} : memref<512xf32, #tpu.memory_space<vmem>>, vector<16xf32>,
    %get3A_2327 = vector.shape_cast %get3A_2326 : vector<16xf32> to vector<16xf32>
    %sub3A_2328 = arith.subf %add3A_2324, %get3A_2327 : vector<16xf32>
    %mul3A_2329 = arith.mulf %sub3A_2328, %sub3A_2328 : vector<16xf32>
    %add3A_2330 = arith.addf %add3A_2313, %mul3A_2329 : vector<16xf32>
    %get3A_2331 = arith.constant 3 : i32
    %get3A_2332 = arith.index_cast %get3A_2331 : i32 to index
    %get3A_2333 = arith.constant 96 : index
    %get3A_2334 = tpu.vector_load %arg14[%get3A_2332, %get3A_2333] {strides = array<i32>} : memref<4x128xf32, #tpu.memory_space<vmem>>, vector<1x16xf32>,
    %get3A_2335 = vector.shape_cast %get3A_2334 : vector<1x16xf32> to vector<16xf32>
    %get3A_2336 = arith.constant 3 : i32
    %get3A_2337 = arith.index_cast %get3A_2336 : i32 to index
    %get3A_2338 = arith.constant 96 : index
    %get3A_2339 = tpu.vector_load %arg15[%get3A_2337, %get3A_2338] {strides = array<i32>} : memref<4x128xf32, #tpu.memory_space<vmem>>, vector<1x16xf32>,
    %get3A_2340 = vector.shape_cast %get3A_2339 : vector<1x16xf32> to vector<16xf32>
    %add3A_2341 = arith.addf %get3A_2335, %get3A_2340 : vector<16xf32>
    %get3A_2342 = arith.constant 480 : index
    %get3A_2343 = tpu.vector_load %arg11[%get3A_2342] {strides = array<i32>} : memref<512xf32, #tpu.memory_space<vmem>>, vector<16xf32>,
    %get3A_2344 = vector.shape_cast %get3A_2343 : vector<16xf32> to vector<16xf32>
    %sub3A_2345 = arith.subf %add3A_2341, %get3A_2344 : vector<16xf32>
    %mul3A_2346 = arith.mulf %sub3A_2345, %sub3A_2345 : vector<16xf32>
    %add3A_2347 = arith.addf %add3A_2330, %mul3A_2346 : vector<16xf32>
    %get3A_2348 = arith.constant 3 : i32
    %get3A_2349 = arith.index_cast %get3A_2348 : i32 to index
    %get3A_2350 = arith.constant 112 : index
    %get3A_2351 = tpu.vector_load %arg14[%get3A_2349, %get3A_2350] {strides = array<i32>} : memref<4x128xf32, #tpu.memory_space<vmem>>, vector<1x16xf32>,
    %get3A_2352 = vector.shape_cast %get3A_2351 : vector<1x16xf32> to vector<16xf32>
    %get3A_2353 = arith.constant 3 : i32
    %get3A_2354 = arith.index_cast %get3A_2353 : i32 to index
    %get3A_2355 = arith.constant 112 : index
    %get3A_2356 = tpu.vector_load %arg15[%get3A_2354, %get3A_2355] {strides = array<i32>} : memref<4x128xf32, #tpu.memory_space<vmem>>, vector<1x16xf32>,
    %get3A_2357 = vector.shape_cast %get3A_2356 : vector<1x16xf32> to vector<16xf32>
    %add3A_2358 = arith.addf %get3A_2352, %get3A_2357 : vector<16xf32>
    %get3A_2359 = arith.constant 496 : index
    %get3A_2360 = tpu.vector_load %arg11[%get3A_2359] {strides = array<i32>} : memref<512xf32, #tpu.memory_space<vmem>>, vector<16xf32>,
    %get3A_2361 = vector.shape_cast %get3A_2360 : vector<16xf32> to vector<16xf32>
    %sub3A_2362 = arith.subf %add3A_2358, %get3A_2361 : vector<16xf32>
    %mul3A_2363 = arith.mulf %sub3A_2362, %sub3A_2362 : vector<16xf32>
    %add3A_2364 = arith.addf %add3A_2347, %mul3A_2363 : vector<16xf32>
    %swap3A_2365 = arith.constant 0 : index
    %swap3A_2366 = tpu.vector_load %arg16[%swap3A_2365] {strides = array<i32>} : memref<16xf32, #tpu.memory_space<vmem>>, vector<16xf32>,
    %swap3A_2367 = vector.shape_cast %swap3A_2366 : vector<16xf32> to vector<16xf32>
    %swap3A_2368 = vector.shape_cast %add3A_2364 : vector<16xf32> to vector<16xf32>
    tpu.vector_store %arg16[%swap3A_2365], %swap3A_2368 {strides = array<i32>} : memref<16xf32, #tpu.memory_space<vmem>>, vector<16xf32>,
    "tpu.region"() ({
      %run_scoped3A = tpu.sem_alloc : memref<!tpu.dma_semaphore, #tpu.memory_space<semaphore_mem>>
      %dma_start3A_2369 = arith.constant 0 : i32
      %dma_start3A_2370 = tpu.memref_slice %arg7[%add3A, %dma_start3A_2369] : memref<32x16xf32, #tpu.memory_space<hbm>> -> memref<1x16xf32, #tpu.memory_space<hbm>>
      %dma_start3A_2371 = tpu.memref_squeeze %dma_start3A_2370 : memref<1x16xf32, #tpu.memory_space<hbm>> -> memref<16xf32, #tpu.memory_space<hbm>>
      %dma_start3A_2372 = arith.constant 0 : i32
      %dma_start3A_2373 = tpu.memref_slice %arg7[%add3A, %dma_start3A_2372] : memref<32x16xf32, #tpu.memory_space<hbm>> -> memref<1x16xf32, #tpu.memory_space<hbm>>
      %dma_start3A_2374 = tpu.memref_squeeze %dma_start3A_2373 : memref<1x16xf32, #tpu.memory_space<hbm>> -> memref<16xf32, #tpu.memory_space<hbm>>
      tpu.enqueue_dma source(%arg16 : memref<16xf32, #tpu.memory_space<vmem>>) target(%dma_start3A_2374 : memref<16xf32, #tpu.memory_space<hbm>>) target_semaphore(%run_scoped3A : memref<!tpu.dma_semaphore, #tpu.memory_space<semaphore_mem>>)
      %dma_wait3A_2375 = arith.constant 0 : i32
      %dma_wait3A_2376 = tpu.memref_slice %arg7[%add3A, %dma_wait3A_2375] : memref<32x16xf32, #tpu.memory_space<hbm>> -> memref<1x16xf32, #tpu.memory_space<hbm>>
      %dma_wait3A_2377 = tpu.memref_squeeze %dma_wait3A_2376 : memref<1x16xf32, #tpu.memory_space<hbm>> -> memref<16xf32, #tpu.memory_space<hbm>>
      %dma_wait3A_2378 = arith.constant 0 : i32
      %dma_wait3A_2379 = tpu.memref_slice %arg7[%add3A, %dma_wait3A_2378] : memref<32x16xf32, #tpu.memory_space<hbm>> -> memref<1x16xf32, #tpu.memory_space<hbm>>
      %dma_wait3A_2380 = tpu.memref_squeeze %dma_wait3A_2379 : memref<1x16xf32, #tpu.memory_space<hbm>> -> memref<16xf32, #tpu.memory_space<hbm>>
      tpu.wait_dma2 semaphore(%run_scoped3A : memref<!tpu.dma_semaphore, #tpu.memory_space<semaphore_mem>>) src(%arg16 : memref<16xf32, #tpu.memory_space<vmem>>) dst(%dma_wait3A_2380 : memref<16xf32, #tpu.memory_space<hbm>>)
      tpu.yield
    }) : () -> ()
    return
  }
}

module attributes {stable_mosaic.version = 14 : i64} {
  func.func @_gram_body(%arg0: memref<1000x128xf32, #tpu.memory_space<vmem>>, %arg1: memref<1000x128xf32, #tpu.memory_space<vmem>>, %arg2: memref<1000x128xf32, #tpu.memory_space<vmem>>, %arg3: memref<1000x128xf32, #tpu.memory_space<vmem>>, %arg4: memref<1x1000xf32, #tpu.memory_space<vmem>>, %arg5: memref<1x1000xf32, #tpu.memory_space<vmem>>, %arg6: memref<2x8x1000x128xf32, #tpu.memory_space<vmem>>) attributes {dimension_semantics = [], scalar_prefetch = 0 : i64, scratch_operands = 0 : i64, tpu.core_type = #tpu.core_type<tc>} {
    %get3A = arith.constant 0 : index
    %get3A_0 = arith.constant 0 : index
    %get3A_1 = vector.load %arg0[%get3A, %get3A_0] : memref<1000x128xf32, #tpu.memory_space<vmem>>, vector<1000x128xf32>
    %get3A_2 = arith.constant 0 : index
    %get3A_3 = arith.constant 0 : index
    %get3A_4 = vector.load %arg1[%get3A_2, %get3A_3] : memref<1000x128xf32, #tpu.memory_space<vmem>>, vector<1000x128xf32>
    %dot_general3A = arith.constant dense<0.000000e+00> : vector<1000x1000xf32>
    %dot_general3A_5 = tpu.matmul %get3A_1, %get3A_4, %dot_general3A {dimension_numbers = #tpu.dot_dimension_numbers<[1], [1], [0], [0], [0, 0, 1, 0], [], []>, transpose_lhs_hint = false} : vector<1000x128xf32>, vector<1000x128xf32>, vector<1000x1000xf32> -> vector<1000x1000xf32>
    %get3A_6 = arith.constant 0 : index
    %get3A_7 = arith.constant 0 : index
    %get3A_8 = vector.load %arg4[%get3A_6, %get3A_7] : memref<1x1000xf32, #tpu.memory_space<vmem>>, vector<1x1000xf32>
    %get3A_9 = vector.shape_cast %get3A_8 : vector<1x1000xf32> to vector<1000xf32>
    %broadcast_in_dim3A = vector.shape_cast %get3A_9 : vector<1000xf32> to vector<1000x1xf32>
    %add3A = vector.broadcast %broadcast_in_dim3A : vector<1000x1xf32> to vector<1000x1000xf32>
    %add3A_10 = arith.addf %dot_general3A_5, %add3A : vector<1000x1000xf32>
    %get3A_11 = arith.constant 0 : index
    %get3A_12 = arith.constant 0 : index
    %get3A_13 = vector.load %arg5[%get3A_11, %get3A_12] : memref<1x1000xf32, #tpu.memory_space<vmem>>, vector<1x1000xf32>
    %get3A_14 = vector.shape_cast %get3A_13 : vector<1x1000xf32> to vector<1000xf32>
    %broadcast_in_dim3A_15 = vector.shape_cast %get3A_14 : vector<1000xf32> to vector<1x1000xf32>
    %add3A_16 = vector.broadcast %broadcast_in_dim3A_15 : vector<1x1000xf32> to vector<1000x1000xf32>
    %add3A_17 = arith.addf %add3A_10, %add3A_16 : vector<1000x1000xf32>
    %jit3A = arith.constant 0 : i32
    %convert_element_type3A = arith.sitofp %jit3A : i32 to f32
    %pad3A = vector.broadcast %convert_element_type3A : f32 to vector<1000x24xf32>
    %pad3A_18 = tpu.concatenate %add3A_17, %pad3A in 1 : vector<1000x1000xf32>, vector<1000x24xf32> -> vector<1000x1024xf32>
    %get3A_19 = arith.constant 0 : index
    %get3A_20 = arith.constant 0 : index
    %get3A_21 = vector.load %arg2[%get3A_19, %get3A_20] : memref<1000x128xf32, #tpu.memory_space<vmem>>, vector<1000x128xf32>
    %get3A_22 = arith.constant 0 : index
    %get3A_23 = arith.constant 0 : index
    %get3A_24 = vector.load %arg3[%get3A_22, %get3A_23] : memref<1000x128xf32, #tpu.memory_space<vmem>>, vector<1000x128xf32>
    %dot_general3A_25 = arith.constant dense<0.000000e+00> : vector<1000x1000xf32>
    %dot_general3A_26 = tpu.matmul %get3A_21, %get3A_24, %dot_general3A_25 {dimension_numbers = #tpu.dot_dimension_numbers<[1], [1], [0], [0], [0, 0, 1, 0], [], []>, transpose_lhs_hint = false} : vector<1000x128xf32>, vector<1000x128xf32>, vector<1000x1000xf32> -> vector<1000x1000xf32>
    %jit3A_27 = arith.constant 0 : i32
    %convert_element_type3A_28 = arith.sitofp %jit3A_27 : i32 to f32
    %pad3A_29 = vector.broadcast %convert_element_type3A_28 : f32 to vector<1000x24xf32>
    %pad3A_30 = tpu.concatenate %dot_general3A_26, %pad3A_29 in 1 : vector<1000x1000xf32>, vector<1000x24xf32> -> vector<1000x1024xf32>
    %slice3A = vector.extract_strided_slice %pad3A_18 {offsets = [0, 0], sizes = [1000, 128], strides = [1, 1]} : vector<1000x1024xf32> to vector<1000x128xf32>
    %swap3A = arith.constant 0 : index
    %swap3A_31 = arith.constant 0 : index
    %swap3A_32 = arith.constant 0 : index
    %swap3A_33 = arith.constant 0 : index
    %swap3A_34 = vector.load %arg6[%swap3A, %swap3A_31, %swap3A_32, %swap3A_33] : memref<2x8x1000x128xf32, #tpu.memory_space<vmem>>, vector<1x1x1000x128xf32>
    %swap3A_35 = vector.shape_cast %swap3A_34 : vector<1x1x1000x128xf32> to vector<1000x128xf32>
    %swap3A_36 = vector.shape_cast %slice3A : vector<1000x128xf32> to vector<1x1x1000x128xf32>
    tpu.vector_store %arg6[%swap3A, %swap3A_31, %swap3A_32, %swap3A_33], %swap3A_36 {strides = array<i32>} : memref<2x8x1000x128xf32, #tpu.memory_space<vmem>>, vector<1x1x1000x128xf32>,
    %slice3A_37 = vector.extract_strided_slice %pad3A_30 {offsets = [0, 0], sizes = [1000, 128], strides = [1, 1]} : vector<1000x1024xf32> to vector<1000x128xf32>
    %swap3A_38 = arith.constant 1 : index
    %swap3A_39 = arith.constant 0 : index
    %swap3A_40 = arith.constant 0 : index
    %swap3A_41 = arith.constant 0 : index
    %swap3A_42 = vector.load %arg6[%swap3A_38, %swap3A_39, %swap3A_40, %swap3A_41] : memref<2x8x1000x128xf32, #tpu.memory_space<vmem>>, vector<1x1x1000x128xf32>
    %swap3A_43 = vector.shape_cast %swap3A_42 : vector<1x1x1000x128xf32> to vector<1000x128xf32>
    %swap3A_44 = vector.shape_cast %slice3A_37 : vector<1000x128xf32> to vector<1x1x1000x128xf32>
    tpu.vector_store %arg6[%swap3A_38, %swap3A_39, %swap3A_40, %swap3A_41], %swap3A_44 {strides = array<i32>} : memref<2x8x1000x128xf32, #tpu.memory_space<vmem>>, vector<1x1x1000x128xf32>,
    %slice3A_45 = vector.extract_strided_slice %pad3A_18 {offsets = [0, 128], sizes = [1000, 128], strides = [1, 1]} : vector<1000x1024xf32> to vector<1000x128xf32>
    %swap3A_46 = arith.constant 0 : index
    %swap3A_47 = arith.constant 1 : index
    %swap3A_48 = arith.constant 0 : index
    %swap3A_49 = arith.constant 0 : index
    %swap3A_50 = vector.load %arg6[%swap3A_46, %swap3A_47, %swap3A_48, %swap3A_49] : memref<2x8x1000x128xf32, #tpu.memory_space<vmem>>, vector<1x1x1000x128xf32>
    %swap3A_51 = vector.shape_cast %swap3A_50 : vector<1x1x1000x128xf32> to vector<1000x128xf32>
    %swap3A_52 = vector.shape_cast %slice3A_45 : vector<1000x128xf32> to vector<1x1x1000x128xf32>
    tpu.vector_store %arg6[%swap3A_46, %swap3A_47, %swap3A_48, %swap3A_49], %swap3A_52 {strides = array<i32>} : memref<2x8x1000x128xf32, #tpu.memory_space<vmem>>, vector<1x1x1000x128xf32>,
    %slice3A_53 = vector.extract_strided_slice %pad3A_30 {offsets = [0, 128], sizes = [1000, 128], strides = [1, 1]} : vector<1000x1024xf32> to vector<1000x128xf32>
    %swap3A_54 = arith.constant 1 : index
    %swap3A_55 = arith.constant 1 : index
    %swap3A_56 = arith.constant 0 : index
    %swap3A_57 = arith.constant 0 : index
    %swap3A_58 = vector.load %arg6[%swap3A_54, %swap3A_55, %swap3A_56, %swap3A_57] : memref<2x8x1000x128xf32, #tpu.memory_space<vmem>>, vector<1x1x1000x128xf32>
    %swap3A_59 = vector.shape_cast %swap3A_58 : vector<1x1x1000x128xf32> to vector<1000x128xf32>
    %swap3A_60 = vector.shape_cast %slice3A_53 : vector<1000x128xf32> to vector<1x1x1000x128xf32>
    tpu.vector_store %arg6[%swap3A_54, %swap3A_55, %swap3A_56, %swap3A_57], %swap3A_60 {strides = array<i32>} : memref<2x8x1000x128xf32, #tpu.memory_space<vmem>>, vector<1x1x1000x128xf32>,
    %slice3A_61 = vector.extract_strided_slice %pad3A_18 {offsets = [0, 256], sizes = [1000, 128], strides = [1, 1]} : vector<1000x1024xf32> to vector<1000x128xf32>
    %swap3A_62 = arith.constant 0 : index
    %swap3A_63 = arith.constant 2 : index
    %swap3A_64 = arith.constant 0 : index
    %swap3A_65 = arith.constant 0 : index
    %swap3A_66 = vector.load %arg6[%swap3A_62, %swap3A_63, %swap3A_64, %swap3A_65] : memref<2x8x1000x128xf32, #tpu.memory_space<vmem>>, vector<1x1x1000x128xf32>
    %swap3A_67 = vector.shape_cast %swap3A_66 : vector<1x1x1000x128xf32> to vector<1000x128xf32>
    %swap3A_68 = vector.shape_cast %slice3A_61 : vector<1000x128xf32> to vector<1x1x1000x128xf32>
    tpu.vector_store %arg6[%swap3A_62, %swap3A_63, %swap3A_64, %swap3A_65], %swap3A_68 {strides = array<i32>} : memref<2x8x1000x128xf32, #tpu.memory_space<vmem>>, vector<1x1x1000x128xf32>,
    %slice3A_69 = vector.extract_strided_slice %pad3A_30 {offsets = [0, 256], sizes = [1000, 128], strides = [1, 1]} : vector<1000x1024xf32> to vector<1000x128xf32>
    %swap3A_70 = arith.constant 1 : index
    %swap3A_71 = arith.constant 2 : index
    %swap3A_72 = arith.constant 0 : index
    %swap3A_73 = arith.constant 0 : index
    %swap3A_74 = vector.load %arg6[%swap3A_70, %swap3A_71, %swap3A_72, %swap3A_73] : memref<2x8x1000x128xf32, #tpu.memory_space<vmem>>, vector<1x1x1000x128xf32>
    %swap3A_75 = vector.shape_cast %swap3A_74 : vector<1x1x1000x128xf32> to vector<1000x128xf32>
    %swap3A_76 = vector.shape_cast %slice3A_69 : vector<1000x128xf32> to vector<1x1x1000x128xf32>
    tpu.vector_store %arg6[%swap3A_70, %swap3A_71, %swap3A_72, %swap3A_73], %swap3A_76 {strides = array<i32>} : memref<2x8x1000x128xf32, #tpu.memory_space<vmem>>, vector<1x1x1000x128xf32>,
    %slice3A_77 = vector.extract_strided_slice %pad3A_18 {offsets = [0, 384], sizes = [1000, 128], strides = [1, 1]} : vector<1000x1024xf32> to vector<1000x128xf32>
    %swap3A_78 = arith.constant 0 : index
    %swap3A_79 = arith.constant 3 : index
    %swap3A_80 = arith.constant 0 : index
    %swap3A_81 = arith.constant 0 : index
    %swap3A_82 = vector.load %arg6[%swap3A_78, %swap3A_79, %swap3A_80, %swap3A_81] : memref<2x8x1000x128xf32, #tpu.memory_space<vmem>>, vector<1x1x1000x128xf32>
    %swap3A_83 = vector.shape_cast %swap3A_82 : vector<1x1x1000x128xf32> to vector<1000x128xf32>
    %swap3A_84 = vector.shape_cast %slice3A_77 : vector<1000x128xf32> to vector<1x1x1000x128xf32>
    tpu.vector_store %arg6[%swap3A_78, %swap3A_79, %swap3A_80, %swap3A_81], %swap3A_84 {strides = array<i32>} : memref<2x8x1000x128xf32, #tpu.memory_space<vmem>>, vector<1x1x1000x128xf32>,
    %slice3A_85 = vector.extract_strided_slice %pad3A_30 {offsets = [0, 384], sizes = [1000, 128], strides = [1, 1]} : vector<1000x1024xf32> to vector<1000x128xf32>
    %swap3A_86 = arith.constant 1 : index
    %swap3A_87 = arith.constant 3 : index
    %swap3A_88 = arith.constant 0 : index
    %swap3A_89 = arith.constant 0 : index
    %swap3A_90 = vector.load %arg6[%swap3A_86, %swap3A_87, %swap3A_88, %swap3A_89] : memref<2x8x1000x128xf32, #tpu.memory_space<vmem>>, vector<1x1x1000x128xf32>
    %swap3A_91 = vector.shape_cast %swap3A_90 : vector<1x1x1000x128xf32> to vector<1000x128xf32>
    %swap3A_92 = vector.shape_cast %slice3A_85 : vector<1000x128xf32> to vector<1x1x1000x128xf32>
    tpu.vector_store %arg6[%swap3A_86, %swap3A_87, %swap3A_88, %swap3A_89], %swap3A_92 {strides = array<i32>} : memref<2x8x1000x128xf32, #tpu.memory_space<vmem>>, vector<1x1x1000x128xf32>,
    %slice3A_93 = vector.extract_strided_slice %pad3A_18 {offsets = [0, 512], sizes = [1000, 128], strides = [1, 1]} : vector<1000x1024xf32> to vector<1000x128xf32>
    %swap3A_94 = arith.constant 0 : index
    %swap3A_95 = arith.constant 4 : index
    %swap3A_96 = arith.constant 0 : index
    %swap3A_97 = arith.constant 0 : index
    %swap3A_98 = vector.load %arg6[%swap3A_94, %swap3A_95, %swap3A_96, %swap3A_97] : memref<2x8x1000x128xf32, #tpu.memory_space<vmem>>, vector<1x1x1000x128xf32>
    %swap3A_99 = vector.shape_cast %swap3A_98 : vector<1x1x1000x128xf32> to vector<1000x128xf32>
    %swap3A_100 = vector.shape_cast %slice3A_93 : vector<1000x128xf32> to vector<1x1x1000x128xf32>
    tpu.vector_store %arg6[%swap3A_94, %swap3A_95, %swap3A_96, %swap3A_97], %swap3A_100 {strides = array<i32>} : memref<2x8x1000x128xf32, #tpu.memory_space<vmem>>, vector<1x1x1000x128xf32>,
    %slice3A_101 = vector.extract_strided_slice %pad3A_30 {offsets = [0, 512], sizes = [1000, 128], strides = [1, 1]} : vector<1000x1024xf32> to vector<1000x128xf32>
    %swap3A_102 = arith.constant 1 : index
    %swap3A_103 = arith.constant 4 : index
    %swap3A_104 = arith.constant 0 : index
    %swap3A_105 = arith.constant 0 : index
    %swap3A_106 = vector.load %arg6[%swap3A_102, %swap3A_103, %swap3A_104, %swap3A_105] : memref<2x8x1000x128xf32, #tpu.memory_space<vmem>>, vector<1x1x1000x128xf32>
    %swap3A_107 = vector.shape_cast %swap3A_106 : vector<1x1x1000x128xf32> to vector<1000x128xf32>
    %swap3A_108 = vector.shape_cast %slice3A_101 : vector<1000x128xf32> to vector<1x1x1000x128xf32>
    tpu.vector_store %arg6[%swap3A_102, %swap3A_103, %swap3A_104, %swap3A_105], %swap3A_108 {strides = array<i32>} : memref<2x8x1000x128xf32, #tpu.memory_space<vmem>>, vector<1x1x1000x128xf32>,
    %slice3A_109 = vector.extract_strided_slice %pad3A_18 {offsets = [0, 640], sizes = [1000, 128], strides = [1, 1]} : vector<1000x1024xf32> to vector<1000x128xf32>
    %swap3A_110 = arith.constant 0 : index
    %swap3A_111 = arith.constant 5 : index
    %swap3A_112 = arith.constant 0 : index
    %swap3A_113 = arith.constant 0 : index
    %swap3A_114 = vector.load %arg6[%swap3A_110, %swap3A_111, %swap3A_112, %swap3A_113] : memref<2x8x1000x128xf32, #tpu.memory_space<vmem>>, vector<1x1x1000x128xf32>
    %swap3A_115 = vector.shape_cast %swap3A_114 : vector<1x1x1000x128xf32> to vector<1000x128xf32>
    %swap3A_116 = vector.shape_cast %slice3A_109 : vector<1000x128xf32> to vector<1x1x1000x128xf32>
    tpu.vector_store %arg6[%swap3A_110, %swap3A_111, %swap3A_112, %swap3A_113], %swap3A_116 {strides = array<i32>} : memref<2x8x1000x128xf32, #tpu.memory_space<vmem>>, vector<1x1x1000x128xf32>,
    %slice3A_117 = vector.extract_strided_slice %pad3A_30 {offsets = [0, 640], sizes = [1000, 128], strides = [1, 1]} : vector<1000x1024xf32> to vector<1000x128xf32>
    %swap3A_118 = arith.constant 1 : index
    %swap3A_119 = arith.constant 5 : index
    %swap3A_120 = arith.constant 0 : index
    %swap3A_121 = arith.constant 0 : index
    %swap3A_122 = vector.load %arg6[%swap3A_118, %swap3A_119, %swap3A_120, %swap3A_121] : memref<2x8x1000x128xf32, #tpu.memory_space<vmem>>, vector<1x1x1000x128xf32>
    %swap3A_123 = vector.shape_cast %swap3A_122 : vector<1x1x1000x128xf32> to vector<1000x128xf32>
    %swap3A_124 = vector.shape_cast %slice3A_117 : vector<1000x128xf32> to vector<1x1x1000x128xf32>
    tpu.vector_store %arg6[%swap3A_118, %swap3A_119, %swap3A_120, %swap3A_121], %swap3A_124 {strides = array<i32>} : memref<2x8x1000x128xf32, #tpu.memory_space<vmem>>, vector<1x1x1000x128xf32>,
    %slice3A_125 = vector.extract_strided_slice %pad3A_18 {offsets = [0, 768], sizes = [1000, 128], strides = [1, 1]} : vector<1000x1024xf32> to vector<1000x128xf32>
    %swap3A_126 = arith.constant 0 : index
    %swap3A_127 = arith.constant 6 : index
    %swap3A_128 = arith.constant 0 : index
    %swap3A_129 = arith.constant 0 : index
    %swap3A_130 = vector.load %arg6[%swap3A_126, %swap3A_127, %swap3A_128, %swap3A_129] : memref<2x8x1000x128xf32, #tpu.memory_space<vmem>>, vector<1x1x1000x128xf32>
    %swap3A_131 = vector.shape_cast %swap3A_130 : vector<1x1x1000x128xf32> to vector<1000x128xf32>
    %swap3A_132 = vector.shape_cast %slice3A_125 : vector<1000x128xf32> to vector<1x1x1000x128xf32>
    tpu.vector_store %arg6[%swap3A_126, %swap3A_127, %swap3A_128, %swap3A_129], %swap3A_132 {strides = array<i32>} : memref<2x8x1000x128xf32, #tpu.memory_space<vmem>>, vector<1x1x1000x128xf32>,
    %slice3A_133 = vector.extract_strided_slice %pad3A_30 {offsets = [0, 768], sizes = [1000, 128], strides = [1, 1]} : vector<1000x1024xf32> to vector<1000x128xf32>
    %swap3A_134 = arith.constant 1 : index
    %swap3A_135 = arith.constant 6 : index
    %swap3A_136 = arith.constant 0 : index
    %swap3A_137 = arith.constant 0 : index
    %swap3A_138 = vector.load %arg6[%swap3A_134, %swap3A_135, %swap3A_136, %swap3A_137] : memref<2x8x1000x128xf32, #tpu.memory_space<vmem>>, vector<1x1x1000x128xf32>
    %swap3A_139 = vector.shape_cast %swap3A_138 : vector<1x1x1000x128xf32> to vector<1000x128xf32>
    %swap3A_140 = vector.shape_cast %slice3A_133 : vector<1000x128xf32> to vector<1x1x1000x128xf32>
    tpu.vector_store %arg6[%swap3A_134, %swap3A_135, %swap3A_136, %swap3A_137], %swap3A_140 {strides = array<i32>} : memref<2x8x1000x128xf32, #tpu.memory_space<vmem>>, vector<1x1x1000x128xf32>,
    %slice3A_141 = vector.extract_strided_slice %pad3A_18 {offsets = [0, 896], sizes = [1000, 128], strides = [1, 1]} : vector<1000x1024xf32> to vector<1000x128xf32>
    %swap3A_142 = arith.constant 0 : index
    %swap3A_143 = arith.constant 7 : index
    %swap3A_144 = arith.constant 0 : index
    %swap3A_145 = arith.constant 0 : index
    %swap3A_146 = vector.load %arg6[%swap3A_142, %swap3A_143, %swap3A_144, %swap3A_145] : memref<2x8x1000x128xf32, #tpu.memory_space<vmem>>, vector<1x1x1000x128xf32>
    %swap3A_147 = vector.shape_cast %swap3A_146 : vector<1x1x1000x128xf32> to vector<1000x128xf32>
    %swap3A_148 = vector.shape_cast %slice3A_141 : vector<1000x128xf32> to vector<1x1x1000x128xf32>
    tpu.vector_store %arg6[%swap3A_142, %swap3A_143, %swap3A_144, %swap3A_145], %swap3A_148 {strides = array<i32>} : memref<2x8x1000x128xf32, #tpu.memory_space<vmem>>, vector<1x1x1000x128xf32>,
    %slice3A_149 = vector.extract_strided_slice %pad3A_30 {offsets = [0, 896], sizes = [1000, 128], strides = [1, 1]} : vector<1000x1024xf32> to vector<1000x128xf32>
    %swap3A_150 = arith.constant 1 : index
    %swap3A_151 = arith.constant 7 : index
    %swap3A_152 = arith.constant 0 : index
    %swap3A_153 = arith.constant 0 : index
    %swap3A_154 = vector.load %arg6[%swap3A_150, %swap3A_151, %swap3A_152, %swap3A_153] : memref<2x8x1000x128xf32, #tpu.memory_space<vmem>>, vector<1x1x1000x128xf32>
    %swap3A_155 = vector.shape_cast %swap3A_154 : vector<1x1x1000x128xf32> to vector<1000x128xf32>
    %swap3A_156 = vector.shape_cast %slice3A_149 : vector<1000x128xf32> to vector<1x1x1000x128xf32>
    tpu.vector_store %arg6[%swap3A_150, %swap3A_151, %swap3A_152, %swap3A_153], %swap3A_156 {strides = array<i32>} : memref<2x8x1000x128xf32, #tpu.memory_space<vmem>>, vector<1x1x1000x128xf32>,
    return
  }
}

</mosaic_0001>

<sc_bundles>
// kernel: kernel.4.cloned.1.call-start
scs
__scs_entry_jumppad:
0x0: {  	(pc) =	sbr.rel $0x88, $3  }
0x1: {  	(tag) =	ssettag $0x0;
	lr =	simm.s32 $0x1  }
0x2: {  	[smem:$0x3F96] =	sst lr;
	_ =	strace $0xD0000000  }
0x3: {  	_ = 	snop  }
0x4: {  	_ = 	snop  }
0x5: {  	_ = 	snop  }
0x6: {  	_ = 	snop  }
0x7: {  	_ = 	snop  }
__scs_overlays_trampoline_lowered:
0x8: {  	[smem:$0x3FA5] =	sst s0  }
0x9: {  	[smem:$0x3FA6] =	sst s1  }
0xa: {  	[smem:$0x3FA7] =	sst s2  }
0xb: {  	[smem:$0x3FA8] =	sst s3  }
0xc: {  	[smem:$0x3FA9] =	sst s4  }
0xd: {  	[smem:$0x3FAA] =	sst s5  }
0xe: {  	[smem:$0x3FAB] =	sst s6  }
0xf: {  	[smem:$0x3FAC] =	sst s7  }
0x10: {  	[smem:$0x3FAD] =	sst s8  }
0x11: {  	[smem:$0x3FAE] =	sst s9;
	s0 =	simm.s32 @!p0 $0x0  }
0x12: {  	s1 =	sld [smem:$0x3F94];
	s0 =	simm.s32 @p0 $0x1  }
0x13: {  	[smem:$0x3FAF] =	sst s0;
	s0 =	simm.s32 @!p1 $0x0  }
0x14: {  	s2 =	sld [smem:$0x3F93];
	s0 =	simm.s32 @p1 $0x1  }
0x15: {  	[smem:$0x3FB0] =	sst s0;
	s0 =	simm.s32 @!p2 $0x0  }
0x16: {  	s3 =	sld [smem:$0x3FDB];
	s0 =	simm.s32 @p2 $0x1  }
0x17: {  	s4 =	simm.s32 $0x1BF5;
	[smem:$0x3FB2] =	sst s0  }
0x18: {  	s0 =	sld [smem:$0x3F95];
	_ =	swait.ge [sflag:s4], $0x0  }
0x19: {  	s7 =	sld [smem:$0x3F96]  }
0x1a: {  	s8 =	sadd.s32 $0xFFFFE003, lr  }
0x1b: {  	s9 =	sadd.s32 $0xFFFFFEF7, lr;
	s5 =	simm.s32 $0xFFFFFFFF;
	p2 =	slt.u32 s8, $0xFFFFF086  }
0x1c: {  	p1 =	slt.u32 s9, $0xF7A;
	s5 =	simm.s32 @!p2 $0x0  }
0x1d: {  	s5 =	simm.s32 @p1 $0x1;
	p0 =	seq.s32 s7, s2  }
0x1e: {  	s7 =	smul.u32 @!p0 $0xF7A, s2;
	p2 =	seq.s32 @!p0 s5, $0x0  }
0x1f: {  	s9 =	smul.u32 $0xF7A, s1;
	s8 =	simm.s32 @!p0 $0x1BF5;
	p2 =	por !p2, p0  }
0x20: {  	[sflag:s8] =	ssyncset.s32 @!p0 $0xFFFFF086;
	s6 =	sadd.s32 @!p0 s3, s7;
	s7 =	simm.s32 @!p0 $0x108  }
0x21: {  	s3 =	sadd.s32 s3, s9;
	s6 =	sadd.s32 @!p0 $0x88, s6;
	s7 =	simm.s32 @p2 $0x1082  }
0x22: {  	[simem:s7], [sflag:s8] =	dma.local @!p0 [hbm:s6], $0xF7A  }
0x23: {  	s9 =	sor.u32 $0xD0000000, s2;
	s6 =	simm.s32 $0x108;
	_ =	swait.ge @!p0 [sflag:s8], $0x0  }
0x24: {  	s3 =	sadd.s32 $0x88, s3;
	s6 =	simm.s32 @!p1 $0x1082;
	[sflag:s4] =	ssyncset.s32 $0xFFFFF086  }
0x25: {  	[simem:s6], [sflag:s4] =	dma.local [hbm:s3], $0xF7A  }
0x26: {  	[smem:$0x3F96] =	sst s1;
	(tag) =	ssettag s2;
	_ =	strace s9  }
0x27: {  	s1 =	sld [smem:$0x3FA6]  }
0x28: {  	s2 =	sld [smem:$0x3FA7]  }
0x29: {  	s4 =	sld [smem:$0x3FA9]  }
0x2a: {  	p0 =	seq.s32 s5, $0x0;
	s5 =	sld [smem:$0x3FAA]  }
0x2b: {  	s6 =	sld [smem:$0x3FAB]  }
0x2c: {  	s7 =	sld [smem:$0x3FAC]  }
0x2d: {  	s3 =	simm.s32 $0x108;
	s8 =	sld [smem:$0x3FAD]  }
0x2e: {  	s3 =	simm.s32 @!p0 $0x1082;
	s9 =	sld [smem:$0x3FAE]  }
0x2f: {  	lr =	sadd.s32 s0, s3;
	s0 =	sld [smem:$0x3FA5]  }
0x30: {  	s3 =	sld [smem:$0x3FA8]  }
0x31: {  	[smem:$0x3FB1] =	sst s10  }
0x32: {  	s10 =	sld [smem:$0x3FAF];
	_ =	sdelay $0x3  }
0x33: {  	p0 =	seq.s32 s10, $0x1;
	s10 =	sld [smem:$0x3FB1];
	_ =	sdelay $0x3  }
0x34: {  	[smem:$0x3FB1] =	sst s10  }
0x35: {  	s10 =	sld [smem:$0x3FB0];
	_ =	sdelay $0x3  }
0x36: {  	p1 =	seq.s32 s10, $0x1;
	s10 =	sld [smem:$0x3FB1];
	_ =	sdelay $0x3  }
0x37: {  	[smem:$0x3FB1] =	sst s10  }
0x38: {  	s10 =	sld [smem:$0x3FB2]  }
0x39: {  	_ = 	snop;
	(pc) =	sbr.ind lr, $3  }
0x3a: {  	_ = 	snop  }
0x3b: {  	_ = 	snop  }
0x3c: {  	p2 =	seq.s32 s10, $0x1;
	s10 =	sld [smem:$0x3FB1]  }
0x3d: {  	_ =	shalt  }
0x3e: {  	_ =	shalt  }
0x3f: {  	_ =	shalt  }
0x40: {  	_ =	shalt  }
0x41: {  	_ =	shalt  }
0x42: {  	_ =	shalt  }
0x43: {  	_ =	shalt  }
0x44: {  	_ =	shalt  }
0x45: {  	_ =	shalt  }
0x46: {  	_ =	shalt  }
0x47: {  	_ =	shalt  }
0x48: {  	_ =	shalt  }
0x49: {  	_ =	shalt  }
0x4a: {  	_ =	shalt  }
0x4b: {  	_ =	shalt  }
0x4c: {  	_ =	shalt  }
0x4d: {  	_ =	shalt  }
0x4e: {  	_ =	shalt  }
0x4f: {  	_ =	shalt  }
0x50: {  	_ =	shalt  }
0x51: {  	_ =	shalt  }
0x52: {  	_ =	shalt  }
0x53: {  	_ =	shalt  }
0x54: {  	_ =	shalt  }
0x55: {  	_ =	shalt  }
0x56: {  	_ =	shalt  }
0x57: {  	_ =	shalt  }
0x58: {  	_ =	shalt  }
0x59: {  	_ =	shalt  }
0x5a: {  	_ =	shalt  }
0x5b: {  	_ =	shalt  }
0x5c: {  	_ =	shalt  }
0x5d: {  	_ =	shalt  }
0x5e: {  	_ =	shalt  }
0x5f: {  	_ =	shalt  }
0x60: {  	_ =	shalt  }
0x61: {  	_ =	shalt  }
0x62: {  	_ =	shalt  }
0x63: {  	_ =	shalt  }
0x64: {  	_ =	shalt  }
0x65: {  	_ =	shalt  }
0x66: {  	_ =	shalt  }
0x67: {  	_ =	shalt  }
0x68: {  	_ =	shalt  }
0x69: {  	_ =	shalt  }
0x6a: {  	_ =	shalt  }
0x6b: {  	_ =	shalt  }
0x6c: {  	_ =	shalt  }
0x6d: {  	_ =	shalt  }
0x6e: {  	_ =	shalt  }
0x6f: {  	_ =	shalt  }
0x70: {  	_ =	shalt  }
0x71: {  	_ =	shalt  }
0x72: {  	_ =	shalt  }
0x73: {  	_ =	shalt  }
0x74: {  	_ =	shalt  }
0x75: {  	_ =	shalt  }
0x76: {  	_ =	shalt  }
0x77: {  	_ =	shalt  }
0x78: {  	_ =	shalt  }
0x79: {  	_ =	shalt  }
0x7a: {  	_ =	shalt  }
0x7b: {  	_ =	shalt  }
0x7c: {  	_ =	shalt  }
0x7d: {  	_ =	shalt  }
0x7e: {  	_ =	shalt  }
0x7f: {  	_ =	shalt  }
0x80: {  	_ =	shalt  }
0x81: {  	_ =	shalt  }
0x82: {  	_ =	shalt  }
0x83: {  	_ =	shalt  }
0x84: {  	_ =	shalt  }
0x85: {  	_ =	shalt  }
0x86: {  	_ =	shalt  }
0x87: {  	_ =	shalt  }
.Lfunc_end0:
.L_simem_size_0:
called_computation_lowered:
.L_overlay_start_0:
0x88: {  	s2 =	sld [smem:$0x3FD9]  }
0x89: {  	s3 =	sld [smem:$0x3FFE];
	_ =	sdelay $0x1  }
0x8a: {  	s1 =	srdreg.scid  }
0x8b: {  	s0 =	sand.u32 $0x1, s1  }
0x8c: {  	s17 =	sshll.u32 s0, $0xA;
	s2 =	sadd.s32 s3, s2  }
0x8d: {  	s2 =	sadd.s32 s2, s17  }
0x8e: {  	[smem:$0x3FBD] =	sst s2  }
0x8f: {  	_ = 	snop  }
0x90: {  	s2 =	sld [smem:$0x3FC9]  }
0x91: {  	s18 =	sld [smem:$0x3FC8]  }
0x92: {  	s4 =	sld [smem:$0x3FC7]  }
0x93: {  	s5 =	sld [smem:$0x3FC6];
	(tm) =	ssettm $0x1  }
0x94: {  	s6 =	sld [smem:$0x3FFB];
	_ =	sdelay $0x3  }
0x95: {  	_ =	strace s6  }
0x96: {  	s6 =	sld [smem:$0x3FFC];
	_ =	sdelay $0x3  }
0x97: {  	_ =	strace s6  }
0x98: {  	s6 =	sld [smem:$0x3FFD];
	_ =	sdelay $0x3  }
0x99: {  	_ =	strace s6  }
0x9a: {  	_ =	strace $0x8FFFFFFF  }
0x9b: {  	s19 =	sld [smem:$0x3FDB];
	_ =	sdelay $0x1  }
0x9c: {  	s7 =	simm.s32 $_scs_section_size  }
0x9d: {  	s8 =	simm.s32 $_size__tile_overlayer_lowered;
	s9 =	simm.s32 $_tile_overlayer_lowered  }
0x9e: {  	s22 =	simm.s32 $0x1BFF;
	s21 =	sshll.u32 s9, $0x1;
	s6 =	sadd.s32 s7, s19  }
0x9f: {  	s10 =	simm.s32 $0x0;
	s20 =	sshll.u32 s8, $0x1;
	s8 =	sadd.s32 s21, s6  }
0xa0: {  	[timem:s10], [sflag:s22] =	dma.local [hbm:s8], s20  }
0xa1: {  	_ =	swait.ge [sflag:s22], s20  }
0xa2: {  	s7 =	ssub.s32 $0x0, s20;
	[sflag:s22] =	ssyncset.done $0x0  }
0xa3: {  	[sflag:s22] =	ssyncadd.s32 s7;
	_ =	sdelay $0x1  }
0xa4: {  	s23 =	simm.s32 $0x1B8B  }
0xa5: {  	_ =	swait.ge [sflag:s23], $0x1  }
0xa6: {  	[sflag:s23] =	ssyncset.done $0x0  }
0xa7: {  	s25 =	simm.s32 $0x1B8E;
	s24 =	sld [smem:$0x3FFE];
	[sflag:s23] =	ssyncadd.s32 $0xFFFFFFFF  }
0xa8: {  	s26 =	simm.s32 $execute0_lowered;
	[smem:$0x3FD2] =	sst s25  }
0xa9: {  	s8 =	sshll.u32 s26, $0x1;
	_ =	strace $0x80000046;
	[dreg:$0x1] =	wrdreg $0xFFFFFFFF  }
0xaa: {  	s28 =	simm.s32 $_size_execute0_lowered;
	s6 =	sadd.s32 s6, s8;
	[dreg:$0x0] =	wrdreg $0x0  }
0xab: {  	s8 =	sshll.u32 s28, $0x1;
	[dreg:$0x2] =	wrdreg s6  }
0xac: {  	[dreg:$0x3] =	wrdreg s8  }
0xad: {  	[dreg:$0x4] =	wrdreg $0xC0  }
0xae: {  	_ =	task [dreg:s10], $0x5FFFF  }
0xaf: {  	[dreg:$0x1] =	wrdreg $0xFFFFFFFF  }
0xb0: {  	[dreg:$0x0] =	wrdreg $0x60  }
0xb1: {  	[dreg:$0x2] =	wrdreg s2  }
0xb2: {  	[dreg:$0x3] =	wrdreg s18  }
0xb3: {  	[dreg:$0x4] =	wrdreg s4  }
0xb4: {  	[dreg:$0x5] =	wrdreg s5  }
0xb5: {  	[dreg:$0x6] =	wrdreg s24  }
0xb6: {  	[dreg:$0x7] =	wrdreg $0x9  }
0xb7: {  	_ =	task.clear_ibuf [dreg:s10], $0x8FFFF;
	_ =	strace $0x90000046  }
0xb8: {  	s29 =	simm.s32 $0x9;
	_ =	strace $0x80000048  }
0xb9: {  	_ =	swait.ge [sflag:s29], $0x1  }
0xba: {  	[sflag:s29] =	ssyncadd.s32 $0xFFFFFFFF  }
0xbb: {  	_ =	strace $0x90000048  }
0xbc: {  	_ =	sfence  }
0xbd: {  	s30 =	sld [smem:$0x0];
	_ =	sdelay $0x2  }
0xbe: {  	s31 =	sshll.u32 s1, $0xD;
	s1 =	sshrl.u32 s1, $0x2  }
0xbf: {  	s3 =	sand.u32 $0x4000, s31;
	s1 =	sadd.s32 s1, s30  }
0xc0: {  	s0 =	sor.u32 s3, s0;
	s1 =	sshll.u32 s1, $0x11  }
0xc1: {  	s0 =	sor.u32 s1, s0  }
0xc2: {  	s0 =	sadd.s32 $0x8F2B, s0  }
0xc3: {  	[sflag:s0] =	ssyncadd.remote.s32 $0x1  }
0xc4: {  	_ =	sfence.sel $0xFFFF  }
0xc5: {  	[dreg:$0x0] =	wrdreg $0xFFFFFFFF;
	(pc) =	sbr.abs _section_cstart, $3  }
0xc6: {  	[dreg:$0x1] =	wrdreg $0xFFFFFFFF  }
0xc7: {  	_ =	task.clear_ibuf [dreg:s10], $0x2FFFF;
	_ =	strace $0x9FFFFFFF  }
0xc8: {  	(tm) =	ssettm $0x7FFFFFFF  }
0xc9: {  	_ =	shalt  }
tec
execute0_lowered:
.L_overlay_start_1:
0x0: {  	(tag) =	ssettag $0x1  }
0x1: {  	s0 =	rddreg [dreg:$0x0]  }
0x2: {  	s4 =	rddreg [dreg:$0x1]  }
0x3: {  	s5 =	rddreg [dreg:$0x2]  }
0x4: {  	s6 =	rddreg [dreg:$0x3]  }
0x5: {  	s7 =	rddreg [dreg:$0x4]  }
0x6: {  	s2 =	simm.s32 $0x0;
	s3 =	srdreg.scid;
	s1 =	stileid.u32  }
0x7: {  	s11 =	simm.s32 $0x400;
	s12 =	simm.s32 $0x600;
	s13 =	simm.s32 $0x80  }
0x8: {  	s14 =	simm.s32 $0x800;
	s15 =	simm.s32 $0xC00;
	s16 =	simm.s32 $0xA00  }
0x9: {  	s17 =	simm.s32 $0xE00;
	s18 =	simm.s32 $0x880;
	s19 =	simm.s32 $0xC80  }
0xa: {  	s20 =	simm.s32 $0xA80;
	s21 =	simm.s32 $0xE80;
	s22 =	simm.s32 $0x900  }
0xb: {  	s23 =	simm.s32 $0xD00;
	s24 =	simm.s32 $0xB00;
	s25 =	simm.s32 $0xF00  }
0xc: {  	s28 =	simm.s32 $0xD80;
	s29 =	simm.s32 $0xB80;
	s30 =	simm.s32 $0xF80  }
0xd: {  	s31 =	simm.s32 $0x1;
	s8 =	sand.u32 $0x1, s3;
	s9 =	sshll.u32 s1, $0x1  }
0xe: {  	[smem:$0x7FF] =	sst s2;
	s3 =	sadd.s32 $0xC00, s7;
	s9 =	sor.u32 s8, s9  }
0xf: {  	_ =	strace $0x80000047;
	s8 =	ssub.s32 $0x2, s8;
	s10 =	sshll.u32 s9, $0x4  }
0x10: {  	s9 =	sshll.u32 s9, $0x6;
	s26 =	sshrl.u32 s8, $0x1;
	s7 =	sadd.s32 s10, s7  }
0x11: {  	s0 =	sadd.s32 s0, s9;
	s8 =	ssub.s32 s8, s26;
	s4 =	sadd.s32 s4, s9  }
0x12: {  	s5 =	sadd.s32 s5, s9;
	s6 =	sadd.s32 s6, s9;
	s9 =	simm.s32 $0x2  }
0x13: {  	s10 =	simm.s32 $0x200;
	s26 =	simm.s32 $0x980;
	[dreg:$0x6] =	wrdreg s0  }
0x14: {  	s7 =	sadd.s32 $0x3F400, s7;
	s8 =	smax.u32 s8, $0x1;
	s0 =	simm.s32 $0x1000  }
.LBB2_1:
0x15: {  	s1 =	rddreg [dreg:$0x6]  }
0x16: {  	[tilespmem:s2], [sflag:$0x2] =	stream.linear.gather [hbm4b:s1+s2], $0x200, $0x38;
	[tilespmem:$0x1080] =	vst v63  }
0x17: {  	_ =	swait.ge [sflag:s9], $0x200  }
0x18: {  	[sflag:s9] =	ssyncset.done $0x0  }
0x19: {  	[sflag:s9] =	ssyncadd.s32 $0xFFFFFE00  }
0x1a: {  	[tilespmem:s10], [sflag:$0x2] =	stream.linear.gather [hbm4b:s4+s2], $0x200, $0x38;
	[tilespmem:$0x1080] =	vst v63  }
0x1b: {  	_ =	swait.ge [sflag:s9], $0x200  }
0x1c: {  	[sflag:s9] =	ssyncset.done $0x0  }
0x1d: {  	[sflag:s9] =	ssyncadd.s32 $0xFFFFFE00  }
0x1e: {  	[tilespmem:s11], [sflag:$0x2] =	stream.linear.gather [hbm4b:s5+s2], $0x200, $0x38;
	[tilespmem:$0x1080] =	vst v63  }
0x1f: {  	_ =	swait.ge [sflag:s9], $0x200  }
0x20: {  	[sflag:s9] =	ssyncset.done $0x0  }
0x21: {  	[sflag:s9] =	ssyncadd.s32 $0xFFFFFE00  }
0x22: {  	[tilespmem:s12], [sflag:$0x2] =	stream.linear.gather [hbm4b:s6+s2], $0x200, $0x38;
	[tilespmem:$0x1080] =	vst v63  }
0x23: {  	_ =	swait.ge [sflag:s9], $0x200  }
0x24: {  	[sflag:s9] =	ssyncset.done $0x0  }
0x25: {  	[sflag:s9] =	ssyncadd.s32 $0xFFFFFE00  }
0x26: {  	v0 =	vld [tilespmem:$0x200]  }
0x27: {  	v1 =	vld [tilespmem:$0x400]  }
0x28: {  	v2 =	vld [tilespmem:$0x0]  }
0x29: {  	v3 =	vld [tilespmem:$0x10]  }
0x2a: {  	v5 =	vld [tilespmem:$0x210]  }
0x2b: {  	v7 =	vld [tilespmem:$0x410]  }
0x2c: {  	v19 =	vld [tilespmem:$0x220]  }
0x2d: {  	v9 =	vld [tilespmem:$0x420]  }
0x2e: {  	v26 =	vld [tilespmem:$0x230]  }
0x2f: {  	v11 =	vld [tilespmem:$0x430]  }
0x30: {  	v29 =	vld [tilespmem:$0x30]  }
0x31: {  	v12 =	vld [tilespmem:$0x40]  }
0x32: {  	v32 =	vld [tilespmem:$0x240]  }
0x33: {  	v13 =	vld [tilespmem:$0x440]  }
0x34: {  	v36 =	vld [tilespmem:$0x250];
	v4 =	vshrl.u32 v0, $0x7;
	v6 =	vshrl.u32 v1, $0x7  }
0x35: {  	v42 =	vld [tilespmem:$0x450];
	v8 =	vshll.u32 v0, $0x7;
	v1 =	vand.u32 $0x7F, v1;
	v2 =	vshll.u32 v2, $0x7  }
0x36: {  	v45 =	vld [tilespmem:$0x260];
	v0 =	vand.u32 $0x7F, v0;
	v21 =	vshrl.u32 v5, $0x7;
	v3 =	vshll.u32 v3, $0x7  }
0x37: {  	v46 =	vld [tilespmem:$0x460];
	v23 =	vshrl.u32 v7, $0x7;
	v10 =	vshll.u32 v5, $0x7;
	v7 =	vand.u32 $0x7F, v7  }
0x38: {  	v17 =	vld [tilespmem:$0x60];
	v25 =	vshrl.u32 v19, $0x7;
	v5 =	vand.u32 $0x7F, v5;
	v27 =	vand.u32 $0x7F, v19  }
0x39: {  	v18 =	vld [tilespmem:$0x70];
	v28 =	vshrl.u32 v9, $0x7;
	v9 =	vand.u32 $0x7F, v9;
	v31 =	vshrl.u32 v26, $0x7  }
0x3a: {  	v50 =	vld [tilespmem:$0x270];
	v33 =	vshrl.u32 v11, $0x7;
	v15 =	vshll.u32 v26, $0x7;
	v11 =	vand.u32 $0x7F, v11  }
0x3b: {  	v54 =	vld [tilespmem:$0x280];
	v34 =	vshll.u32 v29, $0x7;
	v37 =	vand.u32 $0x7F, v26;
	v39 =	vshrl.u32 v32, $0x7  }
0x3c: {  	v12 =	vshll.u32 v12, $0x7;
	v41 =	vshrl.u32 v13, $0x7;
	v16 =	vshll.u32 v32, $0x7  }
0x3d: {  	v13 =	vand.u32 $0x7F, v13;
	v44 =	vshrl.u32 v36, $0x7;
	v47 =	vand.u32 $0x7F, v36  }
0x3e: {  	v48 =	vshrl.u32 v42, $0x7;
	v49 =	vshrl.u32 v45, $0x7;
	v52 =	vshrl.u32 v46, $0x7  }
0x3f: {  	v40 =	vld [tilespmem:$0x50];
	v53 =	vshll.u32 v17, $0x7;
	v55 =	vand.u32 $0x7F, v45;
	v56 =	vshrl.u32 v50, $0x7  }
0x40: {  	v18 =	vshll.u32 v18, $0x7;
	v61 =	vshrl.u32 v54, $0x7;
	v29 =	vand.u32 $0x7F, v54  }
0x41: {  	v57 =	vld [tilespmem:$0x80];
	v17 =	vshll.u32 v54, $0x7;
	v4 =	vmul.u32 $0x1F400, v4;
	v6 =	vmul.u32 $0x1F400, v6  }
0x42: {  	v1 =	vor.u32 v1, v8;
	v24 =	vor.u32 v7, v10;
	v7 =	vmul.u32 $0x1F400, v25  }
0x43: {  	v62 =	vld [tilespmem:$0x290];
	v8 =	vshll.u32 v19, $0x7;
	v14 =	vmul.u32 $0x1F400, v33;
	v35 =	vor.u32 v11, v15  }
0x44: {  	v22 =	vld [tilespmem:$0x20];
	v43 =	vor.u32 v13, v16;
	v13 =	vmul.u32 $0x1F400, v44;
	v10 =	vshll.u32 v40, $0x7  }
0x45: {  	v11 =	vshll.u32 v36, $0x7;
	v15 =	vand.u32 $0x7F, v42;
	v51 =	vmul.u32 $0x1F400, v49  }
0x46: {  	v16 =	vshll.u32 v57, $0x7;
	v30 =	vor.u32 v9, v8;
	v8 =	vmul.u32 $0x1F400, v31  }
0x47: {  	v9 =	vand.u32 $0x7F, v32;
	v11 =	vor.u32 v15, v11;
	v15 =	vand.u32 $0x7F, v50  }
0x48: {  	v31 =	vshrl.u32 v62, $0x7;
	v2 =	vadd.s32 v2, v4;
	v20 =	vadd.s32 v6, v1  }
0x49: {  	v19 =	vld [tilespmem:$0x470];
	v6 =	vmul.u32 $0x1F400, v23;
	v4 =	vshll.u32 v22, $0x7;
	v38 =	vadd.s32 v14, v35  }
0x4a: {  	v25 =	vld [tilespmem:$0x4A0];
	v14 =	vmul.u32 $0x1F400, v41;
	v10 =	vadd.s32 v10, v13;
	v13 =	vmul.u32 $0x1F400, v48  }
0x4b: {  	v36 =	vld [tilespmem:$0x2B0];
	v22 =	vshll.u32 v50, $0x7;
	v33 =	vmul.u32 $0x1F400, v31;
	v1 =	vor.u32 v0, v2  }
0x4c: {  	v42 =	vld [tilespmem:$0x4B0];
	v0 =	vadd.s32 $0xFA000, v20;
	v2 =	vmul.u32 $0x1F400, v21;
	v4 =	vadd.s32 v4, v7  }
0x4d: {  	v49 =	vld [tilespmem:$0x2D0];
	v10 =	vor.u32 v47, v10;
	v20 =	vmul.u32 $0x1F400, v52;
	v21 =	vshll.u32 v45, $0x7  }
0x4e: {  	v32 =	vld [tilespmem:$0x2A0];
	v6 =	vadd.s32 v6, v24;
	v4 =	vor.u32 v27, v4;
	v11 =	vadd.s32 v13, v11  }
0x4f: {  	v23 =	vld [tilespmem:$0x90];
	v27 =	vshll.u32 v62, $0x7;
	v2 =	vadd.s32 v3, v2;
	v58 =	vshrl.u32 v19, $0x7  }
0x50: {  	v59 =	vld [tilespmem:$0x480];
	v19 =	vand.u32 $0x7F, v19;
	v41 =	vshrl.u32 v25, $0x7;
	v25 =	vand.u32 $0x7F, v25  }
0x51: {  	v45 =	vld [tilespmem:$0xC0];
	v44 =	vshrl.u32 v36, $0x7;
	v47 =	vand.u32 $0x7F, v36;
	v48 =	vshrl.u32 v42, $0x7  }
0x52: {  	v63 =	vld [tilespmem:$0x490];
	v3 =	vor.u32 v5, v2;
	v2 =	vadd.s32 $0xFA000, v6;
	v6 =	vmul.u32 $0x1F400, v28  }
0x53: {  	v24 =	vld [tilespmem:$0xA0];
	v60 =	vor.u32 v19, v22;
	v19 =	vmul.u32 $0x1F400, v61;
	v28 =	vshll.u32 v32, $0x7  }
0x54: {  	v50 =	vmul.u32 $0x1F400, v48;
	v61 =	vand.u32 $0x7F, v49;
	v35 =	vshll.u32 v23, $0x7  }
0x55: {  	v23 =	vshll.u32 v36, $0x7;
	v5 =	vadd.s32 v6, v30;
	v16 =	vadd.s32 v16, v19  }
0x56: {  	v30 =	vshrl.u32 v59, $0x7;
	v52 =	vshll.u32 v45, $0x7;
	v6 =	vadd.s32 $0xFA000, v5  }
0x57: {  	v5 =	vadd.s32 v34, v8;
	v8 =	vmul.u32 $0x1F400, v39;
	v19 =	vmul.u32 $0x1F400, v30  }
0x58: {  	v16 =	vor.u32 v29, v16;
	v34 =	vshrl.u32 v63, $0x7;
	v40 =	vshll.u32 v24, $0x7  }
0x59: {  	v24 =	vmul.u32 $0x1F400, v41;
	v7 =	vor.u32 v37, v5;
	v5 =	vadd.s32 $0xFA000, v38  }
0x5a: {  	v26 =	vmul.u32 $0x1F400, v34;
	v37 =	vand.u32 $0x7F, v62;
	v38 =	vshrl.u32 v32, $0x7  }
0x5b: {  	v39 =	vld [tilespmem:$0xB0];
	v8 =	vadd.s32 v12, v8;
	v12 =	vadd.s32 v14, v43;
	v14 =	vand.u32 $0x7F, v46  }
0x5c: {  	v29 =	vld [tilespmem:$0x2C0];
	v43 =	vor.u32 v25, v28;
	v25 =	vmul.u32 $0x1F400, v44;
	v9 =	vor.u32 v9, v8  }
0x5d: {  	v30 =	vld [tilespmem:$0x4C0];
	v8 =	vadd.s32 $0xFA000, v12;
	v12 =	vadd.s32 $0xFA000, v11;
	v14 =	vor.u32 v14, v21  }
0x5e: {  	v48 =	vld [tilespmem:$0x300];
	v11 =	vadd.s32 v53, v51;
	v21 =	vand.u32 $0x7F, v59;
	v24 =	vadd.s32 v24, v43  }
0x5f: {  	v36 =	vld [tilespmem:$0x4F0];
	v59 =	vshrl.u32 v49, $0x7;
	v14 =	vadd.s32 v20, v14;
	v13 =	vor.u32 v55, v11  }
0x60: {  	v34 =	vld [tilespmem:$0xE0];
	v20 =	vmul.u32 $0x1F400, v58;
	v17 =	vor.u32 v21, v17;
	v21 =	vand.u32 $0x7F, v32  }
0x61: {  	v11 =	vadd.s32 $0xFA000, v14;
	v14 =	vmul.u32 $0x1F400, v56;
	v17 =	vadd.s32 v19, v17  }
0x62: {  	v31 =	vld [tilespmem:$0xD0];
	v46 =	vshll.u32 v39, $0x7;
	v51 =	vshrl.u32 v29, $0x7;
	v53 =	vshrl.u32 v30, $0x7  }
0x63: {  	v57 =	vshll.u32 v29, $0x7;
	v58 =	vand.u32 $0x7F, v30;
	v29 =	vand.u32 $0x7F, v29  }
0x64: {  	v30 =	vmul.u32 $0x1F400, v59;
	v55 =	vmul.u32 $0x1F400, v53;
	v28 =	vor.u32 v58, v57  }
0x65: {  	v32 =	vld [tilespmem:$0x4D0];
	v44 =	vshll.u32 v34, $0x7;
	v57 =	vshrl.u32 v48, $0x7;
	v58 =	vand.u32 $0x7F, v36  }
0x66: {  	v14 =	vadd.s32 v18, v14;
	v18 =	vadd.s32 v20, v60;
	v20 =	vand.u32 $0x7F, v63  }
0x67: {  	v60 =	vshll.u32 v31, $0x7;
	v31 =	vand.u32 $0x7F, v48;
	v15 =	vor.u32 v15, v14  }
0x68: {  	v56 =	vld [tilespmem:$0x2E0];
	v14 =	vadd.s32 $0xFA000, v18;
	v18 =	vadd.s32 $0xFA000, v17;
	v20 =	vor.u32 v20, v27  }
0x69: {  	v39 =	vld [tilespmem:$0x500];
	v17 =	vadd.s32 v35, v33;
	v27 =	vand.u32 $0x7F, v42;
	v20 =	vadd.s32 v26, v20  }
0x6a: {  	v19 =	vor.u32 v37, v17;
	v23 =	vor.u32 v27, v23;
	v62 =	vshrl.u32 v32, $0x7  }
0x6b: {  	v63 =	vld [tilespmem:$0x2F0];
	v26 =	vshll.u32 v49, $0x7;
	v42 =	vand.u32 $0x7F, v32;
	v17 =	vadd.s32 $0xFA000, v20  }
0x6c: {  	v20 =	vmul.u32 $0x1F400, v38;
	v33 =	vadd.s32 v50, v23;
	v23 =	vadd.s32 v60, v30  }
0x6d: {  	v35 =	vld [tilespmem:$0x4E0];
	v41 =	vshrl.u32 v56, $0x7;
	v26 =	vor.u32 v42, v26;
	v49 =	vshll.u32 v56, $0x7  }
0x6e: {  	v27 =	vand.u32 $0x7F, v56;
	v23 =	vor.u32 v61, v23;
	v61 =	vshrl.u32 v39, $0x7  }
0x6f: {  	v39 =	vand.u32 $0x7F, v39;
	v33 =	vadd.s32 $0xFA000, v33;
	v20 =	vadd.s32 v40, v20  }
0x70: {  	v43 =	vld [tilespmem:$0xF0];
	v40 =	vmul.u32 $0x1F400, v62;
	v53 =	vand.u32 $0x7F, v63;
	v30 =	vshll.u32 v63, $0x7  }
0x71: {  	v38 =	vld [tilespmem:$0x100];
	v22 =	vor.u32 v21, v20;
	v20 =	vadd.s32 $0xFA000, v24;
	v21 =	vadd.s32 v46, v25  }
0x72: {  	v25 =	vmul.u32 $0x1F400, v51;
	v45 =	vshrl.u32 v35, $0x7;
	v50 =	vand.u32 $0x7F, v35  }
0x73: {  	v51 =	vshrl.u32 v63, $0x7;
	v30 =	vor.u32 v58, v30;
	v63 =	vmul.u32 $0x1F400, v61  }
0x74: {  	v59 =	vld [tilespmem:$0x110];
	v21 =	vor.u32 v47, v21;
	v37 =	vadd.s32 v40, v26;
	v47 =	vmul.u32 $0x1F400, v45  }
0x75: {  	v42 =	vld [tilespmem:$0x120];
	v34 =	vor.u32 v50, v49;
	v35 =	vmul.u32 $0x1F400, v51;
	v54 =	vadd.s32 v52, v25  }
0x76: {  	v40 =	vld [tilespmem:$0x510];
	v52 =	vshll.u32 v43, $0x7;
	v60 =	vshll.u32 v38, $0x7;
	v37 =	vadd.s32 $0xFA000, v37  }
0x77: {  	v45 =	vld [tilespmem:$0x320];
	v24 =	vor.u32 v29, v54;
	v29 =	vadd.s32 v55, v28;
	v28 =	vmul.u32 $0x1F400, v41  }
0x78: {  	v50 =	vld [tilespmem:$0x520];
	v34 =	vadd.s32 v47, v34;
	v25 =	vadd.s32 v52, v35;
	v54 =	vshrl.u32 v36, $0x7  }
0x79: {  	v47 =	vshll.u32 v59, $0x7;
	v25 =	vor.u32 v53, v25;
	v56 =	vmul.u32 $0x1F400, v54  }
0x7a: {  	v43 =	vld [tilespmem:$0x140];
	v54 =	vshll.u32 v42, $0x7;
	v29 =	vadd.s32 $0xFA000, v29;
	v46 =	vadd.s32 v44, v28  }
0x7b: {  	[tilespmem:$0x830] =	vst v7;
	v55 =	vld [tilespmem:$0x310];
	v7 =	vadd.s32 $0xFA000, v34;
	v28 =	vmul.u32 $0x1F400, v57;
	v26 =	vor.u32 v27, v46  }
0x7c: {  	v30 =	vadd.s32 v56, v30;
	v46 =	vshll.u32 v48, $0x7;
	v49 =	vshrl.u32 v40, $0x7  }
0x7d: {  	v52 =	vshrl.u32 v45, $0x7;
	v40 =	vand.u32 $0x7F, v40;
	v58 =	vshrl.u32 v50, $0x7  }
0x7e: {  	v59 =	vshll.u32 v45, $0x7;
	v62 =	vadd.s32 v60, v28;
	v39 =	vor.u32 v39, v46  }
0x7f: {  	[tilespmem:$0xA10] =	vst v2;
	v53 =	vld [tilespmem:$0x330];
	v51 =	vmul.u32 $0x1F400, v49;
	v36 =	vmul.u32 $0x1F400, v52;
	v60 =	vmul.u32 $0x1F400, v58  }
0x80: {  	[tilespmem:$0x840] =	vst v9;
	v34 =	vld [tilespmem:$0x560];
	v9 =	vadd.s32 $0xFA000, v30;
	v2 =	vshll.u32 v43, $0x7;
	v41 =	vshrl.u32 v55, $0x7  }
0x81: {  	v28 =	vor.u32 v31, v62;
	v31 =	vadd.s32 v63, v39;
	v48 =	vand.u32 $0x7F, v55  }
0x82: {  	v57 =	vld [tilespmem:$0x530];
	v32 =	vshll.u32 v55, $0x7;
	v39 =	vand.u32 $0x7F, v50;
	v63 =	vand.u32 $0x7F, v45  }
0x83: {  	v41 =	vmul.u32 $0x1F400, v41;
	v32 =	vor.u32 v40, v32;
	v56 =	vadd.s32 v54, v36  }
0x84: {  	[tilespmem:$0xA40] =	vst v8;
	v46 =	vld [tilespmem:$0x540];
	v36 =	vor.u32 v39, v59;
	v61 =	vshrl.u32 v53, $0x7;
	v44 =	vand.u32 $0x7F, v53  }
0x85: {  	[tilespmem:$0x870] =	vst v15;
	v55 =	vld [tilespmem:$0x130];
	v49 =	vshll.u32 v53, $0x7;
	v8 =	vadd.s32 $0xFA000, v31;
	v15 =	vand.u32 $0x7F, v34  }
0x86: {  	[tilespmem:$0xA00] =	vst v0;
	v62 =	vld [tilespmem:$0x340];
	v32 =	vadd.s32 v51, v32;
	v40 =	vmul.u32 $0x1F400, v61;
	v0 =	vor.u32 v63, v56  }
0x87: {  	[tilespmem:$0x810] =	vst v3;
	v3 =	vadd.s32 v60, v36;
	v45 =	vshrl.u32 v57, $0x7;
	v50 =	vand.u32 $0x7F, v57  }
0x88: {  	[tilespmem:$0xA30] =	vst v5;
	v53 =	vld [tilespmem:$0x150];
	v27 =	vadd.s32 v47, v41;
	v47 =	vmul.u32 $0x1F400, v45;
	v5 =	vor.u32 v50, v49  }
0x89: {  	[tilespmem:$0xA60] =	vst v11;
	v54 =	vld [tilespmem:$0x550];
	v11 =	vadd.s32 $0xFA000, v32;
	v3 =	vadd.s32 $0xFA000, v3;
	v41 =	vshrl.u32 v34, $0x7  }
0x8a: {  	[tilespmem:$0x800] =	vst v1;
	v61 =	vld [tilespmem:$0x160];
	v27 =	vor.u32 v48, v27;
	v56 =	vshrl.u32 v46, $0x7;
	v60 =	vand.u32 $0x7F, v46  }
0x8b: {  	[tilespmem:$0xA90] =	vst v17;
	v63 =	vld [tilespmem:$0x360];
	v17 =	vmul.u32 $0x1F400, v41;
	v42 =	vshll.u32 v55, $0x7;
	v51 =	vshrl.u32 v62, $0x7  }
0x8c: {  	[tilespmem:$0x820] =	vst v4;
	v36 =	vld [tilespmem:$0x370];
	v4 =	vadd.s32 v47, v5;
	v55 =	vand.u32 $0x7F, v62;
	v57 =	vmul.u32 $0x1F400, v56  }
0x8d: {  	[tilespmem:$0x850] =	vst v10;
	v59 =	vshll.u32 v62, $0x7;
	v1 =	vadd.s32 v42, v40;
	v52 =	vmul.u32 $0x1F400, v51  }
0x8e: {  	[tilespmem:$0x860] =	vst v13;
	v45 =	vld [tilespmem:$0x380];
	v13 =	vor.u32 v60, v59;
	v62 =	vshll.u32 v53, $0x7;
	v30 =	vshrl.u32 v54, $0x7  }
0x8f: {  	[tilespmem:$0xA20] =	vst v6;
	v50 =	vld [tilespmem:$0x180];
	v5 =	vand.u32 $0x7F, v54;
	v4 =	vadd.s32 $0xFA000, v4;
	v1 =	vor.u32 v44, v1  }
0x90: {  	[tilespmem:$0x880] =	vst v16;
	v48 =	vld [tilespmem:$0x350];
	v10 =	vadd.s32 v57, v13;
	v13 =	vmul.u32 $0x1F400, v30;
	v38 =	vshrl.u32 v63, $0x7  }
0x91: {  	[tilespmem:$0xA50] =	vst v12;
	v40 =	vshll.u32 v61, $0x7;
	v43 =	vshll.u32 v63, $0x7;
	v44 =	vshrl.u32 v36, $0x7  }
0x92: {  	[tilespmem:$0xA70] =	vst v14;
	v39 =	vld [tilespmem:$0x170];
	v46 =	vand.u32 $0x7F, v63;
	v14 =	vshll.u32 v36, $0x7;
	v2 =	vadd.s32 v2, v52  }
0x93: {  	[tilespmem:$0xA80] =	vst v18;
	v47 =	vld [tilespmem:$0x580];
	v10 =	vadd.s32 $0xFA000, v10;
	v15 =	vor.u32 v15, v43;
	v16 =	vmul.u32 $0x1F400, v44  }
0x94: {  	[tilespmem:$0x890] =	vst v19;
	v42 =	vld [tilespmem:$0x570];
	v52 =	vshrl.u32 v45, $0x7;
	v56 =	vshll.u32 v45, $0x7;
	v57 =	vshll.u32 v50, $0x7  }
0x95: {  	[tilespmem:$0xAB0] =	vst v33;
	v53 =	vld [tilespmem:$0x390];
	v59 =	vand.u32 $0x7F, v45;
	v2 =	vor.u32 v55, v2;
	v58 =	vshrl.u32 v48, $0x7  }
0x96: {  	[tilespmem:$0x8C0] =	vst v24;
	v24 =	vld [tilespmem:$0x5A0];
	v35 =	vshll.u32 v48, $0x7;
	v6 =	vand.u32 $0x7F, v48;
	v15 =	vadd.s32 v17, v15  }
0x97: {  	[tilespmem:$0x8D0] =	vst v23;
	v51 =	vld [tilespmem:$0x190];
	v48 =	vand.u32 $0x7F, v36;
	v12 =	vmul.u32 $0x1F400, v58;
	v5 =	vor.u32 v5, v35  }
0x98: {  	[tilespmem:$0x8A0] =	vst v22;
	v61 =	vld [tilespmem:$0x1A0];
	v15 =	vadd.s32 $0xFA000, v15;
	v54 =	vshrl.u32 v47, $0x7;
	v17 =	vand.u32 $0x7F, v47  }
0x99: {  	[tilespmem:$0xAA0] =	vst v20;
	v30 =	vld [tilespmem:$0x3B0];
	v5 =	vadd.s32 v13, v5;
	v13 =	vshll.u32 v39, $0x7;
	v49 =	vshrl.u32 v42, $0x7  }
0x9a: {  	v33 =	vld [tilespmem:$0x5B0];
	[tilespmem:$0x8B0] =	vst v21;
	v18 =	vand.u32 $0x7F, v42;
	v17 =	vor.u32 v17, v56;
	v60 =	vshrl.u32 v53, $0x7  }
0x9b: {  	[tilespmem:$0x8E0] =	vst v26;
	v26 =	vshll.u32 v53, $0x7;
	v31 =	vand.u32 $0x7F, v53;
	v42 =	vand.u32 $0x7F, v24  }
0x9c: {  	[tilespmem:$0xAD0] =	vst v37;
	v12 =	vadd.s32 v62, v12;
	v5 =	vadd.s32 $0xFA000, v5;
	v13 =	vadd.s32 v13, v16  }
0x9d: {  	v19 =	vld [tilespmem:$0x5E0];
	[tilespmem:$0xAC0] =	vst v29;
	v20 =	vmul.u32 $0x1F400, v49;
	v14 =	vor.u32 v18, v14;
	v16 =	vmul.u32 $0x1F400, v52  }
0x9e: {  	[tilespmem:$0xAE0] =	vst v7;
	v55 =	vld [tilespmem:$0x590];
	v62 =	vshll.u32 v51, $0x7;
	v35 =	vshll.u32 v61, $0x7;
	v45 =	vshrl.u32 v30, $0x7  }
0x9f: {  	[tilespmem:$0x8F0] =	vst v25;
	v50 =	vshll.u32 v30, $0x7;
	v51 =	vand.u32 $0x7F, v33;
	v6 =	vor.u32 v6, v12  }
0xa0: {  	[tilespmem:$0xAF0] =	vst v9;
	v12 =	vmul.u32 $0x1F400, v38;
	v13 =	vor.u32 v48, v13;
	v38 =	vshrl.u32 v24, $0x7  }
0xa1: {  	[tilespmem:$0xB40] =	vst v10;
	v58 =	vld [tilespmem:$0x3A0];
	v47 =	vmul.u32 $0x1F400, v45;
	v48 =	vshrl.u32 v33, $0x7;
	v10 =	vor.u32 v51, v50  }
0xa2: {  	[tilespmem:$0x900] =	vst v28;
	v43 =	vld [tilespmem:$0x1C0];
	v33 =	vshrl.u32 v19, $0x7;
	v14 =	vadd.s32 v20, v14;
	v20 =	vmul.u32 $0x1F400, v54  }
0xa3: {  	[tilespmem:$0xB30] =	vst v4;
	v39 =	vld [tilespmem:$0x1B0];
	v63 =	vshrl.u32 v55, $0x7;
	v23 =	vand.u32 $0x7F, v55;
	v4 =	vmul.u32 $0x1F400, v48  }
0xa4: {  	[tilespmem:$0xB00] =	vst v8;
	v53 =	vld [tilespmem:$0x3D0];
	v54 =	vand.u32 $0x7F, v30;
	v12 =	vadd.s32 v40, v12;
	v7 =	vadd.s32 $0xFA000, v14  }
0xa5: {  	[tilespmem:$0x920] =	vst v0;
	v56 =	vld [tilespmem:$0x1D0];
	v14 =	vadd.s32 v57, v16;
	v16 =	vmul.u32 $0x1F400, v60;
	v25 =	vmul.u32 $0x1F400, v63  }
0xa6: {  	[tilespmem:$0x910] =	vst v27;
	v27 =	vld [tilespmem:$0x1F0];
	v28 =	vor.u32 v23, v26;
	v29 =	vshrl.u32 v58, $0x7;
	v37 =	vand.u32 $0x7F, v58  }
0xa7: {  	[tilespmem:$0xB10] =	vst v11;
	v40 =	vmul.u32 $0x1F400, v38;
	v41 =	vshll.u32 v58, $0x7;
	v57 =	vshll.u32 v43, $0x7  }
0xa8: {  	[tilespmem:$0xB20] =	vst v3;
	v49 =	vld [tilespmem:$0x5C0];
	v12 =	vor.u32 v46, v12;
	v17 =	vadd.s32 v20, v17;
	v9 =	vor.u32 v59, v14  }
0xa9: {  	[tilespmem:$0x930] =	vst v1;
	v32 =	vmul.u32 $0x1F400, v29;
	v44 =	vor.u32 v42, v41;
	v52 =	vshll.u32 v39, $0x7  }
0xaa: {  	[tilespmem:$0x950] =	vst v6;
	v4 =	vadd.s32 v4, v10;
	v6 =	vshll.u32 v56, $0x7;
	v21 =	vand.u32 $0x7F, v53  }
0xab: {  	[tilespmem:$0x940] =	vst v2;
	v41 =	vshll.u32 v27, $0x7;
	v14 =	vadd.s32 $0xFA000, v17;
	v16 =	vadd.s32 v62, v16  }
0xac: {  	[tilespmem:$0xB60] =	vst v15;
	v30 =	vld [tilespmem:$0x3F0];
	v8 =	vadd.s32 v25, v28;
	v1 =	vadd.s32 v40, v44;
	v2 =	vadd.s32 v52, v47  }
0xad: {  	[tilespmem:$0xB50] =	vst v5;
	v63 =	vld [tilespmem:$0x3E0];
	v4 =	vadd.s32 $0xFA000, v4;
	v58 =	vshrl.u32 v49, $0x7;
	v11 =	vand.u32 $0x7F, v49  }
0xae: {  	[tilespmem:$0x970] =	vst v13;
	v23 =	vld [tilespmem:$0x1E0];
	v62 =	vshrl.u32 v53, $0x7;
	v25 =	vshll.u32 v53, $0x7;
	v34 =	vor.u32 v31, v16  }
0xaf: {  	v46 =	vld [tilespmem:$0x3C0];
	[tilespmem:$0xB70] =	vst v7;
	v8 =	vadd.s32 $0xFA000, v8;
	v36 =	vadd.s32 v35, v32;
	v1 =	vadd.s32 $0xFA000, v1  }
0xb0: {  	v59 =	vld [tilespmem:$0x5D0];
	[tilespmem:$0x960] =	vst v12;
	v2 =	vor.u32 v54, v2;
	v12 =	vmul.u32 $0x1F400, v58;
	v10 =	vmul.u32 $0x1F400, v62  }
0xb1: {  	[tilespmem:$0x980] =	vst v9;
	v35 =	vmul.u32 $0x1F400, v33;
	v3 =	vor.u32 v37, v36;
	v39 =	vshrl.u32 v30, $0x7  }
0xb2: {  	[tilespmem:$0xB80] =	vst v14;
	v44 =	vshll.u32 v30, $0x7;
	v20 =	vadd.s32 v6, v10;
	v29 =	vshrl.u32 v63, $0x7  }
0xb3: {  	[tilespmem:$0xBB0] =	vst v4;
	v36 =	vshll.u32 v63, $0x7;
	v37 =	vshll.u32 v23, $0x7;
	v38 =	vand.u32 $0x7F, v63  }
0xb4: {  	[tilespmem:$0x990] =	vst v34;
	v40 =	vmul.u32 $0x1F400, v39;
	v55 =	vshrl.u32 v46, $0x7;
	v60 =	vshll.u32 v46, $0x7  }
0xb5: {  	[tilespmem:$0xB90] =	vst v8;
	v18 =	vand.u32 $0x7F, v46;
	v22 =	vshrl.u32 v59, $0x7;
	v26 =	vand.u32 $0x7F, v59  }
0xb6: {  	[tilespmem:$0xBA0] =	vst v1;
	v34 =	vld [tilespmem:$0x5F0];
	v0 =	vor.u32 v21, v20;
	v32 =	vmul.u32 $0x1F400, v29;
	v46 =	vand.u32 $0x7F, v30  }
0xb7: {  	[tilespmem:$0x9B0] =	vst v2;
	v5 =	vmul.u32 $0x1F400, v55;
	v61 =	vor.u32 v11, v60;
	v24 =	vmul.u32 $0x1F400, v22  }
0xb8: {  	v28 =	vor.u32 v26, v25;
	[tilespmem:$0x9D0] =	vst v0;
	v0 =	vadd.s32 v41, v40;
	v7 =	vadd.s32 v12, v61  }
0xb9: {  	[tilespmem:$0x9A0] =	vst v3;
	v12 =	vand.u32 $0x7F, v19;
	v3 =	vadd.s32 v37, v32;
	v0 =	vor.u32 v46, v0  }
0xba: {  	v5 =	vadd.s32 v57, v5;
	v7 =	vadd.s32 $0xFA000, v7;
	v31 =	vadd.s32 v24, v28;
	[tilespmem:$0x9F0] =	vst v0  }
0xbb: {  	v6 =	vor.u32 v12, v36;
	v3 =	vor.u32 v38, v3;
	v42 =	vshrl.u32 v34, $0x7;
	[tilespmem:$0xBC0] =	vst v7  }
0xbc: {  	v45 =	vand.u32 $0x7F, v34;
	v5 =	vor.u32 v18, v5;
	v43 =	vmul.u32 $0x1F400, v42;
	[tilespmem:$0x9E0] =	vst v3  }
0xbd: {  	v1 =	vadd.s32 $0xFA000, v31;
	v2 =	vadd.s32 v35, v6;
	v47 =	vor.u32 v45, v44;
	[tilespmem:$0x9C0] =	vst v5  }
0xbe: {  	v2 =	vadd.s32 $0xFA000, v2;
	[tilespmem:$0xBD0] =	vst v1;
	v1 =	vadd.s32 v43, v47  }
0xbf: {  	[tilespmem:$0xBE0] =	vst v2;
	v48 =	vadd.s32 $0xFA000, v1  }
0xc0: {  	[tilespmem:$0xBF0] =	vst v48  }
0xc1: {  	[tilespmem:s15], [sflag:$0x1] =	stream.indirect.gather [hbm4b:s3+s13], $0x1, s14, s13, $0xb8;
	[tilespmem:$0x1080] =	vst v63  }
0xc2: {  	_ = 	snop  }
0xc3: {  	[tilespmem:s17], [sflag:$0x1] =	stream.indirect.gather [hbm4b:s3+s13], $0x1, s16, s13, $0xb8;
	[tilespmem:$0x1080] =	vst v63  }
0xc4: {  	_ = 	snop  }
0xc5: {  	[tilespmem:s19], [sflag:$0x1] =	stream.indirect.gather [hbm4b:s3+s13], $0x1, s18, s13, $0xb8;
	[tilespmem:$0x1080] =	vst v63  }
0xc6: {  	_ = 	snop  }
0xc7: {  	[tilespmem:s21], [sflag:$0x1] =	stream.indirect.gather [hbm4b:s3+s13], $0x1, s20, s13, $0xb8;
	[tilespmem:$0x1080] =	vst v63  }
0xc8: {  	_ = 	snop  }
0xc9: {  	[tilespmem:s23], [sflag:$0x1] =	stream.indirect.gather [hbm4b:s3+s13], $0x1, s22, s13, $0xb8;
	[tilespmem:$0x1080] =	vst v63  }
0xca: {  	_ = 	snop  }
0xcb: {  	[tilespmem:s25], [sflag:$0x1] =	stream.indirect.gather [hbm4b:s3+s13], $0x1, s24, s13, $0xb8;
	[tilespmem:$0x1080] =	vst v63  }
0xcc: {  	_ = 	snop  }
0xcd: {  	[tilespmem:s28], [sflag:$0x1] =	stream.indirect.gather [hbm4b:s3+s13], $0x1, s26, s13, $0xb8;
	[tilespmem:$0x1080] =	vst v63  }
0xce: {  	_ = 	snop  }
0xcf: {  	[tilespmem:s30], [sflag:$0x1] =	stream.indirect.gather [hbm4b:s3+s13], $0x1, s29, s13, $0xb8;
	[tilespmem:$0x1080] =	vst v63  }
0xd0: {  	_ =	swait.ge [sflag:s31], $0x80  }
0xd1: {  	[sflag:s31] =	ssyncset.done $0x0  }
0xd2: {  	[sflag:s31] =	ssyncadd.s32 $0xFFFFFF80  }
0xd3: {  	_ =	swait.ge [sflag:s31], $0x80  }
0xd4: {  	[sflag:s31] =	ssyncset.done $0x0  }
0xd5: {  	[sflag:s31] =	ssyncadd.s32 $0xFFFFFF80  }
0xd6: {  	_ =	swait.ge [sflag:s31], $0x80  }
0xd7: {  	[sflag:s31] =	ssyncset.done $0x0  }
0xd8: {  	[sflag:s31] =	ssyncadd.s32 $0xFFFFFF80  }
0xd9: {  	_ =	swait.ge [sflag:s31], $0x80  }
0xda: {  	[sflag:s31] =	ssyncset.done $0x0  }
0xdb: {  	[sflag:s31] =	ssyncadd.s32 $0xFFFFFF80  }
0xdc: {  	_ =	swait.ge [sflag:s31], $0x80  }
0xdd: {  	[sflag:s31] =	ssyncset.done $0x0  }
0xde: {  	[sflag:s31] =	ssyncadd.s32 $0xFFFFFF80  }
0xdf: {  	_ =	swait.ge [sflag:s31], $0x80  }
0xe0: {  	[sflag:s31] =	ssyncset.done $0x0  }
0xe1: {  	[sflag:s31] =	ssyncadd.s32 $0xFFFFFF80  }
0xe2: {  	_ =	swait.ge [sflag:s31], $0x80  }
0xe3: {  	[sflag:s31] =	ssyncset.done $0x0  }
0xe4: {  	[sflag:s31] =	ssyncadd.s32 $0xFFFFFF80  }
0xe5: {  	_ =	swait.ge [sflag:s31], $0x80  }
0xe6: {  	[sflag:s31] =	ssyncset.done $0x0  }
0xe7: {  	[sflag:s31] =	ssyncadd.s32 $0xFFFFFF80  }
0xe8: {  	v49 =	vld [tilespmem:$0xC00]  }
0xe9: {  	v50 =	vld [tilespmem:$0xE00]  }
0xea: {  	v51 =	vld [tilespmem:$0x600]  }
0xeb: {  	v52 =	vld [tilespmem:$0xC10]  }
0xec: {  	v53 =	vld [tilespmem:$0xE10]  }
0xed: {  	v54 =	vld [tilespmem:$0x610]  }
0xee: {  	v55 =	vld [tilespmem:$0xC20]  }
0xef: {  	v56 =	vld [tilespmem:$0xE20]  }
0xf0: {  	v57 =	vld [tilespmem:$0x620]  }
0xf1: {  	v58 =	vld [tilespmem:$0xC30]  }
0xf2: {  	v59 =	vld [tilespmem:$0xE30]  }
0xf3: {  	v60 =	vld [tilespmem:$0x630]  }
0xf4: {  	v61 =	vld [tilespmem:$0xC40]  }
0xf5: {  	v62 =	vld [tilespmem:$0xE40]  }
0xf6: {  	v63 =	vld [tilespmem:$0x640]  }
0xf7: {  	v32 =	vld [tilespmem:$0xC50]  }
0xf8: {  	v33 =	vld [tilespmem:$0xE50]  }
0xf9: {  	v34 =	vld [tilespmem:$0x650]  }
0xfa: {  	v35 =	vld [tilespmem:$0xC60]  }
0xfb: {  	v36 =	vld [tilespmem:$0xE60]  }
0xfc: {  	v37 =	vld [tilespmem:$0x660]  }
0xfd: {  	v38 =	vld [tilespmem:$0xC70]  }
0xfe: {  	v39 =	vld [tilespmem:$0xE70]  }
0xff: {  	v40 =	vld [tilespmem:$0x670]  }
0x100: {  	v41 =	vld [tilespmem:$0xC80]  }
0x101: {  	v42 =	vld [tilespmem:$0xE80]  }
0x102: {  	v26 =	vld [tilespmem:$0x680]  }
0x103: {  	v43 =	vld [tilespmem:$0xC90]  }
0x104: {  	v44 =	vld [tilespmem:$0xE90]  }
0x105: {  	v46 =	vld [tilespmem:$0x690]  }
0x106: {  	v47 =	vld [tilespmem:$0xCA0]  }
0x107: {  	v48 =	vld [tilespmem:$0xEA0]  }
0x108: {  	v29 =	vld [tilespmem:$0xED0]  }
0x109: {  	v31 =	vld [tilespmem:$0x6D0]  }
0x10a: {  	v21 =	vld [tilespmem:$0xD50]  }
0x10b: {  	v23 =	vld [tilespmem:$0xF50]  }
0x10c: {  	v24 =	vld [tilespmem:$0x750]  }
0x10d: {  	v27 =	vld [tilespmem:$0xF60]  }
0x10e: {  	v28 =	vld [tilespmem:$0x760]  }
0x10f: {  	v0 =	vadd.f32 v50, v49;
	v45 =	vadd.f32 v53, v52;
	v50 =	vld [tilespmem:$0x6A0]  }
0x110: {  	v49 =	vadd.f32 v56, v55;
	v52 =	vadd.f32 v59, v58;
	v53 =	vld [tilespmem:$0xEB0]  }
0x111: {  	v56 =	vld [tilespmem:$0xCC0];
	v0 =	vsub.f32 v0, v51;
	v1 =	vsub.f32 v45, v54  }
0x112: {  	v55 =	vadd.f32 v62, v61;
	v61 =	vadd.f32 v33, v32;
	v62 =	vld [tilespmem:$0xCD0]  }
0x113: {  	v32 =	vld [tilespmem:$0xCE0];
	v5 =	vsub.f32 v49, v57;
	v0 =	vmul.f32 v0, v0;
	v1 =	vmul.f32 v1, v1  }
0x114: {  	v30 =	vadd.f32 v36, v35;
	v33 =	vadd.f32 v39, v38;
	v35 =	vld [tilespmem:$0x6E0]  }
0x115: {  	v38 =	vld [tilespmem:$0xCF0];
	v8 =	vsub.f32 v52, v60;
	v5 =	vmul.f32 v5, v5;
	v0 =	vadd.f32 v1, v0  }
0x116: {  	v39 =	vadd.f32 v42, v41;
	v42 =	vld [tilespmem:$0x6F0];
	v43 =	vadd.f32 v44, v43  }
0x117: {  	v44 =	vld [tilespmem:$0xD00];
	v59 =	vsub.f32 v55, v63;
	v58 =	vmul.f32 v8, v8;
	v0 =	vadd.f32 v5, v0  }
0x118: {  	v2 =	vadd.f32 v48, v47;
	v47 =	vld [tilespmem:$0xD10]  }
0x119: {  	v48 =	vld [tilespmem:$0xF10];
	v13 =	vsub.f32 v61, v34;
	v63 =	vmul.f32 v59, v59;
	v0 =	vadd.f32 v58, v0  }
0x11a: {  	v51 =	vld [tilespmem:$0xCB0]  }
0x11b: {  	v54 =	vld [tilespmem:$0x6B0];
	v15 =	vsub.f32 v30, v37;
	v13 =	vmul.f32 v13, v13;
	v0 =	vadd.f32 v63, v0  }
0x11c: {  	v57 =	vld [tilespmem:$0xEC0]  }
0x11d: {  	v60 =	vld [tilespmem:$0x6C0];
	v37 =	vsub.f32 v33, v40;
	v36 =	vmul.f32 v15, v15;
	v0 =	vadd.f32 v13, v0  }
0x11e: {  	v34 =	vld [tilespmem:$0xEE0]  }
0x11f: {  	v40 =	vld [tilespmem:$0xEF0];
	v20 =	vsub.f32 v39, v26;
	v41 =	vmul.f32 v37, v37;
	v0 =	vadd.f32 v36, v0  }
0x120: {  	v45 =	vld [tilespmem:$0xF00]  }
0x121: {  	v3 =	vsub.f32 v43, v46;
	v46 =	vld [tilespmem:$0x700];
	v20 =	vmul.f32 v20, v20;
	v0 =	vadd.f32 v41, v0  }
0x122: {  	v49 =	vld [tilespmem:$0x710];
	v2 =	vsub.f32 v2, v50  }
0x123: {  	v52 =	vld [tilespmem:$0xF20];
	v3 =	vmul.f32 v3, v3;
	v7 =	vadd.f32 v53, v51;
	v0 =	vadd.f32 v20, v0  }
0x124: {  	v55 =	vld [tilespmem:$0xF30];
	v51 =	vadd.f32 v57, v56  }
0x125: {  	v61 =	vld [tilespmem:$0xF40];
	v2 =	vmul.f32 v2, v2;
	v1 =	vsub.f32 v7, v54;
	v0 =	vadd.f32 v3, v0  }
0x126: {  	v26 =	vld [tilespmem:$0xD60];
	v8 =	vadd.f32 v29, v62  }
0x127: {  	v30 =	vld [tilespmem:$0xF70];
	v7 =	vsub.f32 v51, v60;
	v1 =	vmul.f32 v1, v1;
	v0 =	vadd.f32 v2, v0  }
0x128: {  	v33 =	vld [tilespmem:$0xD80];
	v57 =	vsub.f32 v8, v31  }
0x129: {  	v39 =	vld [tilespmem:$0x790];
	v5 =	vadd.f32 v34, v32;
	v56 =	vmul.f32 v7, v7;
	v0 =	vadd.f32 v1, v0  }
0x12a: {  	v43 =	vld [tilespmem:$0xDB0];
	v62 =	vadd.f32 v40, v38  }
0x12b: {  	v59 =	vld [tilespmem:$0xD40];
	v60 =	vmul.f32 v57, v57;
	v5 =	vsub.f32 v5, v35;
	v0 =	vadd.f32 v56, v0  }
0x12c: {  	v50 =	vld [tilespmem:$0xD20];
	v15 =	vsub.f32 v62, v42  }
0x12d: {  	v54 =	vld [tilespmem:$0xD30];
	v5 =	vmul.f32 v5, v5;
	v13 =	vadd.f32 v45, v44;
	v0 =	vadd.f32 v60, v0  }
0x12e: {  	v6 =	vadd.f32 v48, v47;
	v53 =	vld [tilespmem:$0x720]  }
0x12f: {  	v37 =	vld [tilespmem:$0xD90];
	v25 =	vmul.f32 v15, v15;
	v4 =	vsub.f32 v13, v46;
	v0 =	vadd.f32 v5, v0  }
0x130: {  	v6 =	vsub.f32 v6, v49;
	v58 =	vld [tilespmem:$0x730]  }
0x131: {  	v63 =	vld [tilespmem:$0x740];
	v4 =	vmul.f32 v4, v4;
	v3 =	vadd.f32 v52, v50;
	v0 =	vadd.f32 v25, v0  }
0x132: {  	v29 =	vld [tilespmem:$0xD70];
	v31 =	vadd.f32 v55, v54  }
0x133: {  	v47 =	vld [tilespmem:$0xDC0];
	v6 =	vmul.f32 v6, v6;
	v2 =	vsub.f32 v3, v53;
	v0 =	vadd.f32 v4, v0  }
0x134: {  	v48 =	vld [tilespmem:$0xFC0];
	v7 =	vadd.f32 v61, v59  }
0x135: {  	v38 =	vld [tilespmem:$0xF90];
	v3 =	vsub.f32 v31, v58;
	v2 =	vmul.f32 v2, v2;
	v0 =	vadd.f32 v6, v0  }
0x136: {  	v40 =	vld [tilespmem:$0xDA0];
	v7 =	vsub.f32 v7, v63  }
0x137: {  	v32 =	vld [tilespmem:$0x770];
	v36 =	vmul.f32 v3, v3;
	v1 =	vadd.f32 v23, v21;
	v0 =	vadd.f32 v2, v0  }
0x138: {  	v34 =	vld [tilespmem:$0xF80];
	v13 =	vadd.f32 v27, v26  }
0x139: {  	v49 =	vld [tilespmem:$0x7C0];
	v7 =	vmul.f32 v7, v7;
	v1 =	vsub.f32 v1, v24;
	v0 =	vadd.f32 v36, v0  }
0x13a: {  	v35 =	vld [tilespmem:$0x780];
	v4 =	vadd.f32 v30, v29  }
0x13b: {  	v41 =	vld [tilespmem:$0xFA0];
	v1 =	vmul.f32 v1, v1;
	v5 =	vsub.f32 v13, v28;
	v0 =	vadd.f32 v7, v0  }
0x13c: {  	v42 =	vld [tilespmem:$0x7A0];
	v4 =	vsub.f32 v4, v32  }
0x13d: {  	v45 =	vld [tilespmem:$0xFB0];
	v44 =	vmul.f32 v5, v5;
	v6 =	vadd.f32 v34, v33;
	v0 =	vadd.f32 v1, v0  }
0x13e: {  	v51 =	vld [tilespmem:$0xDD0];
	v3 =	vadd.f32 v38, v37  }
0x13f: {  	v46 =	vld [tilespmem:$0x7B0];
	v4 =	vmul.f32 v4, v4;
	v6 =	vsub.f32 v6, v35;
	v0 =	vadd.f32 v44, v0  }
0x140: {  	v59 =	vld [tilespmem:$0xFF0];
	v52 =	vadd.f32 v41, v40  }
0x141: {  	v53 =	vld [tilespmem:$0xFD0];
	v2 =	vsub.f32 v3, v39;
	v50 =	vmul.f32 v6, v6;
	v0 =	vadd.f32 v4, v0  }
0x142: {  	v54 =	vld [tilespmem:$0x7D0];
	v5 =	vadd.f32 v45, v43  }
0x143: {  	v55 =	vld [tilespmem:$0xDE0];
	v2 =	vmul.f32 v2, v2;
	v6 =	vsub.f32 v52, v42;
	v0 =	vadd.f32 v50, v0  }
0x144: {  	v56 =	vld [tilespmem:$0xFE0];
	v5 =	vsub.f32 v5, v46  }
0x145: {  	v58 =	vld [tilespmem:$0xDF0];
	v6 =	vmul.f32 v6, v6;
	v1 =	vadd.f32 v48, v47;
	v0 =	vadd.f32 v2, v0  }
0x146: {  	v57 =	vld [tilespmem:$0x7E0];
	v3 =	vadd.f32 v53, v51  }
0x147: {  	v5 =	vmul.f32 v5, v5;
	v1 =	vsub.f32 v1, v49;
	v0 =	vadd.f32 v6, v0  }
0x148: {  	v60 =	vld [tilespmem:$0x7F0];
	v3 =	vsub.f32 v3, v54  }
0x149: {  	v1 =	vmul.f32 v1, v1;
	v2 =	vadd.f32 v56, v55;
	v0 =	vadd.f32 v5, v0  }
0x14a: {  	v62 =	vadd.f32 v59, v58  }
0x14b: {  	v3 =	vmul.f32 v3, v3;
	v61 =	vsub.f32 v2, v57;
	v0 =	vadd.f32 v1, v0;
	_ =	sdelay $0x1  }
0x14c: {  	v2 =	vsub.f32 v62, v60;
	v1 =	vmul.f32 v61, v61;
	v0 =	vadd.f32 v3, v0;
	_ =	sdelay $0x1  }
0x14d: {  	v63 =	vmul.f32 v2, v2;
	v0 =	vadd.f32 v1, v0;
	_ =	sdelay $0x1  }
0x14e: {  	v0 =	vadd.f32 v63, v0  }
0x14f: {  	p0 =	sne.s32 s8, $0x1  }
.Ltmp0:
0x150: {  	[tilespmem:$0x1000] =	vst v0;
	(pc) =	sbr.rel @p0 .LBB2_1-.Ltmp0, $4  }
0x151: {  	[hbm4b:s7+s2] =	stream.linear.scatter [tilespmem:s0], [sflag:$0x2], $0x80, $0x38;
	[tilespmem:$0x1080] =	vst v63  }
0x152: {  	_ =	swait.ge [sflag:s9], $0x80  }
0x153: {  	[sflag:s9] =	ssyncset.done $0x0  }
0x154: {  	s8 =	sadd.s32 $0xFFFFFFFF, s8;
	[sflag:s9] =	ssyncadd.s32 $0xFFFFFF80  }
0x155: {  	_ =	sfence.sel $0x180000  }
0x156: {  	[bflag:$0x0] =	sbarrier.arrive $0xFFFF  }
0x157: {  	_ =	strace $0x90000047  }
0x158: {  	s0 =	stileid.u32;
	[bflag:$0x2] =	sbarrier.arrive $0xFFFF  }
0x159: {  	p0 =	sne.s32 s0, $0x0;
	s0 =	rddreg [dreg:$0x5]  }
0x15a: {  	s0 =	sadd.s32 @!p0 $0x100000, s0  }
0x15b: {  	[sflag:s0] =	ssyncadd.tile.s32 @!p0 $0x1;
	_ =	shalt  }
.Lfunc_end2:
_tile_overlayer_lowered:
.L_overlay_start_2:
0x15c: {  	(tag) =	ssettag $0x2  }
0x15d: {  	s0 =	rddreg [dreg:$0x0];
	s2 =	stileid.u32  }
0x15e: {  	s1 =	rddreg [dreg:$0x1];
	p0 =	sne.s32 s2, $0x0  }
0x15f: {  	s3 =	rddreg [dreg:$0x2];
	[bflag:$0x3] =	sbarrier.arrive $0xFFFF;
	s2 =	simm.s32 @!p0 $0x1C02  }
0x160: {  	[timem:s3], [sflag:s2] =	dma.local @!p0 [hbm:s0], s1  }
0x161: {  	s0 =	simm.s32 @!p0 $0x2  }
0x162: {  	_ =	swait.ge @!p0 [sflag:s0], s1  }
0x163: {  	s1 =	ssub.s32 @!p0 $0x0, s1;
	[sflag:s0] =	ssyncset.done @!p0 $0x0  }
0x164: {  	[sflag:s0] =	ssyncadd.s32 @!p0 s1  }
0x165: {  	[bflag:$0x3] =	sbarrier.arrive $0xFFFF  }
0x166: {  	_ =	shalt  }

</sc_bundles>
